<compile_context>
chip_gen: v7x
topology: tpu7x:2x2x1
jax: 0.10.2.dev20260603
libtpu: 0.0.44.dev20260713+nightly
codegen_flags: <defaults>
</compile_context>

<pallas_src>
import functools

import jax
import jax.numpy as jnp
from jax import lax
from jax.experimental import pallas as pl
from jax.experimental.pallas import tpu as pltpu
from jax.experimental.pallas import tpu_sc as plsc

N = 10000
E = 320000
D = 128
N_PAD = 10240
BLK = 512
NC = 2
NS = 16
NW = NC * NS
CHUNK = 40
NBUF = 3
L = 16
E_PER_W = E // NW
N_IT = E_PER_W // CHUNK

_SC_PARAMS = pltpu.CompilerParams(needs_layout_passes=False)
_MESH = plsc.VectorSubcoreMesh(core_axis_name="c", subcore_axis_name="s")


def _make_edge_scatter(with_deg):
  out_type = [jax.ShapeDtypeStruct((NC * N_PAD, D), jnp.float32)]
  scratch = (
      [pltpu.VMEM((2, CHUNK), jnp.int32) for _ in range(2 * NBUF)]
      + [pltpu.VMEM((CHUNK, D), jnp.float32) for _ in range(NBUF)]
      + [pltpu.SemaphoreType.DMA for _ in range(2 * NBUF)]
      + [pltpu.SemaphoreType.DMA for _ in range(2 * NBUF)]
      + [pltpu.SemaphoreType.DMA]
  )
  if with_deg:
      out_type.append(jax.ShapeDtypeStruct((NW, N_PAD), jnp.float32))
      scratch.append(pltpu.VMEM((N_PAD,), jnp.float32))
  scratch.append(pltpu.VMEM_SHARED((N_PAD, D), jnp.float32))

  @functools.partial(pl.kernel, mesh=_MESH, out_type=out_type,
                     scratch_types=scratch, compiler_params=_SC_PARAMS)
  def _edge_scatter(*args):
    NI = 2 * NBUF
    if with_deg:
        sd_hbm, m_hbm, z2_hbm, z1_hbm, out_hbm, deg_hbm, *rest = args
    else:
        sd_hbm, m_hbm, z2_hbm, out_hbm, *rest = args
    idxb = rest[:NI]
    bufs = rest[NI:NI + NBUF]
    isems = rest[NI + NBUF:2 * NI + NBUF]
    gsems = rest[2 * NI + NBUF:2 * NI + 2 * NBUF]
    ssems = rest[2 * NI + 2 * NBUF:2 * NI + 3 * NBUF]
    if with_deg:
        zsem, hist_v, agg_s = rest[2 * NI + 3 * NBUF:]
    else:
        zsem, agg_s = rest[2 * NI + 3 * NBUF:]
    cid = lax.axis_index("c")
    sid = lax.axis_index("s")
    wid = cid * NS + sid
    rows_ps = N_PAD // NS
    r0 = sid * rows_ps

    def idx_load(chunk, i):
        pltpu.async_copy(sd_hbm.at[wid, chunk], idxb[i], isems[i])

    def idx_wait(chunk, i):
        pltpu.make_async_copy(sd_hbm.at[wid, chunk], idxb[i], isems[i]).wait()

    def gather(b, i):
        pltpu.async_copy(m_hbm.at[idxb[i].at[0]], bufs[b], gsems[b])

    def gather_wait(b, i):
        pltpu.make_async_copy(m_hbm.at[idxb[i].at[0]], bufs[b],
                              gsems[b]).wait()

    def scatter(b, i):
        pltpu.async_copy(bufs[b], agg_s.at[idxb[i].at[1]], ssems[b],
                         add=True)

    def scatter_wait(b, i):
        pltpu.make_async_copy(bufs[b], agg_s.at[idxb[i].at[1]],
                              ssems[b]).wait()

    zcp = pltpu.async_copy(z2_hbm.at[pl.ds(r0, rows_ps)],
                           agg_s.at[pl.ds(r0, rows_ps)], zsem)
    for b in range(NBUF):
        idx_load(b, b)
    for b in range(NBUF - 1):
        idx_wait(b, b)
        gather(b, b)
    if with_deg:
        pltpu.sync_copy(z1_hbm, hist_v)
    zcp.wait()
    plsc.subcore_barrier()

    ones16 = jnp.full((L,), 1.0, jnp.float32)
    tailmask = lax.iota(jnp.int32, L) >= (L - CHUNK % L) if CHUNK % L else None

    def hist_chunk(ib):
        for j in range(CHUNK // L):
            plsc.addupdate_scatter(hist_v, [idxb[ib][1, pl.ds(j * L, L)]],
                                   ones16)
        if CHUNK % L:
            plsc.addupdate_scatter(hist_v,
                                   [idxb[ib][1, pl.ds(CHUNK - L, L)]],
                                   ones16, mask=tailmask)

    def visit(k, b, ib):
        b2 = (b + NBUF - 1) % NBUF
        ib_g = (ib + NBUF - 1) % NI
        ib_l = (ib + NBUF) % NI

        @pl.when(k < N_IT)
        def _():
            gather_wait(b, ib)
            scatter(b, ib)
            if with_deg:
                hist_chunk(ib)

        @pl.when((k >= 1) & (k <= N_IT))
        def _():
            scatter_wait(b2, (ib + NI - 1) % NI)

        @pl.when(k + NBUF - 1 < N_IT)
        def _():
            idx_wait(k + NBUF - 1, ib_g)
            gather(b2, ib_g)

        @pl.when(k + NBUF < N_IT)
        def _():
            idx_load(k + NBUF, ib_l)

    def round_body(r, carry):
        for j in range(NI):
            k = r * NI + j
            visit(k, j % NBUF, j)
        return carry

    n_rounds = (N_IT + NI) // NI
    lax.fori_loop(0, n_rounds, round_body, 0)
    if with_deg:
        pltpu.sync_copy(hist_v, deg_hbm.at[wid])
    plsc.subcore_barrier()

    pltpu.sync_copy(agg_s.at[pl.ds(r0, rows_ps)],
                    out_hbm.at[pl.ds(cid * N_PAD + r0, rows_ps)])

  return _edge_scatter


_edge_scatter_l1 = _make_edge_scatter(True)
_edge_scatter_l2 = _make_edge_scatter(False)


def _pre1_body(h_ref, qt_ref, qb_ref, o_ref):
    m = jnp.dot(h_ref[...], qt_ref[...], preferred_element_type=jnp.float32)
    o_ref[...] = jnp.maximum(m + qb_ref[...], 0.0)


def _mid_body(h_ref, a0_ref, a1_ref, degp_ref, w1a_ref, w1b_ref, w1b_b_ref,
              q2t_ref, q2b_ref, h1_ref, m2_ref, deg_ref):
    deg = jnp.sum(degp_ref[...], axis=0)
    hn = (a0_ref[...] + a1_ref[...]) / jnp.maximum(deg, 1.0)[:, None]
    z = jnp.dot(h_ref[...], w1a_ref[...], preferred_element_type=jnp.float32)
    z = z + jnp.dot(hn, w1b_ref[...], preferred_element_type=jnp.float32)
    z = jnp.maximum(z + w1b_b_ref[...], 0.0)
    nrm = jnp.sqrt(jnp.sum(z * z, axis=1, keepdims=True))
    h1 = z / (nrm + 1e-6)
    h1_ref[...] = h1
    m2 = jnp.dot(h1, q2t_ref[...], preferred_element_type=jnp.float32)
    m2_ref[...] = jnp.maximum(m2 + q2b_ref[...], 0.0)
    deg_ref[...] = deg


def _post_body(h1_ref, a0_ref, a1_ref, deg_ref, w2a_ref, w2b_ref, w2b_b_ref,
               gt_ref, gb_ref, gs_ref, o_ref):
    deg = deg_ref[...]
    hn = (a0_ref[...] + a1_ref[...]) / jnp.maximum(deg, 1.0)[:, None]
    z = jnp.dot(h1_ref[...], w2a_ref[...], preferred_element_type=jnp.float32)
    z = z + jnp.dot(hn, w2b_ref[...], preferred_element_type=jnp.float32)
    z = jnp.maximum(z + w2b_b_ref[...], 0.0)
    nrm = jnp.sqrt(jnp.sum(z * z, axis=1, keepdims=True))
    h2 = z / (nrm + 1e-6)
    out = jnp.dot(h2, gt_ref[...], preferred_element_type=jnp.float32)
    o_ref[...] = gs_ref[...] * jnp.maximum(out + gb_ref[...], 0.0)


def _row_spec(width):
    return pl.BlockSpec((BLK, width), lambda i: (i, 0))


def _full_spec(shape):
    return pl.BlockSpec(shape, lambda i: tuple(0 for _ in shape))


_GRID = N_PAD // BLK
_vec_spec = pl.BlockSpec((BLK,), lambda i: (i,))

_pre1 = pl.pallas_call(
    _pre1_body,
    grid=(_GRID,),
    in_specs=[_row_spec(D), _full_spec((D, D)), _full_spec((1, D))],
    out_specs=_row_spec(D),
    out_shape=jax.ShapeDtypeStruct((N, D), jnp.float32),
)

_a1_spec = pl.BlockSpec((BLK, D), lambda i: (i + _GRID, 0))

_mid = pl.pallas_call(
    _mid_body,
    grid=(_GRID,),
    in_specs=[_row_spec(D), _row_spec(D), _a1_spec,
              pl.BlockSpec((NW, BLK), lambda i: (0, i)),
              _full_spec((D, D)), _full_spec((D, D)), _full_spec((1, D)),
              _full_spec((D, D)), _full_spec((1, D))],
    out_specs=[_row_spec(D), _row_spec(D), _vec_spec],
    out_shape=[jax.ShapeDtypeStruct((N, D), jnp.float32),
               jax.ShapeDtypeStruct((N, D), jnp.float32),
               jax.ShapeDtypeStruct((N,), jnp.float32)],
)

_post = pl.pallas_call(
    _post_body,
    grid=(_GRID,),
    in_specs=[_row_spec(D), _row_spec(D), _a1_spec, _vec_spec,
              _full_spec((D, D)), _full_spec((D, D)), _full_spec((1, D)),
              _full_spec((D, D)), _full_spec((1, D)), _full_spec((1, D))],
    out_specs=_row_spec(D),
    out_shape=jax.ShapeDtypeStruct((N, D), jnp.float32),
)


@jax.jit
def kernel(g, h, Q1_w, Q1_b, W1_w, W1_b, Q2_w, Q2_b, W2_w, W2_b, G_w, G_b,
           g_scale):
    gi = g.astype(jnp.int32)
    sd4d = jnp.stack([gi[0].reshape(NW, N_IT, CHUNK),
                      gi[1].reshape(NW, N_IT, CHUNK)], axis=2)

    zeros_nd = jnp.zeros((N_PAD, D), jnp.float32)
    zeros_1d = jnp.zeros((N_PAD,), jnp.float32)

    m1 = _pre1(h, Q1_w.T, Q1_b[None, :])
    agg1, degp = _edge_scatter_l1(sd4d, m1, zeros_nd, zeros_1d)

    h1, m2, deg = _mid(h, agg1, agg1, degp,
                       W1_w[:, :D].T, W1_w[:, D:].T, W1_b[None, :],
                       Q2_w.T, Q2_b[None, :])

    agg2, = _edge_scatter_l2(sd4d, m2, zeros_nd)

    gs = jnp.broadcast_to(g_scale.astype(jnp.float32), (1, D))
    out = _post(h1, agg2, agg2, deg,
                W2_w[:, :D].T, W2_w[:, D:].T, W2_b[None, :],
                G_w.T, G_b[None, :], gs)
    return out

# --- scband reference (transcript-rebuilt; emitter-appended) ---
"""Pipeline reference for scband-pcn-28140625723488 (READ-ONLY COPY).

The authoritative reference and input builder live on the scoring server;
editing this copy changes nothing except your own understanding.
"""

import jax, jax.numpy as jnp
import numpy as np

N = 10000
E = 320000
D = 128


def setup_inputs(seed: int = 0) -> dict:
    key = jax.random.key(seed)
    ks = jax.random.split(key, 10)
    g = jax.random.randint(ks[0], (2, E), 0, N)
    h = jax.random.normal(ks[1], (N, D), dtype=jnp.float32)

    def lin_w(k, out_d, in_d):
        return jax.random.normal(k, (out_d, in_d), dtype=jnp.float32) * (1.0 / np.sqrt(in_d))

    Q1_w = lin_w(ks[2], D, D)
    Q1_b = jnp.zeros((D,), jnp.float32)
    W1_w = lin_w(ks[3], D, 2 * D)
    W1_b = jnp.zeros((D,), jnp.float32)
    Q2_w = lin_w(ks[4], D, D)
    Q2_b = jnp.zeros((D,), jnp.float32)
    W2_w = lin_w(ks[5], D, 2 * D)
    W2_b = jnp.zeros((D,), jnp.float32)
    G_w = lin_w(ks[6], D, D)
    G_b = jnp.zeros((D,), jnp.float32)
    g_scale = jnp.ones((1,), jnp.float32)
    return {"g": g, "h": h, "Q1_w": Q1_w, "Q1_b": Q1_b, "W1_w": W1_w, "W1_b": W1_b,
            "Q2_w": Q2_w, "Q2_b": Q2_b, "W2_w": W2_w, "W2_b": W2_b,
            "G_w": G_w, "G_b": G_b, "g_scale": g_scale}


def reference(g, h, Q1_w, Q1_b, W1_w, W1_b, Q2_w, Q2_b, W2_w, W2_b, G_w, G_b, g_scale):
    src = g[0]
    dst = g[1]

    def pinconv(hx, Qw, Qb, Ww, Wb):
        # PinSAGE-style conv: neighbor messages m_j = relu(Q h_j),
        # mean-aggregate over incoming edges, concat with self, project, l2-normalize.
        m = jax.nn.relu(hx @ Qw.T + Qb)
        msg = jnp.take(m, src, axis=0)
        agg = jax.ops.segment_sum(msg, dst, num_segments=N)
        deg = jax.ops.segment_sum(jnp.ones((E,), jnp.float32), dst, num_segments=N)
        h_neigh = agg / jnp.maximum(deg, 1.0)[:, None]
        z = jax.nn.relu(jnp.concatenate([hx, h_neigh], axis=1) @ Ww.T + Wb)
        zn = jnp.linalg.norm(z, axis=1, keepdims=True)
        return z / (zn + 1e-6)

    h = pinconv(h, Q1_w, Q1_b, W1_w, W1_b)
    h = pinconv(h, Q2_w, Q2_b, W2_w, W2_b)
    out = g_scale * jax.nn.relu(h @ G_w.T + G_b)
    return out

if __name__ == "__main__":
    import jax
    _d = setup_inputs()
    print(jax.jit(kernel)(*tuple(_d.values())))

</pallas_src>

<mosaic_0001>
#map = affine_map<(d0, d1) -> (0, 0, 0, 0)>
#map1 = affine_map<(d0, d1) -> (0, 0)>
#map2 = affine_map<(d0, d1) -> (0)>
module attributes {stable_mosaic.version = 14 : i64} {
  func.func @_edge_scatter(%arg0: i32, %arg1: i32, %arg2: memref<32x250x2x40xi32, #tpu.memory_space<hbm>>, %arg3: memref<10000x128xf32, #tpu.memory_space<hbm>>, %arg4: memref<10240x128xf32, #tpu.memory_space<hbm>>, %arg5: memref<10240xf32, #tpu.memory_space<hbm>>, %arg6: memref<20480x128xf32, #tpu.memory_space<hbm>>, %arg7: memref<32x10240xf32, #tpu.memory_space<hbm>>, %arg8: memref<2x40xi32, #tpu.memory_space<vmem>>, %arg9: memref<2x40xi32, #tpu.memory_space<vmem>>, %arg10: memref<2x40xi32, #tpu.memory_space<vmem>>, %arg11: memref<2x40xi32, #tpu.memory_space<vmem>>, %arg12: memref<2x40xi32, #tpu.memory_space<vmem>>, %arg13: memref<2x40xi32, #tpu.memory_space<vmem>>, %arg14: memref<40x128xf32, #tpu.memory_space<vmem>>, %arg15: memref<40x128xf32, #tpu.memory_space<vmem>>, %arg16: memref<40x128xf32, #tpu.memory_space<vmem>>, %arg17: memref<!tpu.dma_semaphore, #tpu.memory_space<semaphore_mem>>, %arg18: memref<!tpu.dma_semaphore, #tpu.memory_space<semaphore_mem>>, %arg19: memref<!tpu.dma_semaphore, #tpu.memory_space<semaphore_mem>>, %arg20: memref<!tpu.dma_semaphore, #tpu.memory_space<semaphore_mem>>, %arg21: memref<!tpu.dma_semaphore, #tpu.memory_space<semaphore_mem>>, %arg22: memref<!tpu.dma_semaphore, #tpu.memory_space<semaphore_mem>>, %arg23: memref<!tpu.dma_semaphore, #tpu.memory_space<semaphore_mem>>, %arg24: memref<!tpu.dma_semaphore, #tpu.memory_space<semaphore_mem>>, %arg25: memref<!tpu.dma_semaphore, #tpu.memory_space<semaphore_mem>>, %arg26: memref<!tpu.dma_semaphore, #tpu.memory_space<semaphore_mem>>, %arg27: memref<!tpu.dma_semaphore, #tpu.memory_space<semaphore_mem>>, %arg28: memref<!tpu.dma_semaphore, #tpu.memory_space<semaphore_mem>>, %arg29: memref<!tpu.dma_semaphore, #tpu.memory_space<semaphore_mem>>, %arg30: memref<10240xf32, #tpu.memory_space<vmem>>, %arg31: memref<10240x128xf32, #tpu.memory_space<vmem_shared>>) attributes {dimension_semantics = [#tpu.dimension_semantics<core_parallel>, #tpu.dimension_semantics<subcore_parallel>], iteration_bounds = array<i64: 2, 16>, scalar_prefetch = 0 : i64, scratch_operands = 24 : i64, tpu.core_type = #tpu.core_type<sc_vector_subcore>, window_params = [{transform_indices = #map}, {transform_indices = #map1}, {transform_indices = #map1}, {transform_indices = #map2}, {transform_indices = #map1}, {transform_indices = #map1}]} {
    %mul3A = arith.constant 16 : i32
    %mul3A_0 = arith.muli %arg0, %mul3A : i32
    %add3A = arith.addi %mul3A_0, %arg1 : i32
    %mul3A_1 = arith.constant 640 : i32
    %mul3A_2 = arith.muli %arg1, %mul3A_1 : i32
    %dma_start3A = arith.constant 0 : i32
    %dma_start3A_3 = tpu.memref_slice %arg31[%mul3A_2, %dma_start3A] : memref<10240x128xf32, #tpu.memory_space<vmem_shared>> -> memref<640x128xf32, #tpu.memory_space<vmem_shared>>
    %dma_start3A_4 = arith.constant 0 : i32
    %dma_start3A_5 = tpu.memref_slice %arg4[%mul3A_2, %dma_start3A_4] : memref<10240x128xf32, #tpu.memory_space<hbm>> -> memref<640x128xf32, #tpu.memory_space<hbm>>
    tpu.enqueue_dma source(%dma_start3A_5 : memref<640x128xf32, #tpu.memory_space<hbm>>) target(%dma_start3A_3 : memref<640x128xf32, #tpu.memory_space<vmem_shared>>) target_semaphore(%arg29 : memref<!tpu.dma_semaphore, #tpu.memory_space<semaphore_mem>>)
    %dma_start3A_6 = arith.constant 0 : i32
    %dma_start3A_7 = arith.constant 0 : i32
    %dma_start3A_8 = arith.constant 0 : i32
    %dma_start3A_9 = tpu.memref_slice %arg2[%add3A, %dma_start3A_6, %dma_start3A_7, %dma_start3A_8] : memref<32x250x2x40xi32, #tpu.memory_space<hbm>> -> memref<1x1x2x40xi32, #tpu.memory_space<hbm>>
    %dma_start3A_10 = tpu.memref_squeeze %dma_start3A_9 : memref<1x1x2x40xi32, #tpu.memory_space<hbm>> -> memref<2x40xi32, #tpu.memory_space<hbm>>
    %dma_start3A_11 = arith.constant 0 : i32
    %dma_start3A_12 = arith.constant 0 : i32
    %dma_start3A_13 = tpu.memref_slice %arg2[%add3A, %dma_start3A_6, %dma_start3A_11, %dma_start3A_12] : memref<32x250x2x40xi32, #tpu.memory_space<hbm>> -> memref<1x1x2x40xi32, #tpu.memory_space<hbm>>
    %dma_start3A_14 = tpu.memref_squeeze %dma_start3A_13 : memref<1x1x2x40xi32, #tpu.memory_space<hbm>> -> memref<2x40xi32, #tpu.memory_space<hbm>>
    tpu.enqueue_dma source(%dma_start3A_14 : memref<2x40xi32, #tpu.memory_space<hbm>>) target(%arg8 : memref<2x40xi32, #tpu.memory_space<vmem>>) target_semaphore(%arg17 : memref<!tpu.dma_semaphore, #tpu.memory_space<semaphore_mem>>)
    %dma_start3A_15 = arith.constant 1 : i32
    %dma_start3A_16 = arith.constant 0 : i32
    %dma_start3A_17 = arith.constant 0 : i32
    %dma_start3A_18 = tpu.memref_slice %arg2[%add3A, %dma_start3A_15, %dma_start3A_16, %dma_start3A_17] : memref<32x250x2x40xi32, #tpu.memory_space<hbm>> -> memref<1x1x2x40xi32, #tpu.memory_space<hbm>>
    %dma_start3A_19 = tpu.memref_squeeze %dma_start3A_18 : memref<1x1x2x40xi32, #tpu.memory_space<hbm>> -> memref<2x40xi32, #tpu.memory_space<hbm>>
    %dma_start3A_20 = arith.constant 0 : i32
    %dma_start3A_21 = arith.constant 0 : i32
    %dma_start3A_22 = tpu.memref_slice %arg2[%add3A, %dma_start3A_15, %dma_start3A_20, %dma_start3A_21] : memref<32x250x2x40xi32, #tpu.memory_space<hbm>> -> memref<1x1x2x40xi32, #tpu.memory_space<hbm>>
    %dma_start3A_23 = tpu.memref_squeeze %dma_start3A_22 : memref<1x1x2x40xi32, #tpu.memory_space<hbm>> -> memref<2x40xi32, #tpu.memory_space<hbm>>
    tpu.enqueue_dma source(%dma_start3A_23 : memref<2x40xi32, #tpu.memory_space<hbm>>) target(%arg9 : memref<2x40xi32, #tpu.memory_space<vmem>>) target_semaphore(%arg18 : memref<!tpu.dma_semaphore, #tpu.memory_space<semaphore_mem>>)
    %dma_start3A_24 = arith.constant 2 : i32
    %dma_start3A_25 = arith.constant 0 : i32
    %dma_start3A_26 = arith.constant 0 : i32
    %dma_start3A_27 = tpu.memref_slice %arg2[%add3A, %dma_start3A_24, %dma_start3A_25, %dma_start3A_26] : memref<32x250x2x40xi32, #tpu.memory_space<hbm>> -> memref<1x1x2x40xi32, #tpu.memory_space<hbm>>
    %dma_start3A_28 = tpu.memref_squeeze %dma_start3A_27 : memref<1x1x2x40xi32, #tpu.memory_space<hbm>> -> memref<2x40xi32, #tpu.memory_space<hbm>>
    %dma_start3A_29 = arith.constant 0 : i32
    %dma_start3A_30 = arith.constant 0 : i32
    %dma_start3A_31 = tpu.memref_slice %arg2[%add3A, %dma_start3A_24, %dma_start3A_29, %dma_start3A_30] : memref<32x250x2x40xi32, #tpu.memory_space<hbm>> -> memref<1x1x2x40xi32, #tpu.memory_space<hbm>>
    %dma_start3A_32 = tpu.memref_squeeze %dma_start3A_31 : memref<1x1x2x40xi32, #tpu.memory_space<hbm>> -> memref<2x40xi32, #tpu.memory_space<hbm>>
    tpu.enqueue_dma source(%dma_start3A_32 : memref<2x40xi32, #tpu.memory_space<hbm>>) target(%arg10 : memref<2x40xi32, #tpu.memory_space<vmem>>) target_semaphore(%arg19 : memref<!tpu.dma_semaphore, #tpu.memory_space<semaphore_mem>>)
    %dma_wait3A = arith.constant 0 : i32
    %dma_wait3A_33 = arith.constant 0 : i32
    %dma_wait3A_34 = arith.constant 0 : i32
    %dma_wait3A_35 = tpu.memref_slice %arg2[%add3A, %dma_wait3A, %dma_wait3A_33, %dma_wait3A_34] : memref<32x250x2x40xi32, #tpu.memory_space<hbm>> -> memref<1x1x2x40xi32, #tpu.memory_space<hbm>>
    %dma_wait3A_36 = tpu.memref_squeeze %dma_wait3A_35 : memref<1x1x2x40xi32, #tpu.memory_space<hbm>> -> memref<2x40xi32, #tpu.memory_space<hbm>>
    %dma_wait3A_37 = arith.constant 0 : i32
    %dma_wait3A_38 = arith.constant 0 : i32
    %dma_wait3A_39 = tpu.memref_slice %arg2[%add3A, %dma_wait3A, %dma_wait3A_37, %dma_wait3A_38] : memref<32x250x2x40xi32, #tpu.memory_space<hbm>> -> memref<1x1x2x40xi32, #tpu.memory_space<hbm>>
    %dma_wait3A_40 = tpu.memref_squeeze %dma_wait3A_39 : memref<1x1x2x40xi32, #tpu.memory_space<hbm>> -> memref<2x40xi32, #tpu.memory_space<hbm>>
    tpu.wait_dma2 semaphore(%arg17 : memref<!tpu.dma_semaphore, #tpu.memory_space<semaphore_mem>>) src(%dma_wait3A_40 : memref<2x40xi32, #tpu.memory_space<hbm>>) dst(%arg8 : memref<2x40xi32, #tpu.memory_space<vmem>>)
    %dma_start3A_41 = arith.constant 0 : i32
    %dma_start3A_42 = arith.constant 0 : i32
    %dma_start3A_43 = tpu.memref_slice %arg8[%dma_start3A_41, %dma_start3A_42] : memref<2x40xi32, #tpu.memory_space<vmem>> -> memref<1x40xi32, #tpu.memory_space<vmem>>
    %dma_start3A_44 = tpu.memref_squeeze %dma_start3A_43 : memref<1x40xi32, #tpu.memory_space<vmem>> -> memref<40xi32, #tpu.memory_space<vmem>>
    %dma_start3A_45 = arith.constant 0 : i32
    %dma_start3A_46 = arith.constant 0 : i32
    %dma_start3A_47 = tpu.memref_slice %arg3[%dma_start3A_45, %dma_start3A_46] : memref<10000x128xf32, #tpu.memory_space<hbm>> -> memref<10000x128xf32, #tpu.memory_space<hbm>>
    tpu.enqueue_indirect_dma source(%dma_start3A_47 : memref<10000x128xf32, #tpu.memory_space<hbm>>) target(%arg14 : memref<40x128xf32, #tpu.memory_space<vmem>>) offsets(%dma_start3A_44 : memref<40xi32, #tpu.memory_space<vmem>>) semaphore(%arg23 : memref<!tpu.dma_semaphore, #tpu.memory_space<semaphore_mem>>)
    %dma_wait3A_48 = arith.constant 1 : i32
    %dma_wait3A_49 = arith.constant 0 : i32
    %dma_wait3A_50 = arith.constant 0 : i32
    %dma_wait3A_51 = tpu.memref_slice %arg2[%add3A, %dma_wait3A_48, %dma_wait3A_49, %dma_wait3A_50] : memref<32x250x2x40xi32, #tpu.memory_space<hbm>> -> memref<1x1x2x40xi32, #tpu.memory_space<hbm>>
    %dma_wait3A_52 = tpu.memref_squeeze %dma_wait3A_51 : memref<1x1x2x40xi32, #tpu.memory_space<hbm>> -> memref<2x40xi32, #tpu.memory_space<hbm>>
    %dma_wait3A_53 = arith.constant 0 : i32
    %dma_wait3A_54 = arith.constant 0 : i32
    %dma_wait3A_55 = tpu.memref_slice %arg2[%add3A, %dma_wait3A_48, %dma_wait3A_53, %dma_wait3A_54] : memref<32x250x2x40xi32, #tpu.memory_space<hbm>> -> memref<1x1x2x40xi32, #tpu.memory_space<hbm>>
    %dma_wait3A_56 = tpu.memref_squeeze %dma_wait3A_55 : memref<1x1x2x40xi32, #tpu.memory_space<hbm>> -> memref<2x40xi32, #tpu.memory_space<hbm>>
    tpu.wait_dma2 semaphore(%arg18 : memref<!tpu.dma_semaphore, #tpu.memory_space<semaphore_mem>>) src(%dma_wait3A_56 : memref<2x40xi32, #tpu.memory_space<hbm>>) dst(%arg9 : memref<2x40xi32, #tpu.memory_space<vmem>>)
    %dma_start3A_57 = arith.constant 0 : i32
    %dma_start3A_58 = arith.constant 0 : i32
    %dma_start3A_59 = tpu.memref_slice %arg9[%dma_start3A_57, %dma_start3A_58] : memref<2x40xi32, #tpu.memory_space<vmem>> -> memref<1x40xi32, #tpu.memory_space<vmem>>
    %dma_start3A_60 = tpu.memref_squeeze %dma_start3A_59 : memref<1x40xi32, #tpu.memory_space<vmem>> -> memref<40xi32, #tpu.memory_space<vmem>>
    %dma_start3A_61 = arith.constant 0 : i32
    %dma_start3A_62 = arith.constant 0 : i32
    %dma_start3A_63 = tpu.memref_slice %arg3[%dma_start3A_61, %dma_start3A_62] : memref<10000x128xf32, #tpu.memory_space<hbm>> -> memref<10000x128xf32, #tpu.memory_space<hbm>>
    tpu.enqueue_indirect_dma source(%dma_start3A_63 : memref<10000x128xf32, #tpu.memory_space<hbm>>) target(%arg15 : memref<40x128xf32, #tpu.memory_space<vmem>>) offsets(%dma_start3A_60 : memref<40xi32, #tpu.memory_space<vmem>>) semaphore(%arg24 : memref<!tpu.dma_semaphore, #tpu.memory_space<semaphore_mem>>)
    "tpu.region"() ({
      %run_scoped3A = tpu.sem_alloc : memref<!tpu.dma_semaphore, #tpu.memory_space<semaphore_mem>>
      tpu.enqueue_dma source(%arg5 : memref<10240xf32, #tpu.memory_space<hbm>>) target(%arg30 : memref<10240xf32, #tpu.memory_space<vmem>>) target_semaphore(%run_scoped3A : memref<!tpu.dma_semaphore, #tpu.memory_space<semaphore_mem>>)
      tpu.wait_dma2 semaphore(%run_scoped3A : memref<!tpu.dma_semaphore, #tpu.memory_space<semaphore_mem>>) src(%arg5 : memref<10240xf32, #tpu.memory_space<hbm>>) dst(%arg30 : memref<10240xf32, #tpu.memory_space<vmem>>)
      tpu.yield
    }) : () -> ()
    %dma_wait3A_64 = arith.constant 0 : i32
    %dma_wait3A_65 = tpu.memref_slice %arg31[%mul3A_2, %dma_wait3A_64] : memref<10240x128xf32, #tpu.memory_space<vmem_shared>> -> memref<640x128xf32, #tpu.memory_space<vmem_shared>>
    %dma_wait3A_66 = arith.constant 0 : i32
    %dma_wait3A_67 = tpu.memref_slice %arg4[%mul3A_2, %dma_wait3A_66] : memref<10240x128xf32, #tpu.memory_space<hbm>> -> memref<640x128xf32, #tpu.memory_space<hbm>>
    tpu.wait_dma2 semaphore(%arg29 : memref<!tpu.dma_semaphore, #tpu.memory_space<semaphore_mem>>) src(%dma_wait3A_67 : memref<640x128xf32, #tpu.memory_space<hbm>>) dst(%dma_wait3A_65 : memref<640x128xf32, #tpu.memory_space<vmem_shared>>)
    %barrier3A = arith.constant 0 : index
    tpu.barrier barrier_id(%barrier3A)
    %broadcast_in_dim3A = arith.constant 1.000000e+00 : f32
    %broadcast_in_dim3A_68 = vector.broadcast %broadcast_in_dim3A : f32 to vector<16xf32>
    %iota3A = tpu.iota {dimensions = array<i32: 0>} : vector<16xi32>
    %ge3A = arith.constant 8 : i32
    %ge3A_69 = vector.broadcast %ge3A : i32 to vector<16xi32>
    %ge3A_70 = arith.cmpi sge, %iota3A, %ge3A_69 : vector<16xi32>
    %scan3A = arith.constant 0 : i32
    %scan3A_71 = arith.constant 0 : i32
    %scan3A_72 = arith.constant 42 : i32
    %scan3A_73 = arith.addi %scan3A_71, %scan3A_72 : i32
    %scan3A_74 = arith.constant 1 : i32
    scf.for %scan3A_80 = %scan3A_71 to %scan3A_73 step %scan3A_74  : i32 {
      %mul3A_81 = arith.constant 6 : i32
      %mul3A_82 = arith.muli %scan3A_80, %mul3A_81 : i32
      %add3A_83 = arith.constant 0 : i32
      %add3A_84 = arith.addi %mul3A_82, %add3A_83 : i32
      %lt3A = arith.constant 250 : i32
      %lt3A_85 = arith.cmpi slt, %add3A_84, %lt3A : i32
      %convert_element_type3A = arith.extui %lt3A_85 : i1 to i32
      %cond3A = arith.constant 0 : i32
      %cond3A_86 = arith.cmpi ne, %convert_element_type3A, %cond3A : i32
      scf.if %cond3A_86 {
        %dma_wait3A_273 = arith.constant 0 : i32
        %dma_wait3A_274 = arith.constant 0 : i32
        %dma_wait3A_275 = tpu.memref_slice %arg8[%dma_wait3A_273, %dma_wait3A_274] : memref<2x40xi32, #tpu.memory_space<vmem>> -> memref<1x40xi32, #tpu.memory_space<vmem>>
        %dma_wait3A_276 = tpu.memref_squeeze %dma_wait3A_275 : memref<1x40xi32, #tpu.memory_space<vmem>> -> memref<40xi32, #tpu.memory_space<vmem>>
        %dma_wait3A_277 = arith.constant 0 : i32
        %dma_wait3A_278 = arith.constant 0 : i32
        %dma_wait3A_279 = tpu.memref_slice %arg3[%dma_wait3A_277, %dma_wait3A_278] : memref<10000x128xf32, #tpu.memory_space<hbm>> -> memref<10000x128xf32, #tpu.memory_space<hbm>>
        tpu.wait_indirect_dma semaphore(%arg23 : memref<!tpu.dma_semaphore, #tpu.memory_space<semaphore_mem>>) src(%dma_wait3A_279 : memref<10000x128xf32, #tpu.memory_space<hbm>>) dst(%arg14 : memref<40x128xf32, #tpu.memory_space<vmem>>)
        %dma_start3A_280 = arith.constant 1 : i32
        %dma_start3A_281 = arith.constant 0 : i32
        %dma_start3A_282 = tpu.memref_slice %arg8[%dma_start3A_280, %dma_start3A_281] : memref<2x40xi32, #tpu.memory_space<vmem>> -> memref<1x40xi32, #tpu.memory_space<vmem>>
        %dma_start3A_283 = tpu.memref_squeeze %dma_start3A_282 : memref<1x40xi32, #tpu.memory_space<vmem>> -> memref<40xi32, #tpu.memory_space<vmem>>
        %dma_start3A_284 = arith.constant 0 : i32
        %dma_start3A_285 = arith.constant 0 : i32
        %dma_start3A_286 = tpu.memref_slice %arg31[%dma_start3A_284, %dma_start3A_285] : memref<10240x128xf32, #tpu.memory_space<vmem_shared>> -> memref<10240x128xf32, #tpu.memory_space<vmem_shared>>
        tpu.enqueue_indirect_dma source(%arg14 : memref<40x128xf32, #tpu.memory_space<vmem>>) target(%dma_start3A_286 : memref<10240x128xf32, #tpu.memory_space<vmem_shared>>) offsets(%dma_start3A_283 : memref<40xi32, #tpu.memory_space<vmem>>) semaphore(%arg26 : memref<!tpu.dma_semaphore, #tpu.memory_space<semaphore_mem>>) {add = true}
        %get3A = arith.constant 1 : i32
        %get3A_287 = arith.index_cast %get3A : i32 to index
        %get3A_288 = arith.constant 0 : index
        %get3A_289 = tpu.vector_load %arg8[%get3A_287, %get3A_288] {strides = array<i32>} : memref<2x40xi32, #tpu.memory_space<vmem>>, vector<16xi32>,
        tpu.vector_store_idx %arg30[%get3A_289], %broadcast_in_dim3A_68 {add = true} : memref<10240xf32, #tpu.memory_space<vmem>>[vector<16xi32>], vector<16xf32>,
        %get3A_290 = arith.constant 1 : i32
        %get3A_291 = arith.index_cast %get3A_290 : i32 to index
        %get3A_292 = arith.constant 16 : index
        %get3A_293 = tpu.vector_load %arg8[%get3A_291, %get3A_292] {strides = array<i32>} : memref<2x40xi32, #tpu.memory_space<vmem>>, vector<16xi32>,
        tpu.vector_store_idx %arg30[%get3A_293], %broadcast_in_dim3A_68 {add = true} : memref<10240xf32, #tpu.memory_space<vmem>>[vector<16xi32>], vector<16xf32>,
        %get3A_294 = arith.constant 1 : i32
        %get3A_295 = arith.index_cast %get3A_294 : i32 to index
        %get3A_296 = arith.constant 24 : index
        %get3A_297 = tpu.vector_load %arg8[%get3A_295, %get3A_296] {strides = array<i32>} : memref<2x40xi32, #tpu.memory_space<vmem>>, vector<16xi32>,
        tpu.vector_store_idx %arg30[%get3A_297], %broadcast_in_dim3A_68 masked %ge3A_70 {add = true} : memref<10240xf32, #tpu.memory_space<vmem>>[vector<16xi32>], vector<16xf32>, vector<16xi1>
      } else {
      }
      %ge3A_87 = arith.constant 1 : i32
      %ge3A_88 = arith.cmpi sge, %add3A_84, %ge3A_87 : i32
      %le3A = arith.constant 250 : i32
      %le3A_89 = arith.cmpi sle, %add3A_84, %le3A : i32
      %and3A = arith.andi %ge3A_88, %le3A_89 : i1
      %convert_element_type3A_90 = arith.extui %and3A : i1 to i32
      %cond3A_91 = arith.constant 0 : i32
      %cond3A_92 = arith.cmpi ne, %convert_element_type3A_90, %cond3A_91 : i32
      scf.if %cond3A_92 {
        %dma_wait3A_273 = arith.constant 1 : i32
        %dma_wait3A_274 = arith.constant 0 : i32
        %dma_wait3A_275 = tpu.memref_slice %arg13[%dma_wait3A_273, %dma_wait3A_274] : memref<2x40xi32, #tpu.memory_space<vmem>> -> memref<1x40xi32, #tpu.memory_space<vmem>>
        %dma_wait3A_276 = tpu.memref_squeeze %dma_wait3A_275 : memref<1x40xi32, #tpu.memory_space<vmem>> -> memref<40xi32, #tpu.memory_space<vmem>>
        %dma_wait3A_277 = arith.constant 0 : i32
        %dma_wait3A_278 = arith.constant 0 : i32
        %dma_wait3A_279 = tpu.memref_slice %arg31[%dma_wait3A_277, %dma_wait3A_278] : memref<10240x128xf32, #tpu.memory_space<vmem_shared>> -> memref<10240x128xf32, #tpu.memory_space<vmem_shared>>
        tpu.wait_indirect_dma semaphore(%arg28 : memref<!tpu.dma_semaphore, #tpu.memory_space<semaphore_mem>>) src(%arg16 : memref<40x128xf32, #tpu.memory_space<vmem>>) dst(%dma_wait3A_279 : memref<10240x128xf32, #tpu.memory_space<vmem_shared>>)
      } else {
      }
      %add3A_93 = arith.constant 3 : i32
      %add3A_94 = arith.addi %add3A_84, %add3A_93 : i32
      %sub3A = arith.constant 1 : i32
      %sub3A_95 = arith.subi %add3A_94, %sub3A : i32
      %lt3A_96 = arith.constant 250 : i32
      %lt3A_97 = arith.cmpi slt, %sub3A_95, %lt3A_96 : i32
      %convert_element_type3A_98 = arith.extui %lt3A_97 : i1 to i32
      %cond3A_99 = arith.constant 0 : i32
      %cond3A_100 = arith.cmpi ne, %convert_element_type3A_98, %cond3A_99 : i32
      scf.if %cond3A_100 {
        %add3A_273 = arith.constant 3 : i32
        %add3A_274 = arith.addi %add3A_84, %add3A_273 : i32
        %sub3A_275 = arith.constant 1 : i32
        %sub3A_276 = arith.subi %add3A_274, %sub3A_275 : i32
        %dma_wait3A_277 = arith.constant 0 : i32
        %dma_wait3A_278 = arith.constant 0 : i32
        %dma_wait3A_279 = tpu.memref_slice %arg2[%add3A, %sub3A_276, %dma_wait3A_277, %dma_wait3A_278] : memref<32x250x2x40xi32, #tpu.memory_space<hbm>> -> memref<1x1x2x40xi32, #tpu.memory_space<hbm>>
        %dma_wait3A_280 = tpu.memref_squeeze %dma_wait3A_279 : memref<1x1x2x40xi32, #tpu.memory_space<hbm>> -> memref<2x40xi32, #tpu.memory_space<hbm>>
        %dma_wait3A_281 = arith.constant 0 : i32
        %dma_wait3A_282 = arith.constant 0 : i32
        %dma_wait3A_283 = tpu.memref_slice %arg2[%add3A, %sub3A_276, %dma_wait3A_281, %dma_wait3A_282] : memref<32x250x2x40xi32, #tpu.memory_space<hbm>> -> memref<1x1x2x40xi32, #tpu.memory_space<hbm>>
        %dma_wait3A_284 = tpu.memref_squeeze %dma_wait3A_283 : memref<1x1x2x40xi32, #tpu.memory_space<hbm>> -> memref<2x40xi32, #tpu.memory_space<hbm>>
        tpu.wait_dma2 semaphore(%arg19 : memref<!tpu.dma_semaphore, #tpu.memory_space<semaphore_mem>>) src(%dma_wait3A_284 : memref<2x40xi32, #tpu.memory_space<hbm>>) dst(%arg10 : memref<2x40xi32, #tpu.memory_space<vmem>>)
        %dma_start3A_285 = arith.constant 0 : i32
        %dma_start3A_286 = arith.constant 0 : i32
        %dma_start3A_287 = tpu.memref_slice %arg10[%dma_start3A_285, %dma_start3A_286] : memref<2x40xi32, #tpu.memory_space<vmem>> -> memref<1x40xi32, #tpu.memory_space<vmem>>
        %dma_start3A_288 = tpu.memref_squeeze %dma_start3A_287 : memref<1x40xi32, #tpu.memory_space<vmem>> -> memref<40xi32, #tpu.memory_space<vmem>>
        %dma_start3A_289 = arith.constant 0 : i32
        %dma_start3A_290 = arith.constant 0 : i32
        %dma_start3A_291 = tpu.memref_slice %arg3[%dma_start3A_289, %dma_start3A_290] : memref<10000x128xf32, #tpu.memory_space<hbm>> -> memref<10000x128xf32, #tpu.memory_space<hbm>>
        tpu.enqueue_indirect_dma source(%dma_start3A_291 : memref<10000x128xf32, #tpu.memory_space<hbm>>) target(%arg16 : memref<40x128xf32, #tpu.memory_space<vmem>>) offsets(%dma_start3A_288 : memref<40xi32, #tpu.memory_space<vmem>>) semaphore(%arg25 : memref<!tpu.dma_semaphore, #tpu.memory_space<semaphore_mem>>)
      } else {
      }
      %add3A_101 = arith.constant 3 : i32
      %add3A_102 = arith.addi %add3A_84, %add3A_101 : i32
      %lt3A_103 = arith.constant 250 : i32
      %lt3A_104 = arith.cmpi slt, %add3A_102, %lt3A_103 : i32
      %convert_element_type3A_105 = arith.extui %lt3A_104 : i1 to i32
      %cond3A_106 = arith.constant 0 : i32
      %cond3A_107 = arith.cmpi ne, %convert_element_type3A_105, %cond3A_106 : i32
      scf.if %cond3A_107 {
        %add3A_273 = arith.constant 3 : i32
        %add3A_274 = arith.addi %add3A_84, %add3A_273 : i32
        %dma_start3A_275 = arith.constant 0 : i32
        %dma_start3A_276 = arith.constant 0 : i32
        %dma_start3A_277 = tpu.memref_slice %arg2[%add3A, %add3A_274, %dma_start3A_275, %dma_start3A_276] : memref<32x250x2x40xi32, #tpu.memory_space<hbm>> -> memref<1x1x2x40xi32, #tpu.memory_space<hbm>>
        %dma_start3A_278 = tpu.memref_squeeze %dma_start3A_277 : memref<1x1x2x40xi32, #tpu.memory_space<hbm>> -> memref<2x40xi32, #tpu.memory_space<hbm>>
        %dma_start3A_279 = arith.constant 0 : i32
        %dma_start3A_280 = arith.constant 0 : i32
        %dma_start3A_281 = tpu.memref_slice %arg2[%add3A, %add3A_274, %dma_start3A_279, %dma_start3A_280] : memref<32x250x2x40xi32, #tpu.memory_space<hbm>> -> memref<1x1x2x40xi32, #tpu.memory_space<hbm>>
        %dma_start3A_282 = tpu.memref_squeeze %dma_start3A_281 : memref<1x1x2x40xi32, #tpu.memory_space<hbm>> -> memref<2x40xi32, #tpu.memory_space<hbm>>
        tpu.enqueue_dma source(%dma_start3A_282 : memref<2x40xi32, #tpu.memory_space<hbm>>) target(%arg11 : memref<2x40xi32, #tpu.memory_space<vmem>>) target_semaphore(%arg20 : memref<!tpu.dma_semaphore, #tpu.memory_space<semaphore_mem>>)
      } else {
      }
      %mul3A_108 = arith.constant 6 : i32
      %mul3A_109 = arith.muli %scan3A_80, %mul3A_108 : i32
      %add3A_110 = arith.constant 1 : i32
      %add3A_111 = arith.addi %mul3A_109, %add3A_110 : i32
      %lt3A_112 = arith.constant 250 : i32
      %lt3A_113 = arith.cmpi slt, %add3A_111, %lt3A_112 : i32
      %convert_element_type3A_114 = arith.extui %lt3A_113 : i1 to i32
      %cond3A_115 = arith.constant 0 : i32
      %cond3A_116 = arith.cmpi ne, %convert_element_type3A_114, %cond3A_115 : i32
      scf.if %cond3A_116 {
        %dma_wait3A_273 = arith.constant 0 : i32
        %dma_wait3A_274 = arith.constant 0 : i32
        %dma_wait3A_275 = tpu.memref_slice %arg9[%dma_wait3A_273, %dma_wait3A_274] : memref<2x40xi32, #tpu.memory_space<vmem>> -> memref<1x40xi32, #tpu.memory_space<vmem>>
        %dma_wait3A_276 = tpu.memref_squeeze %dma_wait3A_275 : memref<1x40xi32, #tpu.memory_space<vmem>> -> memref<40xi32, #tpu.memory_space<vmem>>
        %dma_wait3A_277 = arith.constant 0 : i32
        %dma_wait3A_278 = arith.constant 0 : i32
        %dma_wait3A_279 = tpu.memref_slice %arg3[%dma_wait3A_277, %dma_wait3A_278] : memref<10000x128xf32, #tpu.memory_space<hbm>> -> memref<10000x128xf32, #tpu.memory_space<hbm>>
        tpu.wait_indirect_dma semaphore(%arg24 : memref<!tpu.dma_semaphore, #tpu.memory_space<semaphore_mem>>) src(%dma_wait3A_279 : memref<10000x128xf32, #tpu.memory_space<hbm>>) dst(%arg15 : memref<40x128xf32, #tpu.memory_space<vmem>>)
        %dma_start3A_280 = arith.constant 1 : i32
        %dma_start3A_281 = arith.constant 0 : i32
        %dma_start3A_282 = tpu.memref_slice %arg9[%dma_start3A_280, %dma_start3A_281] : memref<2x40xi32, #tpu.memory_space<vmem>> -> memref<1x40xi32, #tpu.memory_space<vmem>>
        %dma_start3A_283 = tpu.memref_squeeze %dma_start3A_282 : memref<1x40xi32, #tpu.memory_space<vmem>> -> memref<40xi32, #tpu.memory_space<vmem>>
        %dma_start3A_284 = arith.constant 0 : i32
        %dma_start3A_285 = arith.constant 0 : i32
        %dma_start3A_286 = tpu.memref_slice %arg31[%dma_start3A_284, %dma_start3A_285] : memref<10240x128xf32, #tpu.memory_space<vmem_shared>> -> memref<10240x128xf32, #tpu.memory_space<vmem_shared>>
        tpu.enqueue_indirect_dma source(%arg15 : memref<40x128xf32, #tpu.memory_space<vmem>>) target(%dma_start3A_286 : memref<10240x128xf32, #tpu.memory_space<vmem_shared>>) offsets(%dma_start3A_283 : memref<40xi32, #tpu.memory_space<vmem>>) semaphore(%arg27 : memref<!tpu.dma_semaphore, #tpu.memory_space<semaphore_mem>>) {add = true}
        %get3A = arith.constant 1 : i32
        %get3A_287 = arith.index_cast %get3A : i32 to index
        %get3A_288 = arith.constant 0 : index
        %get3A_289 = tpu.vector_load %arg9[%get3A_287, %get3A_288] {strides = array<i32>} : memref<2x40xi32, #tpu.memory_space<vmem>>, vector<16xi32>,
        tpu.vector_store_idx %arg30[%get3A_289], %broadcast_in_dim3A_68 {add = true} : memref<10240xf32, #tpu.memory_space<vmem>>[vector<16xi32>], vector<16xf32>,
        %get3A_290 = arith.constant 1 : i32
        %get3A_291 = arith.index_cast %get3A_290 : i32 to index
        %get3A_292 = arith.constant 16 : index
        %get3A_293 = tpu.vector_load %arg9[%get3A_291, %get3A_292] {strides = array<i32>} : memref<2x40xi32, #tpu.memory_space<vmem>>, vector<16xi32>,
        tpu.vector_store_idx %arg30[%get3A_293], %broadcast_in_dim3A_68 {add = true} : memref<10240xf32, #tpu.memory_space<vmem>>[vector<16xi32>], vector<16xf32>,
        %get3A_294 = arith.constant 1 : i32
        %get3A_295 = arith.index_cast %get3A_294 : i32 to index
        %get3A_296 = arith.constant 24 : index
        %get3A_297 = tpu.vector_load %arg9[%get3A_295, %get3A_296] {strides = array<i32>} : memref<2x40xi32, #tpu.memory_space<vmem>>, vector<16xi32>,
        tpu.vector_store_idx %arg30[%get3A_297], %broadcast_in_dim3A_68 masked %ge3A_70 {add = true} : memref<10240xf32, #tpu.memory_space<vmem>>[vector<16xi32>], vector<16xf32>, vector<16xi1>
      } else {
      }
      %ge3A_117 = arith.constant 1 : i32
      %ge3A_118 = arith.cmpi sge, %add3A_111, %ge3A_117 : i32
      %le3A_119 = arith.constant 250 : i32
      %le3A_120 = arith.cmpi sle, %add3A_111, %le3A_119 : i32
      %and3A_121 = arith.andi %ge3A_118, %le3A_120 : i1
      %convert_element_type3A_122 = arith.extui %and3A_121 : i1 to i32
      %cond3A_123 = arith.constant 0 : i32
      %cond3A_124 = arith.cmpi ne, %convert_element_type3A_122, %cond3A_123 : i32
      scf.if %cond3A_124 {
        %dma_wait3A_273 = arith.constant 1 : i32
        %dma_wait3A_274 = arith.constant 0 : i32
        %dma_wait3A_275 = tpu.memref_slice %arg8[%dma_wait3A_273, %dma_wait3A_274] : memref<2x40xi32, #tpu.memory_space<vmem>> -> memref<1x40xi32, #tpu.memory_space<vmem>>
        %dma_wait3A_276 = tpu.memref_squeeze %dma_wait3A_275 : memref<1x40xi32, #tpu.memory_space<vmem>> -> memref<40xi32, #tpu.memory_space<vmem>>
        %dma_wait3A_277 = arith.constant 0 : i32
        %dma_wait3A_278 = arith.constant 0 : i32
        %dma_wait3A_279 = tpu.memref_slice %arg31[%dma_wait3A_277, %dma_wait3A_278] : memref<10240x128xf32, #tpu.memory_space<vmem_shared>> -> memref<10240x128xf32, #tpu.memory_space<vmem_shared>>
        tpu.wait_indirect_dma semaphore(%arg26 : memref<!tpu.dma_semaphore, #tpu.memory_space<semaphore_mem>>) src(%arg14 : memref<40x128xf32, #tpu.memory_space<vmem>>) dst(%dma_wait3A_279 : memref<10240x128xf32, #tpu.memory_space<vmem_shared>>)
      } else {
      }
      %add3A_125 = arith.constant 3 : i32
      %add3A_126 = arith.addi %add3A_111, %add3A_125 : i32
      %sub3A_127 = arith.constant 1 : i32
      %sub3A_128 = arith.subi %add3A_126, %sub3A_127 : i32
      %lt3A_129 = arith.constant 250 : i32
      %lt3A_130 = arith.cmpi slt, %sub3A_128, %lt3A_129 : i32
      %convert_element_type3A_131 = arith.extui %lt3A_130 : i1 to i32
      %cond3A_132 = arith.constant 0 : i32
      %cond3A_133 = arith.cmpi ne, %convert_element_type3A_131, %cond3A_132 : i32
      scf.if %cond3A_133 {
        %add3A_273 = arith.constant 3 : i32
        %add3A_274 = arith.addi %add3A_111, %add3A_273 : i32
        %sub3A_275 = arith.constant 1 : i32
        %sub3A_276 = arith.subi %add3A_274, %sub3A_275 : i32
        %dma_wait3A_277 = arith.constant 0 : i32
        %dma_wait3A_278 = arith.constant 0 : i32
        %dma_wait3A_279 = tpu.memref_slice %arg2[%add3A, %sub3A_276, %dma_wait3A_277, %dma_wait3A_278] : memref<32x250x2x40xi32, #tpu.memory_space<hbm>> -> memref<1x1x2x40xi32, #tpu.memory_space<hbm>>
        %dma_wait3A_280 = tpu.memref_squeeze %dma_wait3A_279 : memref<1x1x2x40xi32, #tpu.memory_space<hbm>> -> memref<2x40xi32, #tpu.memory_space<hbm>>
        %dma_wait3A_281 = arith.constant 0 : i32
        %dma_wait3A_282 = arith.constant 0 : i32
        %dma_wait3A_283 = tpu.memref_slice %arg2[%add3A, %sub3A_276, %dma_wait3A_281, %dma_wait3A_282] : memref<32x250x2x40xi32, #tpu.memory_space<hbm>> -> memref<1x1x2x40xi32, #tpu.memory_space<hbm>>
        %dma_wait3A_284 = tpu.memref_squeeze %dma_wait3A_283 : memref<1x1x2x40xi32, #tpu.memory_space<hbm>> -> memref<2x40xi32, #tpu.memory_space<hbm>>
        tpu.wait_dma2 semaphore(%arg20 : memref<!tpu.dma_semaphore, #tpu.memory_space<semaphore_mem>>) src(%dma_wait3A_284 : memref<2x40xi32, #tpu.memory_space<hbm>>) dst(%arg11 : memref<2x40xi32, #tpu.memory_space<vmem>>)
        %dma_start3A_285 = arith.constant 0 : i32
        %dma_start3A_286 = arith.constant 0 : i32
        %dma_start3A_287 = tpu.memref_slice %arg11[%dma_start3A_285, %dma_start3A_286] : memref<2x40xi32, #tpu.memory_space<vmem>> -> memref<1x40xi32, #tpu.memory_space<vmem>>
        %dma_start3A_288 = tpu.memref_squeeze %dma_start3A_287 : memref<1x40xi32, #tpu.memory_space<vmem>> -> memref<40xi32, #tpu.memory_space<vmem>>
        %dma_start3A_289 = arith.constant 0 : i32
        %dma_start3A_290 = arith.constant 0 : i32
        %dma_start3A_291 = tpu.memref_slice %arg3[%dma_start3A_289, %dma_start3A_290] : memref<10000x128xf32, #tpu.memory_space<hbm>> -> memref<10000x128xf32, #tpu.memory_space<hbm>>
        tpu.enqueue_indirect_dma source(%dma_start3A_291 : memref<10000x128xf32, #tpu.memory_space<hbm>>) target(%arg14 : memref<40x128xf32, #tpu.memory_space<vmem>>) offsets(%dma_start3A_288 : memref<40xi32, #tpu.memory_space<vmem>>) semaphore(%arg23 : memref<!tpu.dma_semaphore, #tpu.memory_space<semaphore_mem>>)
      } else {
      }
      %add3A_134 = arith.constant 3 : i32
      %add3A_135 = arith.addi %add3A_111, %add3A_134 : i32
      %lt3A_136 = arith.constant 250 : i32
      %lt3A_137 = arith.cmpi slt, %add3A_135, %lt3A_136 : i32
      %convert_element_type3A_138 = arith.extui %lt3A_137 : i1 to i32
      %cond3A_139 = arith.constant 0 : i32
      %cond3A_140 = arith.cmpi ne, %convert_element_type3A_138, %cond3A_139 : i32
      scf.if %cond3A_140 {
        %add3A_273 = arith.constant 3 : i32
        %add3A_274 = arith.addi %add3A_111, %add3A_273 : i32
        %dma_start3A_275 = arith.constant 0 : i32
        %dma_start3A_276 = arith.constant 0 : i32
        %dma_start3A_277 = tpu.memref_slice %arg2[%add3A, %add3A_274, %dma_start3A_275, %dma_start3A_276] : memref<32x250x2x40xi32, #tpu.memory_space<hbm>> -> memref<1x1x2x40xi32, #tpu.memory_space<hbm>>
        %dma_start3A_278 = tpu.memref_squeeze %dma_start3A_277 : memref<1x1x2x40xi32, #tpu.memory_space<hbm>> -> memref<2x40xi32, #tpu.memory_space<hbm>>
        %dma_start3A_279 = arith.constant 0 : i32
        %dma_start3A_280 = arith.constant 0 : i32
        %dma_start3A_281 = tpu.memref_slice %arg2[%add3A, %add3A_274, %dma_start3A_279, %dma_start3A_280] : memref<32x250x2x40xi32, #tpu.memory_space<hbm>> -> memref<1x1x2x40xi32, #tpu.memory_space<hbm>>
        %dma_start3A_282 = tpu.memref_squeeze %dma_start3A_281 : memref<1x1x2x40xi32, #tpu.memory_space<hbm>> -> memref<2x40xi32, #tpu.memory_space<hbm>>
        tpu.enqueue_dma source(%dma_start3A_282 : memref<2x40xi32, #tpu.memory_space<hbm>>) target(%arg12 : memref<2x40xi32, #tpu.memory_space<vmem>>) target_semaphore(%arg21 : memref<!tpu.dma_semaphore, #tpu.memory_space<semaphore_mem>>)
      } else {
      }
      %mul3A_141 = arith.constant 6 : i32
      %mul3A_142 = arith.muli %scan3A_80, %mul3A_141 : i32
      %add3A_143 = arith.constant 2 : i32
      %add3A_144 = arith.addi %mul3A_142, %add3A_143 : i32
      %lt3A_145 = arith.constant 250 : i32
      %lt3A_146 = arith.cmpi slt, %add3A_144, %lt3A_145 : i32
      %convert_element_type3A_147 = arith.extui %lt3A_146 : i1 to i32
      %cond3A_148 = arith.constant 0 : i32
      %cond3A_149 = arith.cmpi ne, %convert_element_type3A_147, %cond3A_148 : i32
      scf.if %cond3A_149 {
        %dma_wait3A_273 = arith.constant 0 : i32
        %dma_wait3A_274 = arith.constant 0 : i32
        %dma_wait3A_275 = tpu.memref_slice %arg10[%dma_wait3A_273, %dma_wait3A_274] : memref<2x40xi32, #tpu.memory_space<vmem>> -> memref<1x40xi32, #tpu.memory_space<vmem>>
        %dma_wait3A_276 = tpu.memref_squeeze %dma_wait3A_275 : memref<1x40xi32, #tpu.memory_space<vmem>> -> memref<40xi32, #tpu.memory_space<vmem>>
        %dma_wait3A_277 = arith.constant 0 : i32
        %dma_wait3A_278 = arith.constant 0 : i32
        %dma_wait3A_279 = tpu.memref_slice %arg3[%dma_wait3A_277, %dma_wait3A_278] : memref<10000x128xf32, #tpu.memory_space<hbm>> -> memref<10000x128xf32, #tpu.memory_space<hbm>>
        tpu.wait_indirect_dma semaphore(%arg25 : memref<!tpu.dma_semaphore, #tpu.memory_space<semaphore_mem>>) src(%dma_wait3A_279 : memref<10000x128xf32, #tpu.memory_space<hbm>>) dst(%arg16 : memref<40x128xf32, #tpu.memory_space<vmem>>)
        %dma_start3A_280 = arith.constant 1 : i32
        %dma_start3A_281 = arith.constant 0 : i32
        %dma_start3A_282 = tpu.memref_slice %arg10[%dma_start3A_280, %dma_start3A_281] : memref<2x40xi32, #tpu.memory_space<vmem>> -> memref<1x40xi32, #tpu.memory_space<vmem>>
        %dma_start3A_283 = tpu.memref_squeeze %dma_start3A_282 : memref<1x40xi32, #tpu.memory_space<vmem>> -> memref<40xi32, #tpu.memory_space<vmem>>
        %dma_start3A_284 = arith.constant 0 : i32
        %dma_start3A_285 = arith.constant 0 : i32
        %dma_start3A_286 = tpu.memref_slice %arg31[%dma_start3A_284, %dma_start3A_285] : memref<10240x128xf32, #tpu.memory_space<vmem_shared>> -> memref<10240x128xf32, #tpu.memory_space<vmem_shared>>
        tpu.enqueue_indirect_dma source(%arg16 : memref<40x128xf32, #tpu.memory_space<vmem>>) target(%dma_start3A_286 : memref<10240x128xf32, #tpu.memory_space<vmem_shared>>) offsets(%dma_start3A_283 : memref<40xi32, #tpu.memory_space<vmem>>) semaphore(%arg28 : memref<!tpu.dma_semaphore, #tpu.memory_space<semaphore_mem>>) {add = true}
        %get3A = arith.constant 1 : i32
        %get3A_287 = arith.index_cast %get3A : i32 to index
        %get3A_288 = arith.constant 0 : index
        %get3A_289 = tpu.vector_load %arg10[%get3A_287, %get3A_288] {strides = array<i32>} : memref<2x40xi32, #tpu.memory_space<vmem>>, vector<16xi32>,
        tpu.vector_store_idx %arg30[%get3A_289], %broadcast_in_dim3A_68 {add = true} : memref<10240xf32, #tpu.memory_space<vmem>>[vector<16xi32>], vector<16xf32>,
        %get3A_290 = arith.constant 1 : i32
        %get3A_291 = arith.index_cast %get3A_290 : i32 to index
        %get3A_292 = arith.constant 16 : index
        %get3A_293 = tpu.vector_load %arg10[%get3A_291, %get3A_292] {strides = array<i32>} : memref<2x40xi32, #tpu.memory_space<vmem>>, vector<16xi32>,
        tpu.vector_store_idx %arg30[%get3A_293], %broadcast_in_dim3A_68 {add = true} : memref<10240xf32, #tpu.memory_space<vmem>>[vector<16xi32>], vector<16xf32>,
        %get3A_294 = arith.constant 1 : i32
        %get3A_295 = arith.index_cast %get3A_294 : i32 to index
        %get3A_296 = arith.constant 24 : index
        %get3A_297 = tpu.vector_load %arg10[%get3A_295, %get3A_296] {strides = array<i32>} : memref<2x40xi32, #tpu.memory_space<vmem>>, vector<16xi32>,
        tpu.vector_store_idx %arg30[%get3A_297], %broadcast_in_dim3A_68 masked %ge3A_70 {add = true} : memref<10240xf32, #tpu.memory_space<vmem>>[vector<16xi32>], vector<16xf32>, vector<16xi1>
      } else {
      }
      %ge3A_150 = arith.constant 1 : i32
      %ge3A_151 = arith.cmpi sge, %add3A_144, %ge3A_150 : i32
      %le3A_152 = arith.constant 250 : i32
      %le3A_153 = arith.cmpi sle, %add3A_144, %le3A_152 : i32
      %and3A_154 = arith.andi %ge3A_151, %le3A_153 : i1
      %convert_element_type3A_155 = arith.extui %and3A_154 : i1 to i32
      %cond3A_156 = arith.constant 0 : i32
      %cond3A_157 = arith.cmpi ne, %convert_element_type3A_155, %cond3A_156 : i32
      scf.if %cond3A_157 {
        %dma_wait3A_273 = arith.constant 1 : i32
        %dma_wait3A_274 = arith.constant 0 : i32
        %dma_wait3A_275 = tpu.memref_slice %arg9[%dma_wait3A_273, %dma_wait3A_274] : memref<2x40xi32, #tpu.memory_space<vmem>> -> memref<1x40xi32, #tpu.memory_space<vmem>>
        %dma_wait3A_276 = tpu.memref_squeeze %dma_wait3A_275 : memref<1x40xi32, #tpu.memory_space<vmem>> -> memref<40xi32, #tpu.memory_space<vmem>>
        %dma_wait3A_277 = arith.constant 0 : i32
        %dma_wait3A_278 = arith.constant 0 : i32
        %dma_wait3A_279 = tpu.memref_slice %arg31[%dma_wait3A_277, %dma_wait3A_278] : memref<10240x128xf32, #tpu.memory_space<vmem_shared>> -> memref<10240x128xf32, #tpu.memory_space<vmem_shared>>
        tpu.wait_indirect_dma semaphore(%arg27 : memref<!tpu.dma_semaphore, #tpu.memory_space<semaphore_mem>>) src(%arg15 : memref<40x128xf32, #tpu.memory_space<vmem>>) dst(%dma_wait3A_279 : memref<10240x128xf32, #tpu.memory_space<vmem_shared>>)
      } else {
      }
      %add3A_158 = arith.constant 3 : i32
      %add3A_159 = arith.addi %add3A_144, %add3A_158 : i32
      %sub3A_160 = arith.constant 1 : i32
      %sub3A_161 = arith.subi %add3A_159, %sub3A_160 : i32
      %lt3A_162 = arith.constant 250 : i32
      %lt3A_163 = arith.cmpi slt, %sub3A_161, %lt3A_162 : i32
      %convert_element_type3A_164 = arith.extui %lt3A_163 : i1 to i32
      %cond3A_165 = arith.constant 0 : i32
      %cond3A_166 = arith.cmpi ne, %convert_element_type3A_164, %cond3A_165 : i32
      scf.if %cond3A_166 {
        %add3A_273 = arith.constant 3 : i32
        %add3A_274 = arith.addi %add3A_144, %add3A_273 : i32
        %sub3A_275 = arith.constant 1 : i32
        %sub3A_276 = arith.subi %add3A_274, %sub3A_275 : i32
        %dma_wait3A_277 = arith.constant 0 : i32
        %dma_wait3A_278 = arith.constant 0 : i32
        %dma_wait3A_279 = tpu.memref_slice %arg2[%add3A, %sub3A_276, %dma_wait3A_277, %dma_wait3A_278] : memref<32x250x2x40xi32, #tpu.memory_space<hbm>> -> memref<1x1x2x40xi32, #tpu.memory_space<hbm>>
        %dma_wait3A_280 = tpu.memref_squeeze %dma_wait3A_279 : memref<1x1x2x40xi32, #tpu.memory_space<hbm>> -> memref<2x40xi32, #tpu.memory_space<hbm>>
        %dma_wait3A_281 = arith.constant 0 : i32
        %dma_wait3A_282 = arith.constant 0 : i32
        %dma_wait3A_283 = tpu.memref_slice %arg2[%add3A, %sub3A_276, %dma_wait3A_281, %dma_wait3A_282] : memref<32x250x2x40xi32, #tpu.memory_space<hbm>> -> memref<1x1x2x40xi32, #tpu.memory_space<hbm>>
        %dma_wait3A_284 = tpu.memref_squeeze %dma_wait3A_283 : memref<1x1x2x40xi32, #tpu.memory_space<hbm>> -> memref<2x40xi32, #tpu.memory_space<hbm>>
        tpu.wait_dma2 semaphore(%arg21 : memref<!tpu.dma_semaphore, #tpu.memory_space<semaphore_mem>>) src(%dma_wait3A_284 : memref<2x40xi32, #tpu.memory_space<hbm>>) dst(%arg12 : memref<2x40xi32, #tpu.memory_space<vmem>>)
        %dma_start3A_285 = arith.constant 0 : i32
        %dma_start3A_286 = arith.constant 0 : i32
        %dma_start3A_287 = tpu.memref_slice %arg12[%dma_start3A_285, %dma_start3A_286] : memref<2x40xi32, #tpu.memory_space<vmem>> -> memref<1x40xi32, #tpu.memory_space<vmem>>
        %dma_start3A_288 = tpu.memref_squeeze %dma_start3A_287 : memref<1x40xi32, #tpu.memory_space<vmem>> -> memref<40xi32, #tpu.memory_space<vmem>>
        %dma_start3A_289 = arith.constant 0 : i32
        %dma_start3A_290 = arith.constant 0 : i32
        %dma_start3A_291 = tpu.memref_slice %arg3[%dma_start3A_289, %dma_start3A_290] : memref<10000x128xf32, #tpu.memory_space<hbm>> -> memref<10000x128xf32, #tpu.memory_space<hbm>>
        tpu.enqueue_indirect_dma source(%dma_start3A_291 : memref<10000x128xf32, #tpu.memory_space<hbm>>) target(%arg15 : memref<40x128xf32, #tpu.memory_space<vmem>>) offsets(%dma_start3A_288 : memref<40xi32, #tpu.memory_space<vmem>>) semaphore(%arg24 : memref<!tpu.dma_semaphore, #tpu.memory_space<semaphore_mem>>)
      } else {
      }
      %add3A_167 = arith.constant 3 : i32
      %add3A_168 = arith.addi %add3A_144, %add3A_167 : i32
      %lt3A_169 = arith.constant 250 : i32
      %lt3A_170 = arith.cmpi slt, %add3A_168, %lt3A_169 : i32
      %convert_element_type3A_171 = arith.extui %lt3A_170 : i1 to i32
      %cond3A_172 = arith.constant 0 : i32
      %cond3A_173 = arith.cmpi ne, %convert_element_type3A_171, %cond3A_172 : i32
      scf.if %cond3A_173 {
        %add3A_273 = arith.constant 3 : i32
        %add3A_274 = arith.addi %add3A_144, %add3A_273 : i32
        %dma_start3A_275 = arith.constant 0 : i32
        %dma_start3A_276 = arith.constant 0 : i32
        %dma_start3A_277 = tpu.memref_slice %arg2[%add3A, %add3A_274, %dma_start3A_275, %dma_start3A_276] : memref<32x250x2x40xi32, #tpu.memory_space<hbm>> -> memref<1x1x2x40xi32, #tpu.memory_space<hbm>>
        %dma_start3A_278 = tpu.memref_squeeze %dma_start3A_277 : memref<1x1x2x40xi32, #tpu.memory_space<hbm>> -> memref<2x40xi32, #tpu.memory_space<hbm>>
        %dma_start3A_279 = arith.constant 0 : i32
        %dma_start3A_280 = arith.constant 0 : i32
        %dma_start3A_281 = tpu.memref_slice %arg2[%add3A, %add3A_274, %dma_start3A_279, %dma_start3A_280] : memref<32x250x2x40xi32, #tpu.memory_space<hbm>> -> memref<1x1x2x40xi32, #tpu.memory_space<hbm>>
        %dma_start3A_282 = tpu.memref_squeeze %dma_start3A_281 : memref<1x1x2x40xi32, #tpu.memory_space<hbm>> -> memref<2x40xi32, #tpu.memory_space<hbm>>
        tpu.enqueue_dma source(%dma_start3A_282 : memref<2x40xi32, #tpu.memory_space<hbm>>) target(%arg13 : memref<2x40xi32, #tpu.memory_space<vmem>>) target_semaphore(%arg22 : memref<!tpu.dma_semaphore, #tpu.memory_space<semaphore_mem>>)
      } else {
      }
      %mul3A_174 = arith.constant 6 : i32
      %mul3A_175 = arith.muli %scan3A_80, %mul3A_174 : i32
      %add3A_176 = arith.constant 3 : i32
      %add3A_177 = arith.addi %mul3A_175, %add3A_176 : i32
      %lt3A_178 = arith.constant 250 : i32
      %lt3A_179 = arith.cmpi slt, %add3A_177, %lt3A_178 : i32
      %convert_element_type3A_180 = arith.extui %lt3A_179 : i1 to i32
      %cond3A_181 = arith.constant 0 : i32
      %cond3A_182 = arith.cmpi ne, %convert_element_type3A_180, %cond3A_181 : i32
      scf.if %cond3A_182 {
        %dma_wait3A_273 = arith.constant 0 : i32
        %dma_wait3A_274 = arith.constant 0 : i32
        %dma_wait3A_275 = tpu.memref_slice %arg11[%dma_wait3A_273, %dma_wait3A_274] : memref<2x40xi32, #tpu.memory_space<vmem>> -> memref<1x40xi32, #tpu.memory_space<vmem>>
        %dma_wait3A_276 = tpu.memref_squeeze %dma_wait3A_275 : memref<1x40xi32, #tpu.memory_space<vmem>> -> memref<40xi32, #tpu.memory_space<vmem>>
        %dma_wait3A_277 = arith.constant 0 : i32
        %dma_wait3A_278 = arith.constant 0 : i32
        %dma_wait3A_279 = tpu.memref_slice %arg3[%dma_wait3A_277, %dma_wait3A_278] : memref<10000x128xf32, #tpu.memory_space<hbm>> -> memref<10000x128xf32, #tpu.memory_space<hbm>>
        tpu.wait_indirect_dma semaphore(%arg23 : memref<!tpu.dma_semaphore, #tpu.memory_space<semaphore_mem>>) src(%dma_wait3A_279 : memref<10000x128xf32, #tpu.memory_space<hbm>>) dst(%arg14 : memref<40x128xf32, #tpu.memory_space<vmem>>)
        %dma_start3A_280 = arith.constant 1 : i32
        %dma_start3A_281 = arith.constant 0 : i32
        %dma_start3A_282 = tpu.memref_slice %arg11[%dma_start3A_280, %dma_start3A_281] : memref<2x40xi32, #tpu.memory_space<vmem>> -> memref<1x40xi32, #tpu.memory_space<vmem>>
        %dma_start3A_283 = tpu.memref_squeeze %dma_start3A_282 : memref<1x40xi32, #tpu.memory_space<vmem>> -> memref<40xi32, #tpu.memory_space<vmem>>
        %dma_start3A_284 = arith.constant 0 : i32
        %dma_start3A_285 = arith.constant 0 : i32
        %dma_start3A_286 = tpu.memref_slice %arg31[%dma_start3A_284, %dma_start3A_285] : memref<10240x128xf32, #tpu.memory_space<vmem_shared>> -> memref<10240x128xf32, #tpu.memory_space<vmem_shared>>
        tpu.enqueue_indirect_dma source(%arg14 : memref<40x128xf32, #tpu.memory_space<vmem>>) target(%dma_start3A_286 : memref<10240x128xf32, #tpu.memory_space<vmem_shared>>) offsets(%dma_start3A_283 : memref<40xi32, #tpu.memory_space<vmem>>) semaphore(%arg26 : memref<!tpu.dma_semaphore, #tpu.memory_space<semaphore_mem>>) {add = true}
        %get3A = arith.constant 1 : i32
        %get3A_287 = arith.index_cast %get3A : i32 to index
        %get3A_288 = arith.constant 0 : index
        %get3A_289 = tpu.vector_load %arg11[%get3A_287, %get3A_288] {strides = array<i32>} : memref<2x40xi32, #tpu.memory_space<vmem>>, vector<16xi32>,
        tpu.vector_store_idx %arg30[%get3A_289], %broadcast_in_dim3A_68 {add = true} : memref<10240xf32, #tpu.memory_space<vmem>>[vector<16xi32>], vector<16xf32>,
        %get3A_290 = arith.constant 1 : i32
        %get3A_291 = arith.index_cast %get3A_290 : i32 to index
        %get3A_292 = arith.constant 16 : index
        %get3A_293 = tpu.vector_load %arg11[%get3A_291, %get3A_292] {strides = array<i32>} : memref<2x40xi32, #tpu.memory_space<vmem>>, vector<16xi32>,
        tpu.vector_store_idx %arg30[%get3A_293], %broadcast_in_dim3A_68 {add = true} : memref<10240xf32, #tpu.memory_space<vmem>>[vector<16xi32>], vector<16xf32>,
        %get3A_294 = arith.constant 1 : i32
        %get3A_295 = arith.index_cast %get3A_294 : i32 to index
        %get3A_296 = arith.constant 24 : index
        %get3A_297 = tpu.vector_load %arg11[%get3A_295, %get3A_296] {strides = array<i32>} : memref<2x40xi32, #tpu.memory_space<vmem>>, vector<16xi32>,
        tpu.vector_store_idx %arg30[%get3A_297], %broadcast_in_dim3A_68 masked %ge3A_70 {add = true} : memref<10240xf32, #tpu.memory_space<vmem>>[vector<16xi32>], vector<16xf32>, vector<16xi1>
      } else {
      }
      %ge3A_183 = arith.constant 1 : i32
      %ge3A_184 = arith.cmpi sge, %add3A_177, %ge3A_183 : i32
      %le3A_185 = arith.constant 250 : i32
      %le3A_186 = arith.cmpi sle, %add3A_177, %le3A_185 : i32
      %and3A_187 = arith.andi %ge3A_184, %le3A_186 : i1
      %convert_element_type3A_188 = arith.extui %and3A_187 : i1 to i32
      %cond3A_189 = arith.constant 0 : i32
      %cond3A_190 = arith.cmpi ne, %convert_element_type3A_188, %cond3A_189 : i32
      scf.if %cond3A_190 {
        %dma_wait3A_273 = arith.constant 1 : i32
        %dma_wait3A_274 = arith.constant 0 : i32
        %dma_wait3A_275 = tpu.memref_slice %arg10[%dma_wait3A_273, %dma_wait3A_274] : memref<2x40xi32, #tpu.memory_space<vmem>> -> memref<1x40xi32, #tpu.memory_space<vmem>>
        %dma_wait3A_276 = tpu.memref_squeeze %dma_wait3A_275 : memref<1x40xi32, #tpu.memory_space<vmem>> -> memref<40xi32, #tpu.memory_space<vmem>>
        %dma_wait3A_277 = arith.constant 0 : i32
        %dma_wait3A_278 = arith.constant 0 : i32
        %dma_wait3A_279 = tpu.memref_slice %arg31[%dma_wait3A_277, %dma_wait3A_278] : memref<10240x128xf32, #tpu.memory_space<vmem_shared>> -> memref<10240x128xf32, #tpu.memory_space<vmem_shared>>
        tpu.wait_indirect_dma semaphore(%arg28 : memref<!tpu.dma_semaphore, #tpu.memory_space<semaphore_mem>>) src(%arg16 : memref<40x128xf32, #tpu.memory_space<vmem>>) dst(%dma_wait3A_279 : memref<10240x128xf32, #tpu.memory_space<vmem_shared>>)
      } else {
      }
      %add3A_191 = arith.constant 3 : i32
      %add3A_192 = arith.addi %add3A_177, %add3A_191 : i32
      %sub3A_193 = arith.constant 1 : i32
      %sub3A_194 = arith.subi %add3A_192, %sub3A_193 : i32
      %lt3A_195 = arith.constant 250 : i32
      %lt3A_196 = arith.cmpi slt, %sub3A_194, %lt3A_195 : i32
      %convert_element_type3A_197 = arith.extui %lt3A_196 : i1 to i32
      %cond3A_198 = arith.constant 0 : i32
      %cond3A_199 = arith.cmpi ne, %convert_element_type3A_197, %cond3A_198 : i32
      scf.if %cond3A_199 {
        %add3A_273 = arith.constant 3 : i32
        %add3A_274 = arith.addi %add3A_177, %add3A_273 : i32
        %sub3A_275 = arith.constant 1 : i32
        %sub3A_276 = arith.subi %add3A_274, %sub3A_275 : i32
        %dma_wait3A_277 = arith.constant 0 : i32
        %dma_wait3A_278 = arith.constant 0 : i32
        %dma_wait3A_279 = tpu.memref_slice %arg2[%add3A, %sub3A_276, %dma_wait3A_277, %dma_wait3A_278] : memref<32x250x2x40xi32, #tpu.memory_space<hbm>> -> memref<1x1x2x40xi32, #tpu.memory_space<hbm>>
        %dma_wait3A_280 = tpu.memref_squeeze %dma_wait3A_279 : memref<1x1x2x40xi32, #tpu.memory_space<hbm>> -> memref<2x40xi32, #tpu.memory_space<hbm>>
        %dma_wait3A_281 = arith.constant 0 : i32
        %dma_wait3A_282 = arith.constant 0 : i32
        %dma_wait3A_283 = tpu.memref_slice %arg2[%add3A, %sub3A_276, %dma_wait3A_281, %dma_wait3A_282] : memref<32x250x2x40xi32, #tpu.memory_space<hbm>> -> memref<1x1x2x40xi32, #tpu.memory_space<hbm>>
        %dma_wait3A_284 = tpu.memref_squeeze %dma_wait3A_283 : memref<1x1x2x40xi32, #tpu.memory_space<hbm>> -> memref<2x40xi32, #tpu.memory_space<hbm>>
        tpu.wait_dma2 semaphore(%arg22 : memref<!tpu.dma_semaphore, #tpu.memory_space<semaphore_mem>>) src(%dma_wait3A_284 : memref<2x40xi32, #tpu.memory_space<hbm>>) dst(%arg13 : memref<2x40xi32, #tpu.memory_space<vmem>>)
        %dma_start3A_285 = arith.constant 0 : i32
        %dma_start3A_286 = arith.constant 0 : i32
        %dma_start3A_287 = tpu.memref_slice %arg13[%dma_start3A_285, %dma_start3A_286] : memref<2x40xi32, #tpu.memory_space<vmem>> -> memref<1x40xi32, #tpu.memory_space<vmem>>
        %dma_start3A_288 = tpu.memref_squeeze %dma_start3A_287 : memref<1x40xi32, #tpu.memory_space<vmem>> -> memref<40xi32, #tpu.memory_space<vmem>>
        %dma_start3A_289 = arith.constant 0 : i32
        %dma_start3A_290 = arith.constant 0 : i32
        %dma_start3A_291 = tpu.memref_slice %arg3[%dma_start3A_289, %dma_start3A_290] : memref<10000x128xf32, #tpu.memory_space<hbm>> -> memref<10000x128xf32, #tpu.memory_space<hbm>>
        tpu.enqueue_indirect_dma source(%dma_start3A_291 : memref<10000x128xf32, #tpu.memory_space<hbm>>) target(%arg16 : memref<40x128xf32, #tpu.memory_space<vmem>>) offsets(%dma_start3A_288 : memref<40xi32, #tpu.memory_space<vmem>>) semaphore(%arg25 : memref<!tpu.dma_semaphore, #tpu.memory_space<semaphore_mem>>)
      } else {
      }
      %add3A_200 = arith.constant 3 : i32
      %add3A_201 = arith.addi %add3A_177, %add3A_200 : i32
      %lt3A_202 = arith.constant 250 : i32
      %lt3A_203 = arith.cmpi slt, %add3A_201, %lt3A_202 : i32
      %convert_element_type3A_204 = arith.extui %lt3A_203 : i1 to i32
      %cond3A_205 = arith.constant 0 : i32
      %cond3A_206 = arith.cmpi ne, %convert_element_type3A_204, %cond3A_205 : i32
      scf.if %cond3A_206 {
        %add3A_273 = arith.constant 3 : i32
        %add3A_274 = arith.addi %add3A_177, %add3A_273 : i32
        %dma_start3A_275 = arith.constant 0 : i32
        %dma_start3A_276 = arith.constant 0 : i32
        %dma_start3A_277 = tpu.memref_slice %arg2[%add3A, %add3A_274, %dma_start3A_275, %dma_start3A_276] : memref<32x250x2x40xi32, #tpu.memory_space<hbm>> -> memref<1x1x2x40xi32, #tpu.memory_space<hbm>>
        %dma_start3A_278 = tpu.memref_squeeze %dma_start3A_277 : memref<1x1x2x40xi32, #tpu.memory_space<hbm>> -> memref<2x40xi32, #tpu.memory_space<hbm>>
        %dma_start3A_279 = arith.constant 0 : i32
        %dma_start3A_280 = arith.constant 0 : i32
        %dma_start3A_281 = tpu.memref_slice %arg2[%add3A, %add3A_274, %dma_start3A_279, %dma_start3A_280] : memref<32x250x2x40xi32, #tpu.memory_space<hbm>> -> memref<1x1x2x40xi32, #tpu.memory_space<hbm>>
        %dma_start3A_282 = tpu.memref_squeeze %dma_start3A_281 : memref<1x1x2x40xi32, #tpu.memory_space<hbm>> -> memref<2x40xi32, #tpu.memory_space<hbm>>
        tpu.enqueue_dma source(%dma_start3A_282 : memref<2x40xi32, #tpu.memory_space<hbm>>) target(%arg8 : memref<2x40xi32, #tpu.memory_space<vmem>>) target_semaphore(%arg17 : memref<!tpu.dma_semaphore, #tpu.memory_space<semaphore_mem>>)
      } else {
      }
      %mul3A_207 = arith.constant 6 : i32
      %mul3A_208 = arith.muli %scan3A_80, %mul3A_207 : i32
      %add3A_209 = arith.constant 4 : i32
      %add3A_210 = arith.addi %mul3A_208, %add3A_209 : i32
      %lt3A_211 = arith.constant 250 : i32
      %lt3A_212 = arith.cmpi slt, %add3A_210, %lt3A_211 : i32
      %convert_element_type3A_213 = arith.extui %lt3A_212 : i1 to i32
      %cond3A_214 = arith.constant 0 : i32
      %cond3A_215 = arith.cmpi ne, %convert_element_type3A_213, %cond3A_214 : i32
      scf.if %cond3A_215 {
        %dma_wait3A_273 = arith.constant 0 : i32
        %dma_wait3A_274 = arith.constant 0 : i32
        %dma_wait3A_275 = tpu.memref_slice %arg12[%dma_wait3A_273, %dma_wait3A_274] : memref<2x40xi32, #tpu.memory_space<vmem>> -> memref<1x40xi32, #tpu.memory_space<vmem>>
        %dma_wait3A_276 = tpu.memref_squeeze %dma_wait3A_275 : memref<1x40xi32, #tpu.memory_space<vmem>> -> memref<40xi32, #tpu.memory_space<vmem>>
        %dma_wait3A_277 = arith.constant 0 : i32
        %dma_wait3A_278 = arith.constant 0 : i32
        %dma_wait3A_279 = tpu.memref_slice %arg3[%dma_wait3A_277, %dma_wait3A_278] : memref<10000x128xf32, #tpu.memory_space<hbm>> -> memref<10000x128xf32, #tpu.memory_space<hbm>>
        tpu.wait_indirect_dma semaphore(%arg24 : memref<!tpu.dma_semaphore, #tpu.memory_space<semaphore_mem>>) src(%dma_wait3A_279 : memref<10000x128xf32, #tpu.memory_space<hbm>>) dst(%arg15 : memref<40x128xf32, #tpu.memory_space<vmem>>)
        %dma_start3A_280 = arith.constant 1 : i32
        %dma_start3A_281 = arith.constant 0 : i32
        %dma_start3A_282 = tpu.memref_slice %arg12[%dma_start3A_280, %dma_start3A_281] : memref<2x40xi32, #tpu.memory_space<vmem>> -> memref<1x40xi32, #tpu.memory_space<vmem>>
        %dma_start3A_283 = tpu.memref_squeeze %dma_start3A_282 : memref<1x40xi32, #tpu.memory_space<vmem>> -> memref<40xi32, #tpu.memory_space<vmem>>
        %dma_start3A_284 = arith.constant 0 : i32
        %dma_start3A_285 = arith.constant 0 : i32
        %dma_start3A_286 = tpu.memref_slice %arg31[%dma_start3A_284, %dma_start3A_285] : memref<10240x128xf32, #tpu.memory_space<vmem_shared>> -> memref<10240x128xf32, #tpu.memory_space<vmem_shared>>
        tpu.enqueue_indirect_dma source(%arg15 : memref<40x128xf32, #tpu.memory_space<vmem>>) target(%dma_start3A_286 : memref<10240x128xf32, #tpu.memory_space<vmem_shared>>) offsets(%dma_start3A_283 : memref<40xi32, #tpu.memory_space<vmem>>) semaphore(%arg27 : memref<!tpu.dma_semaphore, #tpu.memory_space<semaphore_mem>>) {add = true}
        %get3A = arith.constant 1 : i32
        %get3A_287 = arith.index_cast %get3A : i32 to index
        %get3A_288 = arith.constant 0 : index
        %get3A_289 = tpu.vector_load %arg12[%get3A_287, %get3A_288] {strides = array<i32>} : memref<2x40xi32, #tpu.memory_space<vmem>>, vector<16xi32>,
        tpu.vector_store_idx %arg30[%get3A_289], %broadcast_in_dim3A_68 {add = true} : memref<10240xf32, #tpu.memory_space<vmem>>[vector<16xi32>], vector<16xf32>,
        %get3A_290 = arith.constant 1 : i32
        %get3A_291 = arith.index_cast %get3A_290 : i32 to index
        %get3A_292 = arith.constant 16 : index
        %get3A_293 = tpu.vector_load %arg12[%get3A_291, %get3A_292] {strides = array<i32>} : memref<2x40xi32, #tpu.memory_space<vmem>>, vector<16xi32>,
        tpu.vector_store_idx %arg30[%get3A_293], %broadcast_in_dim3A_68 {add = true} : memref<10240xf32, #tpu.memory_space<vmem>>[vector<16xi32>], vector<16xf32>,
        %get3A_294 = arith.constant 1 : i32
        %get3A_295 = arith.index_cast %get3A_294 : i32 to index
        %get3A_296 = arith.constant 24 : index
        %get3A_297 = tpu.vector_load %arg12[%get3A_295, %get3A_296] {strides = array<i32>} : memref<2x40xi32, #tpu.memory_space<vmem>>, vector<16xi32>,
        tpu.vector_store_idx %arg30[%get3A_297], %broadcast_in_dim3A_68 masked %ge3A_70 {add = true} : memref<10240xf32, #tpu.memory_space<vmem>>[vector<16xi32>], vector<16xf32>, vector<16xi1>
      } else {
      }
      %ge3A_216 = arith.constant 1 : i32
      %ge3A_217 = arith.cmpi sge, %add3A_210, %ge3A_216 : i32
      %le3A_218 = arith.constant 250 : i32
      %le3A_219 = arith.cmpi sle, %add3A_210, %le3A_218 : i32
      %and3A_220 = arith.andi %ge3A_217, %le3A_219 : i1
      %convert_element_type3A_221 = arith.extui %and3A_220 : i1 to i32
      %cond3A_222 = arith.constant 0 : i32
      %cond3A_223 = arith.cmpi ne, %convert_element_type3A_221, %cond3A_222 : i32
      scf.if %cond3A_223 {
        %dma_wait3A_273 = arith.constant 1 : i32
        %dma_wait3A_274 = arith.constant 0 : i32
        %dma_wait3A_275 = tpu.memref_slice %arg11[%dma_wait3A_273, %dma_wait3A_274] : memref<2x40xi32, #tpu.memory_space<vmem>> -> memref<1x40xi32, #tpu.memory_space<vmem>>
        %dma_wait3A_276 = tpu.memref_squeeze %dma_wait3A_275 : memref<1x40xi32, #tpu.memory_space<vmem>> -> memref<40xi32, #tpu.memory_space<vmem>>
        %dma_wait3A_277 = arith.constant 0 : i32
        %dma_wait3A_278 = arith.constant 0 : i32
        %dma_wait3A_279 = tpu.memref_slice %arg31[%dma_wait3A_277, %dma_wait3A_278] : memref<10240x128xf32, #tpu.memory_space<vmem_shared>> -> memref<10240x128xf32, #tpu.memory_space<vmem_shared>>
        tpu.wait_indirect_dma semaphore(%arg26 : memref<!tpu.dma_semaphore, #tpu.memory_space<semaphore_mem>>) src(%arg14 : memref<40x128xf32, #tpu.memory_space<vmem>>) dst(%dma_wait3A_279 : memref<10240x128xf32, #tpu.memory_space<vmem_shared>>)
      } else {
      }
      %add3A_224 = arith.constant 3 : i32
      %add3A_225 = arith.addi %add3A_210, %add3A_224 : i32
      %sub3A_226 = arith.constant 1 : i32
      %sub3A_227 = arith.subi %add3A_225, %sub3A_226 : i32
      %lt3A_228 = arith.constant 250 : i32
      %lt3A_229 = arith.cmpi slt, %sub3A_227, %lt3A_228 : i32
      %convert_element_type3A_230 = arith.extui %lt3A_229 : i1 to i32
      %cond3A_231 = arith.constant 0 : i32
      %cond3A_232 = arith.cmpi ne, %convert_element_type3A_230, %cond3A_231 : i32
      scf.if %cond3A_232 {
        %add3A_273 = arith.constant 3 : i32
        %add3A_274 = arith.addi %add3A_210, %add3A_273 : i32
        %sub3A_275 = arith.constant 1 : i32
        %sub3A_276 = arith.subi %add3A_274, %sub3A_275 : i32
        %dma_wait3A_277 = arith.constant 0 : i32
        %dma_wait3A_278 = arith.constant 0 : i32
        %dma_wait3A_279 = tpu.memref_slice %arg2[%add3A, %sub3A_276, %dma_wait3A_277, %dma_wait3A_278] : memref<32x250x2x40xi32, #tpu.memory_space<hbm>> -> memref<1x1x2x40xi32, #tpu.memory_space<hbm>>
        %dma_wait3A_280 = tpu.memref_squeeze %dma_wait3A_279 : memref<1x1x2x40xi32, #tpu.memory_space<hbm>> -> memref<2x40xi32, #tpu.memory_space<hbm>>
        %dma_wait3A_281 = arith.constant 0 : i32
        %dma_wait3A_282 = arith.constant 0 : i32
        %dma_wait3A_283 = tpu.memref_slice %arg2[%add3A, %sub3A_276, %dma_wait3A_281, %dma_wait3A_282] : memref<32x250x2x40xi32, #tpu.memory_space<hbm>> -> memref<1x1x2x40xi32, #tpu.memory_space<hbm>>
        %dma_wait3A_284 = tpu.memref_squeeze %dma_wait3A_283 : memref<1x1x2x40xi32, #tpu.memory_space<hbm>> -> memref<2x40xi32, #tpu.memory_space<hbm>>
        tpu.wait_dma2 semaphore(%arg17 : memref<!tpu.dma_semaphore, #tpu.memory_space<semaphore_mem>>) src(%dma_wait3A_284 : memref<2x40xi32, #tpu.memory_space<hbm>>) dst(%arg8 : memref<2x40xi32, #tpu.memory_space<vmem>>)
        %dma_start3A_285 = arith.constant 0 : i32
        %dma_start3A_286 = arith.constant 0 : i32
        %dma_start3A_287 = tpu.memref_slice %arg8[%dma_start3A_285, %dma_start3A_286] : memref<2x40xi32, #tpu.memory_space<vmem>> -> memref<1x40xi32, #tpu.memory_space<vmem>>
        %dma_start3A_288 = tpu.memref_squeeze %dma_start3A_287 : memref<1x40xi32, #tpu.memory_space<vmem>> -> memref<40xi32, #tpu.memory_space<vmem>>
        %dma_start3A_289 = arith.constant 0 : i32
        %dma_start3A_290 = arith.constant 0 : i32
        %dma_start3A_291 = tpu.memref_slice %arg3[%dma_start3A_289, %dma_start3A_290] : memref<10000x128xf32, #tpu.memory_space<hbm>> -> memref<10000x128xf32, #tpu.memory_space<hbm>>
        tpu.enqueue_indirect_dma source(%dma_start3A_291 : memref<10000x128xf32, #tpu.memory_space<hbm>>) target(%arg14 : memref<40x128xf32, #tpu.memory_space<vmem>>) offsets(%dma_start3A_288 : memref<40xi32, #tpu.memory_space<vmem>>) semaphore(%arg23 : memref<!tpu.dma_semaphore, #tpu.memory_space<semaphore_mem>>)
      } else {
      }
      %add3A_233 = arith.constant 3 : i32
      %add3A_234 = arith.addi %add3A_210, %add3A_233 : i32
      %lt3A_235 = arith.constant 250 : i32
      %lt3A_236 = arith.cmpi slt, %add3A_234, %lt3A_235 : i32
      %convert_element_type3A_237 = arith.extui %lt3A_236 : i1 to i32
      %cond3A_238 = arith.constant 0 : i32
      %cond3A_239 = arith.cmpi ne, %convert_element_type3A_237, %cond3A_238 : i32
      scf.if %cond3A_239 {
        %add3A_273 = arith.constant 3 : i32
        %add3A_274 = arith.addi %add3A_210, %add3A_273 : i32
        %dma_start3A_275 = arith.constant 0 : i32
        %dma_start3A_276 = arith.constant 0 : i32
        %dma_start3A_277 = tpu.memref_slice %arg2[%add3A, %add3A_274, %dma_start3A_275, %dma_start3A_276] : memref<32x250x2x40xi32, #tpu.memory_space<hbm>> -> memref<1x1x2x40xi32, #tpu.memory_space<hbm>>
        %dma_start3A_278 = tpu.memref_squeeze %dma_start3A_277 : memref<1x1x2x40xi32, #tpu.memory_space<hbm>> -> memref<2x40xi32, #tpu.memory_space<hbm>>
        %dma_start3A_279 = arith.constant 0 : i32
        %dma_start3A_280 = arith.constant 0 : i32
        %dma_start3A_281 = tpu.memref_slice %arg2[%add3A, %add3A_274, %dma_start3A_279, %dma_start3A_280] : memref<32x250x2x40xi32, #tpu.memory_space<hbm>> -> memref<1x1x2x40xi32, #tpu.memory_space<hbm>>
        %dma_start3A_282 = tpu.memref_squeeze %dma_start3A_281 : memref<1x1x2x40xi32, #tpu.memory_space<hbm>> -> memref<2x40xi32, #tpu.memory_space<hbm>>
        tpu.enqueue_dma source(%dma_start3A_282 : memref<2x40xi32, #tpu.memory_space<hbm>>) target(%arg9 : memref<2x40xi32, #tpu.memory_space<vmem>>) target_semaphore(%arg18 : memref<!tpu.dma_semaphore, #tpu.memory_space<semaphore_mem>>)
      } else {
      }
      %mul3A_240 = arith.constant 6 : i32
      %mul3A_241 = arith.muli %scan3A_80, %mul3A_240 : i32
      %add3A_242 = arith.constant 5 : i32
      %add3A_243 = arith.addi %mul3A_241, %add3A_242 : i32
      %lt3A_244 = arith.constant 250 : i32
      %lt3A_245 = arith.cmpi slt, %add3A_243, %lt3A_244 : i32
      %convert_element_type3A_246 = arith.extui %lt3A_245 : i1 to i32
      %cond3A_247 = arith.constant 0 : i32
      %cond3A_248 = arith.cmpi ne, %convert_element_type3A_246, %cond3A_247 : i32
      scf.if %cond3A_248 {
        %dma_wait3A_273 = arith.constant 0 : i32
        %dma_wait3A_274 = arith.constant 0 : i32
        %dma_wait3A_275 = tpu.memref_slice %arg13[%dma_wait3A_273, %dma_wait3A_274] : memref<2x40xi32, #tpu.memory_space<vmem>> -> memref<1x40xi32, #tpu.memory_space<vmem>>
        %dma_wait3A_276 = tpu.memref_squeeze %dma_wait3A_275 : memref<1x40xi32, #tpu.memory_space<vmem>> -> memref<40xi32, #tpu.memory_space<vmem>>
        %dma_wait3A_277 = arith.constant 0 : i32
        %dma_wait3A_278 = arith.constant 0 : i32
        %dma_wait3A_279 = tpu.memref_slice %arg3[%dma_wait3A_277, %dma_wait3A_278] : memref<10000x128xf32, #tpu.memory_space<hbm>> -> memref<10000x128xf32, #tpu.memory_space<hbm>>
        tpu.wait_indirect_dma semaphore(%arg25 : memref<!tpu.dma_semaphore, #tpu.memory_space<semaphore_mem>>) src(%dma_wait3A_279 : memref<10000x128xf32, #tpu.memory_space<hbm>>) dst(%arg16 : memref<40x128xf32, #tpu.memory_space<vmem>>)
        %dma_start3A_280 = arith.constant 1 : i32
        %dma_start3A_281 = arith.constant 0 : i32
        %dma_start3A_282 = tpu.memref_slice %arg13[%dma_start3A_280, %dma_start3A_281] : memref<2x40xi32, #tpu.memory_space<vmem>> -> memref<1x40xi32, #tpu.memory_space<vmem>>
        %dma_start3A_283 = tpu.memref_squeeze %dma_start3A_282 : memref<1x40xi32, #tpu.memory_space<vmem>> -> memref<40xi32, #tpu.memory_space<vmem>>
        %dma_start3A_284 = arith.constant 0 : i32
        %dma_start3A_285 = arith.constant 0 : i32
        %dma_start3A_286 = tpu.memref_slice %arg31[%dma_start3A_284, %dma_start3A_285] : memref<10240x128xf32, #tpu.memory_space<vmem_shared>> -> memref<10240x128xf32, #tpu.memory_space<vmem_shared>>
        tpu.enqueue_indirect_dma source(%arg16 : memref<40x128xf32, #tpu.memory_space<vmem>>) target(%dma_start3A_286 : memref<10240x128xf32, #tpu.memory_space<vmem_shared>>) offsets(%dma_start3A_283 : memref<40xi32, #tpu.memory_space<vmem>>) semaphore(%arg28 : memref<!tpu.dma_semaphore, #tpu.memory_space<semaphore_mem>>) {add = true}
        %get3A = arith.constant 1 : i32
        %get3A_287 = arith.index_cast %get3A : i32 to index
        %get3A_288 = arith.constant 0 : index
        %get3A_289 = tpu.vector_load %arg13[%get3A_287, %get3A_288] {strides = array<i32>} : memref<2x40xi32, #tpu.memory_space<vmem>>, vector<16xi32>,
        tpu.vector_store_idx %arg30[%get3A_289], %broadcast_in_dim3A_68 {add = true} : memref<10240xf32, #tpu.memory_space<vmem>>[vector<16xi32>], vector<16xf32>,
        %get3A_290 = arith.constant 1 : i32
        %get3A_291 = arith.index_cast %get3A_290 : i32 to index
        %get3A_292 = arith.constant 16 : index
        %get3A_293 = tpu.vector_load %arg13[%get3A_291, %get3A_292] {strides = array<i32>} : memref<2x40xi32, #tpu.memory_space<vmem>>, vector<16xi32>,
        tpu.vector_store_idx %arg30[%get3A_293], %broadcast_in_dim3A_68 {add = true} : memref<10240xf32, #tpu.memory_space<vmem>>[vector<16xi32>], vector<16xf32>,
        %get3A_294 = arith.constant 1 : i32
        %get3A_295 = arith.index_cast %get3A_294 : i32 to index
        %get3A_296 = arith.constant 24 : index
        %get3A_297 = tpu.vector_load %arg13[%get3A_295, %get3A_296] {strides = array<i32>} : memref<2x40xi32, #tpu.memory_space<vmem>>, vector<16xi32>,
        tpu.vector_store_idx %arg30[%get3A_297], %broadcast_in_dim3A_68 masked %ge3A_70 {add = true} : memref<10240xf32, #tpu.memory_space<vmem>>[vector<16xi32>], vector<16xf32>, vector<16xi1>
      } else {
      }
      %ge3A_249 = arith.constant 1 : i32
      %ge3A_250 = arith.cmpi sge, %add3A_243, %ge3A_249 : i32
      %le3A_251 = arith.constant 250 : i32
      %le3A_252 = arith.cmpi sle, %add3A_243, %le3A_251 : i32
      %and3A_253 = arith.andi %ge3A_250, %le3A_252 : i1
      %convert_element_type3A_254 = arith.extui %and3A_253 : i1 to i32
      %cond3A_255 = arith.constant 0 : i32
      %cond3A_256 = arith.cmpi ne, %convert_element_type3A_254, %cond3A_255 : i32
      scf.if %cond3A_256 {
        %dma_wait3A_273 = arith.constant 1 : i32
        %dma_wait3A_274 = arith.constant 0 : i32
        %dma_wait3A_275 = tpu.memref_slice %arg12[%dma_wait3A_273, %dma_wait3A_274] : memref<2x40xi32, #tpu.memory_space<vmem>> -> memref<1x40xi32, #tpu.memory_space<vmem>>
        %dma_wait3A_276 = tpu.memref_squeeze %dma_wait3A_275 : memref<1x40xi32, #tpu.memory_space<vmem>> -> memref<40xi32, #tpu.memory_space<vmem>>
        %dma_wait3A_277 = arith.constant 0 : i32
        %dma_wait3A_278 = arith.constant 0 : i32
        %dma_wait3A_279 = tpu.memref_slice %arg31[%dma_wait3A_277, %dma_wait3A_278] : memref<10240x128xf32, #tpu.memory_space<vmem_shared>> -> memref<10240x128xf32, #tpu.memory_space<vmem_shared>>
        tpu.wait_indirect_dma semaphore(%arg27 : memref<!tpu.dma_semaphore, #tpu.memory_space<semaphore_mem>>) src(%arg15 : memref<40x128xf32, #tpu.memory_space<vmem>>) dst(%dma_wait3A_279 : memref<10240x128xf32, #tpu.memory_space<vmem_shared>>)
      } else {
      }
      %add3A_257 = arith.constant 3 : i32
      %add3A_258 = arith.addi %add3A_243, %add3A_257 : i32
      %sub3A_259 = arith.constant 1 : i32
      %sub3A_260 = arith.subi %add3A_258, %sub3A_259 : i32
      %lt3A_261 = arith.constant 250 : i32
      %lt3A_262 = arith.cmpi slt, %sub3A_260, %lt3A_261 : i32
      %convert_element_type3A_263 = arith.extui %lt3A_262 : i1 to i32
      %cond3A_264 = arith.constant 0 : i32
      %cond3A_265 = arith.cmpi ne, %convert_element_type3A_263, %cond3A_264 : i32
      scf.if %cond3A_265 {
        %add3A_273 = arith.constant 3 : i32
        %add3A_274 = arith.addi %add3A_243, %add3A_273 : i32
        %sub3A_275 = arith.constant 1 : i32
        %sub3A_276 = arith.subi %add3A_274, %sub3A_275 : i32
        %dma_wait3A_277 = arith.constant 0 : i32
        %dma_wait3A_278 = arith.constant 0 : i32
        %dma_wait3A_279 = tpu.memref_slice %arg2[%add3A, %sub3A_276, %dma_wait3A_277, %dma_wait3A_278] : memref<32x250x2x40xi32, #tpu.memory_space<hbm>> -> memref<1x1x2x40xi32, #tpu.memory_space<hbm>>
        %dma_wait3A_280 = tpu.memref_squeeze %dma_wait3A_279 : memref<1x1x2x40xi32, #tpu.memory_space<hbm>> -> memref<2x40xi32, #tpu.memory_space<hbm>>
        %dma_wait3A_281 = arith.constant 0 : i32
        %dma_wait3A_282 = arith.constant 0 : i32
        %dma_wait3A_283 = tpu.memref_slice %arg2[%add3A, %sub3A_276, %dma_wait3A_281, %dma_wait3A_282] : memref<32x250x2x40xi32, #tpu.memory_space<hbm>> -> memref<1x1x2x40xi32, #tpu.memory_space<hbm>>
        %dma_wait3A_284 = tpu.memref_squeeze %dma_wait3A_283 : memref<1x1x2x40xi32, #tpu.memory_space<hbm>> -> memref<2x40xi32, #tpu.memory_space<hbm>>
        tpu.wait_dma2 semaphore(%arg18 : memref<!tpu.dma_semaphore, #tpu.memory_space<semaphore_mem>>) src(%dma_wait3A_284 : memref<2x40xi32, #tpu.memory_space<hbm>>) dst(%arg9 : memref<2x40xi32, #tpu.memory_space<vmem>>)
        %dma_start3A_285 = arith.constant 0 : i32
        %dma_start3A_286 = arith.constant 0 : i32
        %dma_start3A_287 = tpu.memref_slice %arg9[%dma_start3A_285, %dma_start3A_286] : memref<2x40xi32, #tpu.memory_space<vmem>> -> memref<1x40xi32, #tpu.memory_space<vmem>>
        %dma_start3A_288 = tpu.memref_squeeze %dma_start3A_287 : memref<1x40xi32, #tpu.memory_space<vmem>> -> memref<40xi32, #tpu.memory_space<vmem>>
        %dma_start3A_289 = arith.constant 0 : i32
        %dma_start3A_290 = arith.constant 0 : i32
        %dma_start3A_291 = tpu.memref_slice %arg3[%dma_start3A_289, %dma_start3A_290] : memref<10000x128xf32, #tpu.memory_space<hbm>> -> memref<10000x128xf32, #tpu.memory_space<hbm>>
        tpu.enqueue_indirect_dma source(%dma_start3A_291 : memref<10000x128xf32, #tpu.memory_space<hbm>>) target(%arg15 : memref<40x128xf32, #tpu.memory_space<vmem>>) offsets(%dma_start3A_288 : memref<40xi32, #tpu.memory_space<vmem>>) semaphore(%arg24 : memref<!tpu.dma_semaphore, #tpu.memory_space<semaphore_mem>>)
      } else {
      }
      %add3A_266 = arith.constant 3 : i32
      %add3A_267 = arith.addi %add3A_243, %add3A_266 : i32
      %lt3A_268 = arith.constant 250 : i32
      %lt3A_269 = arith.cmpi slt, %add3A_267, %lt3A_268 : i32
      %convert_element_type3A_270 = arith.extui %lt3A_269 : i1 to i32
      %cond3A_271 = arith.constant 0 : i32
      %cond3A_272 = arith.cmpi ne, %convert_element_type3A_270, %cond3A_271 : i32
      scf.if %cond3A_272 {
        %add3A_273 = arith.constant 3 : i32
        %add3A_274 = arith.addi %add3A_243, %add3A_273 : i32
        %dma_start3A_275 = arith.constant 0 : i32
        %dma_start3A_276 = arith.constant 0 : i32
        %dma_start3A_277 = tpu.memref_slice %arg2[%add3A, %add3A_274, %dma_start3A_275, %dma_start3A_276] : memref<32x250x2x40xi32, #tpu.memory_space<hbm>> -> memref<1x1x2x40xi32, #tpu.memory_space<hbm>>
        %dma_start3A_278 = tpu.memref_squeeze %dma_start3A_277 : memref<1x1x2x40xi32, #tpu.memory_space<hbm>> -> memref<2x40xi32, #tpu.memory_space<hbm>>
        %dma_start3A_279 = arith.constant 0 : i32
        %dma_start3A_280 = arith.constant 0 : i32
        %dma_start3A_281 = tpu.memref_slice %arg2[%add3A, %add3A_274, %dma_start3A_279, %dma_start3A_280] : memref<32x250x2x40xi32, #tpu.memory_space<hbm>> -> memref<1x1x2x40xi32, #tpu.memory_space<hbm>>
        %dma_start3A_282 = tpu.memref_squeeze %dma_start3A_281 : memref<1x1x2x40xi32, #tpu.memory_space<hbm>> -> memref<2x40xi32, #tpu.memory_space<hbm>>
        tpu.enqueue_dma source(%dma_start3A_282 : memref<2x40xi32, #tpu.memory_space<hbm>>) target(%arg10 : memref<2x40xi32, #tpu.memory_space<vmem>>) target_semaphore(%arg19 : memref<!tpu.dma_semaphore, #tpu.memory_space<semaphore_mem>>)
      } else {
      }
    }
    %scan3A_75 = arith.constant 42 : i32
    "tpu.region"() ({
      %run_scoped3A = tpu.sem_alloc : memref<!tpu.dma_semaphore, #tpu.memory_space<semaphore_mem>>
      %dma_start3A_80 = arith.constant 0 : i32
      %dma_start3A_81 = tpu.memref_slice %arg7[%add3A, %dma_start3A_80] : memref<32x10240xf32, #tpu.memory_space<hbm>> -> memref<1x10240xf32, #tpu.memory_space<hbm>>
      %dma_start3A_82 = tpu.memref_squeeze %dma_start3A_81 : memref<1x10240xf32, #tpu.memory_space<hbm>> -> memref<10240xf32, #tpu.memory_space<hbm>>
      %dma_start3A_83 = arith.constant 0 : i32
      %dma_start3A_84 = tpu.memref_slice %arg7[%add3A, %dma_start3A_83] : memref<32x10240xf32, #tpu.memory_space<hbm>> -> memref<1x10240xf32, #tpu.memory_space<hbm>>
      %dma_start3A_85 = tpu.memref_squeeze %dma_start3A_84 : memref<1x10240xf32, #tpu.memory_space<hbm>> -> memref<10240xf32, #tpu.memory_space<hbm>>
      tpu.enqueue_dma source(%arg30 : memref<10240xf32, #tpu.memory_space<vmem>>) target(%dma_start3A_85 : memref<10240xf32, #tpu.memory_space<hbm>>) target_semaphore(%run_scoped3A : memref<!tpu.dma_semaphore, #tpu.memory_space<semaphore_mem>>)
      %dma_wait3A_86 = arith.constant 0 : i32
      %dma_wait3A_87 = tpu.memref_slice %arg7[%add3A, %dma_wait3A_86] : memref<32x10240xf32, #tpu.memory_space<hbm>> -> memref<1x10240xf32, #tpu.memory_space<hbm>>
      %dma_wait3A_88 = tpu.memref_squeeze %dma_wait3A_87 : memref<1x10240xf32, #tpu.memory_space<hbm>> -> memref<10240xf32, #tpu.memory_space<hbm>>
      %dma_wait3A_89 = arith.constant 0 : i32
      %dma_wait3A_90 = tpu.memref_slice %arg7[%add3A, %dma_wait3A_89] : memref<32x10240xf32, #tpu.memory_space<hbm>> -> memref<1x10240xf32, #tpu.memory_space<hbm>>
      %dma_wait3A_91 = tpu.memref_squeeze %dma_wait3A_90 : memref<1x10240xf32, #tpu.memory_space<hbm>> -> memref<10240xf32, #tpu.memory_space<hbm>>
      tpu.wait_dma2 semaphore(%run_scoped3A : memref<!tpu.dma_semaphore, #tpu.memory_space<semaphore_mem>>) src(%arg30 : memref<10240xf32, #tpu.memory_space<vmem>>) dst(%dma_wait3A_91 : memref<10240xf32, #tpu.memory_space<hbm>>)
      tpu.yield
    }) : () -> ()
    %barrier3A_76 = arith.constant 0 : index
    tpu.barrier barrier_id(%barrier3A_76)
    %mul3A_77 = arith.constant 10240 : i32
    %mul3A_78 = arith.muli %arg0, %mul3A_77 : i32
    %add3A_79 = arith.addi %mul3A_78, %mul3A_2 : i32
    "tpu.region"() ({
      %run_scoped3A = tpu.sem_alloc : memref<!tpu.dma_semaphore, #tpu.memory_space<semaphore_mem>>
      %dma_start3A_80 = arith.constant 0 : i32
      %dma_start3A_81 = tpu.memref_slice %arg6[%add3A_79, %dma_start3A_80] : memref<20480x128xf32, #tpu.memory_space<hbm>> -> memref<640x128xf32, #tpu.memory_space<hbm>>
      %dma_start3A_82 = arith.constant 0 : i32
      %dma_start3A_83 = tpu.memref_slice %arg31[%mul3A_2, %dma_start3A_82] : memref<10240x128xf32, #tpu.memory_space<vmem_shared>> -> memref<640x128xf32, #tpu.memory_space<vmem_shared>>
      tpu.enqueue_dma source(%dma_start3A_83 : memref<640x128xf32, #tpu.memory_space<vmem_shared>>) target(%dma_start3A_81 : memref<640x128xf32, #tpu.memory_space<hbm>>) target_semaphore(%run_scoped3A : memref<!tpu.dma_semaphore, #tpu.memory_space<semaphore_mem>>)
      %dma_wait3A_84 = arith.constant 0 : i32
      %dma_wait3A_85 = tpu.memref_slice %arg6[%add3A_79, %dma_wait3A_84] : memref<20480x128xf32, #tpu.memory_space<hbm>> -> memref<640x128xf32, #tpu.memory_space<hbm>>
      %dma_wait3A_86 = arith.constant 0 : i32
      %dma_wait3A_87 = tpu.memref_slice %arg31[%mul3A_2, %dma_wait3A_86] : memref<10240x128xf32, #tpu.memory_space<vmem_shared>> -> memref<640x128xf32, #tpu.memory_space<vmem_shared>>
      tpu.wait_dma2 semaphore(%run_scoped3A : memref<!tpu.dma_semaphore, #tpu.memory_space<semaphore_mem>>) src(%dma_wait3A_87 : memref<640x128xf32, #tpu.memory_space<vmem_shared>>) dst(%dma_wait3A_85 : memref<640x128xf32, #tpu.memory_space<hbm>>)
      tpu.yield
    }) : () -> ()
    return
  }
}

#map = affine_map<(d0, d1) -> (0, 0, 0, 0)>
#map1 = affine_map<(d0, d1) -> (0, 0)>
module attributes {stable_mosaic.version = 14 : i64} {
  func.func @_edge_scatter(%arg0: i32, %arg1: i32, %arg2: memref<32x250x2x40xi32, #tpu.memory_space<hbm>>, %arg3: memref<10000x128xf32, #tpu.memory_space<hbm>>, %arg4: memref<10240x128xf32, #tpu.memory_space<hbm>>, %arg5: memref<20480x128xf32, #tpu.memory_space<hbm>>, %arg6: memref<2x40xi32, #tpu.memory_space<vmem>>, %arg7: memref<2x40xi32, #tpu.memory_space<vmem>>, %arg8: memref<2x40xi32, #tpu.memory_space<vmem>>, %arg9: memref<2x40xi32, #tpu.memory_space<vmem>>, %arg10: memref<2x40xi32, #tpu.memory_space<vmem>>, %arg11: memref<2x40xi32, #tpu.memory_space<vmem>>, %arg12: memref<40x128xf32, #tpu.memory_space<vmem>>, %arg13: memref<40x128xf32, #tpu.memory_space<vmem>>, %arg14: memref<40x128xf32, #tpu.memory_space<vmem>>, %arg15: memref<!tpu.dma_semaphore, #tpu.memory_space<semaphore_mem>>, %arg16: memref<!tpu.dma_semaphore, #tpu.memory_space<semaphore_mem>>, %arg17: memref<!tpu.dma_semaphore, #tpu.memory_space<semaphore_mem>>, %arg18: memref<!tpu.dma_semaphore, #tpu.memory_space<semaphore_mem>>, %arg19: memref<!tpu.dma_semaphore, #tpu.memory_space<semaphore_mem>>, %arg20: memref<!tpu.dma_semaphore, #tpu.memory_space<semaphore_mem>>, %arg21: memref<!tpu.dma_semaphore, #tpu.memory_space<semaphore_mem>>, %arg22: memref<!tpu.dma_semaphore, #tpu.memory_space<semaphore_mem>>, %arg23: memref<!tpu.dma_semaphore, #tpu.memory_space<semaphore_mem>>, %arg24: memref<!tpu.dma_semaphore, #tpu.memory_space<semaphore_mem>>, %arg25: memref<!tpu.dma_semaphore, #tpu.memory_space<semaphore_mem>>, %arg26: memref<!tpu.dma_semaphore, #tpu.memory_space<semaphore_mem>>, %arg27: memref<!tpu.dma_semaphore, #tpu.memory_space<semaphore_mem>>, %arg28: memref<10240x128xf32, #tpu.memory_space<vmem_shared>>) attributes {dimension_semantics = [#tpu.dimension_semantics<core_parallel>, #tpu.dimension_semantics<subcore_parallel>], iteration_bounds = array<i64: 2, 16>, scalar_prefetch = 0 : i64, scratch_operands = 23 : i64, tpu.core_type = #tpu.core_type<sc_vector_subcore>, window_params = [{transform_indices = #map}, {transform_indices = #map1}, {transform_indices = #map1}, {transform_indices = #map1}]} {
    %mul3A = arith.constant 16 : i32
    %mul3A_0 = arith.muli %arg0, %mul3A : i32
    %add3A = arith.addi %mul3A_0, %arg1 : i32
    %mul3A_1 = arith.constant 640 : i32
    %mul3A_2 = arith.muli %arg1, %mul3A_1 : i32
    %dma_start3A = arith.constant 0 : i32
    %dma_start3A_3 = tpu.memref_slice %arg28[%mul3A_2, %dma_start3A] : memref<10240x128xf32, #tpu.memory_space<vmem_shared>> -> memref<640x128xf32, #tpu.memory_space<vmem_shared>>
    %dma_start3A_4 = arith.constant 0 : i32
    %dma_start3A_5 = tpu.memref_slice %arg4[%mul3A_2, %dma_start3A_4] : memref<10240x128xf32, #tpu.memory_space<hbm>> -> memref<640x128xf32, #tpu.memory_space<hbm>>
    tpu.enqueue_dma source(%dma_start3A_5 : memref<640x128xf32, #tpu.memory_space<hbm>>) target(%dma_start3A_3 : memref<640x128xf32, #tpu.memory_space<vmem_shared>>) target_semaphore(%arg27 : memref<!tpu.dma_semaphore, #tpu.memory_space<semaphore_mem>>)
    %dma_start3A_6 = arith.constant 0 : i32
    %dma_start3A_7 = arith.constant 0 : i32
    %dma_start3A_8 = arith.constant 0 : i32
    %dma_start3A_9 = tpu.memref_slice %arg2[%add3A, %dma_start3A_6, %dma_start3A_7, %dma_start3A_8] : memref<32x250x2x40xi32, #tpu.memory_space<hbm>> -> memref<1x1x2x40xi32, #tpu.memory_space<hbm>>
    %dma_start3A_10 = tpu.memref_squeeze %dma_start3A_9 : memref<1x1x2x40xi32, #tpu.memory_space<hbm>> -> memref<2x40xi32, #tpu.memory_space<hbm>>
    %dma_start3A_11 = arith.constant 0 : i32
    %dma_start3A_12 = arith.constant 0 : i32
    %dma_start3A_13 = tpu.memref_slice %arg2[%add3A, %dma_start3A_6, %dma_start3A_11, %dma_start3A_12] : memref<32x250x2x40xi32, #tpu.memory_space<hbm>> -> memref<1x1x2x40xi32, #tpu.memory_space<hbm>>
    %dma_start3A_14 = tpu.memref_squeeze %dma_start3A_13 : memref<1x1x2x40xi32, #tpu.memory_space<hbm>> -> memref<2x40xi32, #tpu.memory_space<hbm>>
    tpu.enqueue_dma source(%dma_start3A_14 : memref<2x40xi32, #tpu.memory_space<hbm>>) target(%arg6 : memref<2x40xi32, #tpu.memory_space<vmem>>) target_semaphore(%arg15 : memref<!tpu.dma_semaphore, #tpu.memory_space<semaphore_mem>>)
    %dma_start3A_15 = arith.constant 1 : i32
    %dma_start3A_16 = arith.constant 0 : i32
    %dma_start3A_17 = arith.constant 0 : i32
    %dma_start3A_18 = tpu.memref_slice %arg2[%add3A, %dma_start3A_15, %dma_start3A_16, %dma_start3A_17] : memref<32x250x2x40xi32, #tpu.memory_space<hbm>> -> memref<1x1x2x40xi32, #tpu.memory_space<hbm>>
    %dma_start3A_19 = tpu.memref_squeeze %dma_start3A_18 : memref<1x1x2x40xi32, #tpu.memory_space<hbm>> -> memref<2x40xi32, #tpu.memory_space<hbm>>
    %dma_start3A_20 = arith.constant 0 : i32
    %dma_start3A_21 = arith.constant 0 : i32
    %dma_start3A_22 = tpu.memref_slice %arg2[%add3A, %dma_start3A_15, %dma_start3A_20, %dma_start3A_21] : memref<32x250x2x40xi32, #tpu.memory_space<hbm>> -> memref<1x1x2x40xi32, #tpu.memory_space<hbm>>
    %dma_start3A_23 = tpu.memref_squeeze %dma_start3A_22 : memref<1x1x2x40xi32, #tpu.memory_space<hbm>> -> memref<2x40xi32, #tpu.memory_space<hbm>>
    tpu.enqueue_dma source(%dma_start3A_23 : memref<2x40xi32, #tpu.memory_space<hbm>>) target(%arg7 : memref<2x40xi32, #tpu.memory_space<vmem>>) target_semaphore(%arg16 : memref<!tpu.dma_semaphore, #tpu.memory_space<semaphore_mem>>)
    %dma_start3A_24 = arith.constant 2 : i32
    %dma_start3A_25 = arith.constant 0 : i32
    %dma_start3A_26 = arith.constant 0 : i32
    %dma_start3A_27 = tpu.memref_slice %arg2[%add3A, %dma_start3A_24, %dma_start3A_25, %dma_start3A_26] : memref<32x250x2x40xi32, #tpu.memory_space<hbm>> -> memref<1x1x2x40xi32, #tpu.memory_space<hbm>>
    %dma_start3A_28 = tpu.memref_squeeze %dma_start3A_27 : memref<1x1x2x40xi32, #tpu.memory_space<hbm>> -> memref<2x40xi32, #tpu.memory_space<hbm>>
    %dma_start3A_29 = arith.constant 0 : i32
    %dma_start3A_30 = arith.constant 0 : i32
    %dma_start3A_31 = tpu.memref_slice %arg2[%add3A, %dma_start3A_24, %dma_start3A_29, %dma_start3A_30] : memref<32x250x2x40xi32, #tpu.memory_space<hbm>> -> memref<1x1x2x40xi32, #tpu.memory_space<hbm>>
    %dma_start3A_32 = tpu.memref_squeeze %dma_start3A_31 : memref<1x1x2x40xi32, #tpu.memory_space<hbm>> -> memref<2x40xi32, #tpu.memory_space<hbm>>
    tpu.enqueue_dma source(%dma_start3A_32 : memref<2x40xi32, #tpu.memory_space<hbm>>) target(%arg8 : memref<2x40xi32, #tpu.memory_space<vmem>>) target_semaphore(%arg17 : memref<!tpu.dma_semaphore, #tpu.memory_space<semaphore_mem>>)
    %dma_wait3A = arith.constant 0 : i32
    %dma_wait3A_33 = arith.constant 0 : i32
    %dma_wait3A_34 = arith.constant 0 : i32
    %dma_wait3A_35 = tpu.memref_slice %arg2[%add3A, %dma_wait3A, %dma_wait3A_33, %dma_wait3A_34] : memref<32x250x2x40xi32, #tpu.memory_space<hbm>> -> memref<1x1x2x40xi32, #tpu.memory_space<hbm>>
    %dma_wait3A_36 = tpu.memref_squeeze %dma_wait3A_35 : memref<1x1x2x40xi32, #tpu.memory_space<hbm>> -> memref<2x40xi32, #tpu.memory_space<hbm>>
    %dma_wait3A_37 = arith.constant 0 : i32
    %dma_wait3A_38 = arith.constant 0 : i32
    %dma_wait3A_39 = tpu.memref_slice %arg2[%add3A, %dma_wait3A, %dma_wait3A_37, %dma_wait3A_38] : memref<32x250x2x40xi32, #tpu.memory_space<hbm>> -> memref<1x1x2x40xi32, #tpu.memory_space<hbm>>
    %dma_wait3A_40 = tpu.memref_squeeze %dma_wait3A_39 : memref<1x1x2x40xi32, #tpu.memory_space<hbm>> -> memref<2x40xi32, #tpu.memory_space<hbm>>
    tpu.wait_dma2 semaphore(%arg15 : memref<!tpu.dma_semaphore, #tpu.memory_space<semaphore_mem>>) src(%dma_wait3A_40 : memref<2x40xi32, #tpu.memory_space<hbm>>) dst(%arg6 : memref<2x40xi32, #tpu.memory_space<vmem>>)
    %dma_start3A_41 = arith.constant 0 : i32
    %dma_start3A_42 = arith.constant 0 : i32
    %dma_start3A_43 = tpu.memref_slice %arg6[%dma_start3A_41, %dma_start3A_42] : memref<2x40xi32, #tpu.memory_space<vmem>> -> memref<1x40xi32, #tpu.memory_space<vmem>>
    %dma_start3A_44 = tpu.memref_squeeze %dma_start3A_43 : memref<1x40xi32, #tpu.memory_space<vmem>> -> memref<40xi32, #tpu.memory_space<vmem>>
    %dma_start3A_45 = arith.constant 0 : i32
    %dma_start3A_46 = arith.constant 0 : i32
    %dma_start3A_47 = tpu.memref_slice %arg3[%dma_start3A_45, %dma_start3A_46] : memref<10000x128xf32, #tpu.memory_space<hbm>> -> memref<10000x128xf32, #tpu.memory_space<hbm>>
    tpu.enqueue_indirect_dma source(%dma_start3A_47 : memref<10000x128xf32, #tpu.memory_space<hbm>>) target(%arg12 : memref<40x128xf32, #tpu.memory_space<vmem>>) offsets(%dma_start3A_44 : memref<40xi32, #tpu.memory_space<vmem>>) semaphore(%arg21 : memref<!tpu.dma_semaphore, #tpu.memory_space<semaphore_mem>>)
    %dma_wait3A_48 = arith.constant 1 : i32
    %dma_wait3A_49 = arith.constant 0 : i32
    %dma_wait3A_50 = arith.constant 0 : i32
    %dma_wait3A_51 = tpu.memref_slice %arg2[%add3A, %dma_wait3A_48, %dma_wait3A_49, %dma_wait3A_50] : memref<32x250x2x40xi32, #tpu.memory_space<hbm>> -> memref<1x1x2x40xi32, #tpu.memory_space<hbm>>
    %dma_wait3A_52 = tpu.memref_squeeze %dma_wait3A_51 : memref<1x1x2x40xi32, #tpu.memory_space<hbm>> -> memref<2x40xi32, #tpu.memory_space<hbm>>
    %dma_wait3A_53 = arith.constant 0 : i32
    %dma_wait3A_54 = arith.constant 0 : i32
    %dma_wait3A_55 = tpu.memref_slice %arg2[%add3A, %dma_wait3A_48, %dma_wait3A_53, %dma_wait3A_54] : memref<32x250x2x40xi32, #tpu.memory_space<hbm>> -> memref<1x1x2x40xi32, #tpu.memory_space<hbm>>
    %dma_wait3A_56 = tpu.memref_squeeze %dma_wait3A_55 : memref<1x1x2x40xi32, #tpu.memory_space<hbm>> -> memref<2x40xi32, #tpu.memory_space<hbm>>
    tpu.wait_dma2 semaphore(%arg16 : memref<!tpu.dma_semaphore, #tpu.memory_space<semaphore_mem>>) src(%dma_wait3A_56 : memref<2x40xi32, #tpu.memory_space<hbm>>) dst(%arg7 : memref<2x40xi32, #tpu.memory_space<vmem>>)
    %dma_start3A_57 = arith.constant 0 : i32
    %dma_start3A_58 = arith.constant 0 : i32
    %dma_start3A_59 = tpu.memref_slice %arg7[%dma_start3A_57, %dma_start3A_58] : memref<2x40xi32, #tpu.memory_space<vmem>> -> memref<1x40xi32, #tpu.memory_space<vmem>>
    %dma_start3A_60 = tpu.memref_squeeze %dma_start3A_59 : memref<1x40xi32, #tpu.memory_space<vmem>> -> memref<40xi32, #tpu.memory_space<vmem>>
    %dma_start3A_61 = arith.constant 0 : i32
    %dma_start3A_62 = arith.constant 0 : i32
    %dma_start3A_63 = tpu.memref_slice %arg3[%dma_start3A_61, %dma_start3A_62] : memref<10000x128xf32, #tpu.memory_space<hbm>> -> memref<10000x128xf32, #tpu.memory_space<hbm>>
    tpu.enqueue_indirect_dma source(%dma_start3A_63 : memref<10000x128xf32, #tpu.memory_space<hbm>>) target(%arg13 : memref<40x128xf32, #tpu.memory_space<vmem>>) offsets(%dma_start3A_60 : memref<40xi32, #tpu.memory_space<vmem>>) semaphore(%arg22 : memref<!tpu.dma_semaphore, #tpu.memory_space<semaphore_mem>>)
    %dma_wait3A_64 = arith.constant 0 : i32
    %dma_wait3A_65 = tpu.memref_slice %arg28[%mul3A_2, %dma_wait3A_64] : memref<10240x128xf32, #tpu.memory_space<vmem_shared>> -> memref<640x128xf32, #tpu.memory_space<vmem_shared>>
    %dma_wait3A_66 = arith.constant 0 : i32
    %dma_wait3A_67 = tpu.memref_slice %arg4[%mul3A_2, %dma_wait3A_66] : memref<10240x128xf32, #tpu.memory_space<hbm>> -> memref<640x128xf32, #tpu.memory_space<hbm>>
    tpu.wait_dma2 semaphore(%arg27 : memref<!tpu.dma_semaphore, #tpu.memory_space<semaphore_mem>>) src(%dma_wait3A_67 : memref<640x128xf32, #tpu.memory_space<hbm>>) dst(%dma_wait3A_65 : memref<640x128xf32, #tpu.memory_space<vmem_shared>>)
    %barrier3A = arith.constant 0 : index
    tpu.barrier barrier_id(%barrier3A)
    %broadcast_in_dim3A = arith.constant 1.000000e+00 : f32
    %broadcast_in_dim3A_68 = vector.broadcast %broadcast_in_dim3A : f32 to vector<16xf32>
    %iota3A = tpu.iota {dimensions = array<i32: 0>} : vector<16xi32>
    %ge3A = arith.constant 8 : i32
    %ge3A_69 = vector.broadcast %ge3A : i32 to vector<16xi32>
    %ge3A_70 = arith.cmpi sge, %iota3A, %ge3A_69 : vector<16xi32>
    %scan3A = arith.constant 0 : i32
    %scan3A_71 = arith.constant 0 : i32
    %scan3A_72 = arith.constant 42 : i32
    %scan3A_73 = arith.addi %scan3A_71, %scan3A_72 : i32
    %scan3A_74 = arith.constant 1 : i32
    scf.for %scan3A_80 = %scan3A_71 to %scan3A_73 step %scan3A_74  : i32 {
      %mul3A_81 = arith.constant 6 : i32
      %mul3A_82 = arith.muli %scan3A_80, %mul3A_81 : i32
      %add3A_83 = arith.constant 0 : i32
      %add3A_84 = arith.addi %mul3A_82, %add3A_83 : i32
      %lt3A = arith.constant 250 : i32
      %lt3A_85 = arith.cmpi slt, %add3A_84, %lt3A : i32
      %convert_element_type3A = arith.extui %lt3A_85 : i1 to i32
      %cond3A = arith.constant 0 : i32
      %cond3A_86 = arith.cmpi ne, %convert_element_type3A, %cond3A : i32
      scf.if %cond3A_86 {
        %dma_wait3A_273 = arith.constant 0 : i32
        %dma_wait3A_274 = arith.constant 0 : i32
        %dma_wait3A_275 = tpu.memref_slice %arg6[%dma_wait3A_273, %dma_wait3A_274] : memref<2x40xi32, #tpu.memory_space<vmem>> -> memref<1x40xi32, #tpu.memory_space<vmem>>
        %dma_wait3A_276 = tpu.memref_squeeze %dma_wait3A_275 : memref<1x40xi32, #tpu.memory_space<vmem>> -> memref<40xi32, #tpu.memory_space<vmem>>
        %dma_wait3A_277 = arith.constant 0 : i32
        %dma_wait3A_278 = arith.constant 0 : i32
        %dma_wait3A_279 = tpu.memref_slice %arg3[%dma_wait3A_277, %dma_wait3A_278] : memref<10000x128xf32, #tpu.memory_space<hbm>> -> memref<10000x128xf32, #tpu.memory_space<hbm>>
        tpu.wait_indirect_dma semaphore(%arg21 : memref<!tpu.dma_semaphore, #tpu.memory_space<semaphore_mem>>) src(%dma_wait3A_279 : memref<10000x128xf32, #tpu.memory_space<hbm>>) dst(%arg12 : memref<40x128xf32, #tpu.memory_space<vmem>>)
        %dma_start3A_280 = arith.constant 1 : i32
        %dma_start3A_281 = arith.constant 0 : i32
        %dma_start3A_282 = tpu.memref_slice %arg6[%dma_start3A_280, %dma_start3A_281] : memref<2x40xi32, #tpu.memory_space<vmem>> -> memref<1x40xi32, #tpu.memory_space<vmem>>
        %dma_start3A_283 = tpu.memref_squeeze %dma_start3A_282 : memref<1x40xi32, #tpu.memory_space<vmem>> -> memref<40xi32, #tpu.memory_space<vmem>>
        %dma_start3A_284 = arith.constant 0 : i32
        %dma_start3A_285 = arith.constant 0 : i32
        %dma_start3A_286 = tpu.memref_slice %arg28[%dma_start3A_284, %dma_start3A_285] : memref<10240x128xf32, #tpu.memory_space<vmem_shared>> -> memref<10240x128xf32, #tpu.memory_space<vmem_shared>>
        tpu.enqueue_indirect_dma source(%arg12 : memref<40x128xf32, #tpu.memory_space<vmem>>) target(%dma_start3A_286 : memref<10240x128xf32, #tpu.memory_space<vmem_shared>>) offsets(%dma_start3A_283 : memref<40xi32, #tpu.memory_space<vmem>>) semaphore(%arg24 : memref<!tpu.dma_semaphore, #tpu.memory_space<semaphore_mem>>) {add = true}
      } else {
      }
      %ge3A_87 = arith.constant 1 : i32
      %ge3A_88 = arith.cmpi sge, %add3A_84, %ge3A_87 : i32
      %le3A = arith.constant 250 : i32
      %le3A_89 = arith.cmpi sle, %add3A_84, %le3A : i32
      %and3A = arith.andi %ge3A_88, %le3A_89 : i1
      %convert_element_type3A_90 = arith.extui %and3A : i1 to i32
      %cond3A_91 = arith.constant 0 : i32
      %cond3A_92 = arith.cmpi ne, %convert_element_type3A_90, %cond3A_91 : i32
      scf.if %cond3A_92 {
        %dma_wait3A_273 = arith.constant 1 : i32
        %dma_wait3A_274 = arith.constant 0 : i32
        %dma_wait3A_275 = tpu.memref_slice %arg11[%dma_wait3A_273, %dma_wait3A_274] : memref<2x40xi32, #tpu.memory_space<vmem>> -> memref<1x40xi32, #tpu.memory_space<vmem>>
        %dma_wait3A_276 = tpu.memref_squeeze %dma_wait3A_275 : memref<1x40xi32, #tpu.memory_space<vmem>> -> memref<40xi32, #tpu.memory_space<vmem>>
        %dma_wait3A_277 = arith.constant 0 : i32
        %dma_wait3A_278 = arith.constant 0 : i32
        %dma_wait3A_279 = tpu.memref_slice %arg28[%dma_wait3A_277, %dma_wait3A_278] : memref<10240x128xf32, #tpu.memory_space<vmem_shared>> -> memref<10240x128xf32, #tpu.memory_space<vmem_shared>>
        tpu.wait_indirect_dma semaphore(%arg26 : memref<!tpu.dma_semaphore, #tpu.memory_space<semaphore_mem>>) src(%arg14 : memref<40x128xf32, #tpu.memory_space<vmem>>) dst(%dma_wait3A_279 : memref<10240x128xf32, #tpu.memory_space<vmem_shared>>)
      } else {
      }
      %add3A_93 = arith.constant 3 : i32
      %add3A_94 = arith.addi %add3A_84, %add3A_93 : i32
      %sub3A = arith.constant 1 : i32
      %sub3A_95 = arith.subi %add3A_94, %sub3A : i32
      %lt3A_96 = arith.constant 250 : i32
      %lt3A_97 = arith.cmpi slt, %sub3A_95, %lt3A_96 : i32
      %convert_element_type3A_98 = arith.extui %lt3A_97 : i1 to i32
      %cond3A_99 = arith.constant 0 : i32
      %cond3A_100 = arith.cmpi ne, %convert_element_type3A_98, %cond3A_99 : i32
      scf.if %cond3A_100 {
        %add3A_273 = arith.constant 3 : i32
        %add3A_274 = arith.addi %add3A_84, %add3A_273 : i32
        %sub3A_275 = arith.constant 1 : i32
        %sub3A_276 = arith.subi %add3A_274, %sub3A_275 : i32
        %dma_wait3A_277 = arith.constant 0 : i32
        %dma_wait3A_278 = arith.constant 0 : i32
        %dma_wait3A_279 = tpu.memref_slice %arg2[%add3A, %sub3A_276, %dma_wait3A_277, %dma_wait3A_278] : memref<32x250x2x40xi32, #tpu.memory_space<hbm>> -> memref<1x1x2x40xi32, #tpu.memory_space<hbm>>
        %dma_wait3A_280 = tpu.memref_squeeze %dma_wait3A_279 : memref<1x1x2x40xi32, #tpu.memory_space<hbm>> -> memref<2x40xi32, #tpu.memory_space<hbm>>
        %dma_wait3A_281 = arith.constant 0 : i32
        %dma_wait3A_282 = arith.constant 0 : i32
        %dma_wait3A_283 = tpu.memref_slice %arg2[%add3A, %sub3A_276, %dma_wait3A_281, %dma_wait3A_282] : memref<32x250x2x40xi32, #tpu.memory_space<hbm>> -> memref<1x1x2x40xi32, #tpu.memory_space<hbm>>
        %dma_wait3A_284 = tpu.memref_squeeze %dma_wait3A_283 : memref<1x1x2x40xi32, #tpu.memory_space<hbm>> -> memref<2x40xi32, #tpu.memory_space<hbm>>
        tpu.wait_dma2 semaphore(%arg17 : memref<!tpu.dma_semaphore, #tpu.memory_space<semaphore_mem>>) src(%dma_wait3A_284 : memref<2x40xi32, #tpu.memory_space<hbm>>) dst(%arg8 : memref<2x40xi32, #tpu.memory_space<vmem>>)
        %dma_start3A_285 = arith.constant 0 : i32
        %dma_start3A_286 = arith.constant 0 : i32
        %dma_start3A_287 = tpu.memref_slice %arg8[%dma_start3A_285, %dma_start3A_286] : memref<2x40xi32, #tpu.memory_space<vmem>> -> memref<1x40xi32, #tpu.memory_space<vmem>>
        %dma_start3A_288 = tpu.memref_squeeze %dma_start3A_287 : memref<1x40xi32, #tpu.memory_space<vmem>> -> memref<40xi32, #tpu.memory_space<vmem>>
        %dma_start3A_289 = arith.constant 0 : i32
        %dma_start3A_290 = arith.constant 0 : i32
        %dma_start3A_291 = tpu.memref_slice %arg3[%dma_start3A_289, %dma_start3A_290] : memref<10000x128xf32, #tpu.memory_space<hbm>> -> memref<10000x128xf32, #tpu.memory_space<hbm>>
        tpu.enqueue_indirect_dma source(%dma_start3A_291 : memref<10000x128xf32, #tpu.memory_space<hbm>>) target(%arg14 : memref<40x128xf32, #tpu.memory_space<vmem>>) offsets(%dma_start3A_288 : memref<40xi32, #tpu.memory_space<vmem>>) semaphore(%arg23 : memref<!tpu.dma_semaphore, #tpu.memory_space<semaphore_mem>>)
      } else {
      }
      %add3A_101 = arith.constant 3 : i32
      %add3A_102 = arith.addi %add3A_84, %add3A_101 : i32
      %lt3A_103 = arith.constant 250 : i32
      %lt3A_104 = arith.cmpi slt, %add3A_102, %lt3A_103 : i32
      %convert_element_type3A_105 = arith.extui %lt3A_104 : i1 to i32
      %cond3A_106 = arith.constant 0 : i32
      %cond3A_107 = arith.cmpi ne, %convert_element_type3A_105, %cond3A_106 : i32
      scf.if %cond3A_107 {
        %add3A_273 = arith.constant 3 : i32
        %add3A_274 = arith.addi %add3A_84, %add3A_273 : i32
        %dma_start3A_275 = arith.constant 0 : i32
        %dma_start3A_276 = arith.constant 0 : i32
        %dma_start3A_277 = tpu.memref_slice %arg2[%add3A, %add3A_274, %dma_start3A_275, %dma_start3A_276] : memref<32x250x2x40xi32, #tpu.memory_space<hbm>> -> memref<1x1x2x40xi32, #tpu.memory_space<hbm>>
        %dma_start3A_278 = tpu.memref_squeeze %dma_start3A_277 : memref<1x1x2x40xi32, #tpu.memory_space<hbm>> -> memref<2x40xi32, #tpu.memory_space<hbm>>
        %dma_start3A_279 = arith.constant 0 : i32
        %dma_start3A_280 = arith.constant 0 : i32
        %dma_start3A_281 = tpu.memref_slice %arg2[%add3A, %add3A_274, %dma_start3A_279, %dma_start3A_280] : memref<32x250x2x40xi32, #tpu.memory_space<hbm>> -> memref<1x1x2x40xi32, #tpu.memory_space<hbm>>
        %dma_start3A_282 = tpu.memref_squeeze %dma_start3A_281 : memref<1x1x2x40xi32, #tpu.memory_space<hbm>> -> memref<2x40xi32, #tpu.memory_space<hbm>>
        tpu.enqueue_dma source(%dma_start3A_282 : memref<2x40xi32, #tpu.memory_space<hbm>>) target(%arg9 : memref<2x40xi32, #tpu.memory_space<vmem>>) target_semaphore(%arg18 : memref<!tpu.dma_semaphore, #tpu.memory_space<semaphore_mem>>)
      } else {
      }
      %mul3A_108 = arith.constant 6 : i32
      %mul3A_109 = arith.muli %scan3A_80, %mul3A_108 : i32
      %add3A_110 = arith.constant 1 : i32
      %add3A_111 = arith.addi %mul3A_109, %add3A_110 : i32
      %lt3A_112 = arith.constant 250 : i32
      %lt3A_113 = arith.cmpi slt, %add3A_111, %lt3A_112 : i32
      %convert_element_type3A_114 = arith.extui %lt3A_113 : i1 to i32
      %cond3A_115 = arith.constant 0 : i32
      %cond3A_116 = arith.cmpi ne, %convert_element_type3A_114, %cond3A_115 : i32
      scf.if %cond3A_116 {
        %dma_wait3A_273 = arith.constant 0 : i32
        %dma_wait3A_274 = arith.constant 0 : i32
        %dma_wait3A_275 = tpu.memref_slice %arg7[%dma_wait3A_273, %dma_wait3A_274] : memref<2x40xi32, #tpu.memory_space<vmem>> -> memref<1x40xi32, #tpu.memory_space<vmem>>
        %dma_wait3A_276 = tpu.memref_squeeze %dma_wait3A_275 : memref<1x40xi32, #tpu.memory_space<vmem>> -> memref<40xi32, #tpu.memory_space<vmem>>
        %dma_wait3A_277 = arith.constant 0 : i32
        %dma_wait3A_278 = arith.constant 0 : i32
        %dma_wait3A_279 = tpu.memref_slice %arg3[%dma_wait3A_277, %dma_wait3A_278] : memref<10000x128xf32, #tpu.memory_space<hbm>> -> memref<10000x128xf32, #tpu.memory_space<hbm>>
        tpu.wait_indirect_dma semaphore(%arg22 : memref<!tpu.dma_semaphore, #tpu.memory_space<semaphore_mem>>) src(%dma_wait3A_279 : memref<10000x128xf32, #tpu.memory_space<hbm>>) dst(%arg13 : memref<40x128xf32, #tpu.memory_space<vmem>>)
        %dma_start3A_280 = arith.constant 1 : i32
        %dma_start3A_281 = arith.constant 0 : i32
        %dma_start3A_282 = tpu.memref_slice %arg7[%dma_start3A_280, %dma_start3A_281] : memref<2x40xi32, #tpu.memory_space<vmem>> -> memref<1x40xi32, #tpu.memory_space<vmem>>
        %dma_start3A_283 = tpu.memref_squeeze %dma_start3A_282 : memref<1x40xi32, #tpu.memory_space<vmem>> -> memref<40xi32, #tpu.memory_space<vmem>>
        %dma_start3A_284 = arith.constant 0 : i32
        %dma_start3A_285 = arith.constant 0 : i32
        %dma_start3A_286 = tpu.memref_slice %arg28[%dma_start3A_284, %dma_start3A_285] : memref<10240x128xf32, #tpu.memory_space<vmem_shared>> -> memref<10240x128xf32, #tpu.memory_space<vmem_shared>>
        tpu.enqueue_indirect_dma source(%arg13 : memref<40x128xf32, #tpu.memory_space<vmem>>) target(%dma_start3A_286 : memref<10240x128xf32, #tpu.memory_space<vmem_shared>>) offsets(%dma_start3A_283 : memref<40xi32, #tpu.memory_space<vmem>>) semaphore(%arg25 : memref<!tpu.dma_semaphore, #tpu.memory_space<semaphore_mem>>) {add = true}
      } else {
      }
      %ge3A_117 = arith.constant 1 : i32
      %ge3A_118 = arith.cmpi sge, %add3A_111, %ge3A_117 : i32
      %le3A_119 = arith.constant 250 : i32
      %le3A_120 = arith.cmpi sle, %add3A_111, %le3A_119 : i32
      %and3A_121 = arith.andi %ge3A_118, %le3A_120 : i1
      %convert_element_type3A_122 = arith.extui %and3A_121 : i1 to i32
      %cond3A_123 = arith.constant 0 : i32
      %cond3A_124 = arith.cmpi ne, %convert_element_type3A_122, %cond3A_123 : i32
      scf.if %cond3A_124 {
        %dma_wait3A_273 = arith.constant 1 : i32
        %dma_wait3A_274 = arith.constant 0 : i32
        %dma_wait3A_275 = tpu.memref_slice %arg6[%dma_wait3A_273, %dma_wait3A_274] : memref<2x40xi32, #tpu.memory_space<vmem>> -> memref<1x40xi32, #tpu.memory_space<vmem>>
        %dma_wait3A_276 = tpu.memref_squeeze %dma_wait3A_275 : memref<1x40xi32, #tpu.memory_space<vmem>> -> memref<40xi32, #tpu.memory_space<vmem>>
        %dma_wait3A_277 = arith.constant 0 : i32
        %dma_wait3A_278 = arith.constant 0 : i32
        %dma_wait3A_279 = tpu.memref_slice %arg28[%dma_wait3A_277, %dma_wait3A_278] : memref<10240x128xf32, #tpu.memory_space<vmem_shared>> -> memref<10240x128xf32, #tpu.memory_space<vmem_shared>>
        tpu.wait_indirect_dma semaphore(%arg24 : memref<!tpu.dma_semaphore, #tpu.memory_space<semaphore_mem>>) src(%arg12 : memref<40x128xf32, #tpu.memory_space<vmem>>) dst(%dma_wait3A_279 : memref<10240x128xf32, #tpu.memory_space<vmem_shared>>)
      } else {
      }
      %add3A_125 = arith.constant 3 : i32
      %add3A_126 = arith.addi %add3A_111, %add3A_125 : i32
      %sub3A_127 = arith.constant 1 : i32
      %sub3A_128 = arith.subi %add3A_126, %sub3A_127 : i32
      %lt3A_129 = arith.constant 250 : i32
      %lt3A_130 = arith.cmpi slt, %sub3A_128, %lt3A_129 : i32
      %convert_element_type3A_131 = arith.extui %lt3A_130 : i1 to i32
      %cond3A_132 = arith.constant 0 : i32
      %cond3A_133 = arith.cmpi ne, %convert_element_type3A_131, %cond3A_132 : i32
      scf.if %cond3A_133 {
        %add3A_273 = arith.constant 3 : i32
        %add3A_274 = arith.addi %add3A_111, %add3A_273 : i32
        %sub3A_275 = arith.constant 1 : i32
        %sub3A_276 = arith.subi %add3A_274, %sub3A_275 : i32
        %dma_wait3A_277 = arith.constant 0 : i32
        %dma_wait3A_278 = arith.constant 0 : i32
        %dma_wait3A_279 = tpu.memref_slice %arg2[%add3A, %sub3A_276, %dma_wait3A_277, %dma_wait3A_278] : memref<32x250x2x40xi32, #tpu.memory_space<hbm>> -> memref<1x1x2x40xi32, #tpu.memory_space<hbm>>
        %dma_wait3A_280 = tpu.memref_squeeze %dma_wait3A_279 : memref<1x1x2x40xi32, #tpu.memory_space<hbm>> -> memref<2x40xi32, #tpu.memory_space<hbm>>
        %dma_wait3A_281 = arith.constant 0 : i32
        %dma_wait3A_282 = arith.constant 0 : i32
        %dma_wait3A_283 = tpu.memref_slice %arg2[%add3A, %sub3A_276, %dma_wait3A_281, %dma_wait3A_282] : memref<32x250x2x40xi32, #tpu.memory_space<hbm>> -> memref<1x1x2x40xi32, #tpu.memory_space<hbm>>
        %dma_wait3A_284 = tpu.memref_squeeze %dma_wait3A_283 : memref<1x1x2x40xi32, #tpu.memory_space<hbm>> -> memref<2x40xi32, #tpu.memory_space<hbm>>
        tpu.wait_dma2 semaphore(%arg18 : memref<!tpu.dma_semaphore, #tpu.memory_space<semaphore_mem>>) src(%dma_wait3A_284 : memref<2x40xi32, #tpu.memory_space<hbm>>) dst(%arg9 : memref<2x40xi32, #tpu.memory_space<vmem>>)
        %dma_start3A_285 = arith.constant 0 : i32
        %dma_start3A_286 = arith.constant 0 : i32
        %dma_start3A_287 = tpu.memref_slice %arg9[%dma_start3A_285, %dma_start3A_286] : memref<2x40xi32, #tpu.memory_space<vmem>> -> memref<1x40xi32, #tpu.memory_space<vmem>>
        %dma_start3A_288 = tpu.memref_squeeze %dma_start3A_287 : memref<1x40xi32, #tpu.memory_space<vmem>> -> memref<40xi32, #tpu.memory_space<vmem>>
        %dma_start3A_289 = arith.constant 0 : i32
        %dma_start3A_290 = arith.constant 0 : i32
        %dma_start3A_291 = tpu.memref_slice %arg3[%dma_start3A_289, %dma_start3A_290] : memref<10000x128xf32, #tpu.memory_space<hbm>> -> memref<10000x128xf32, #tpu.memory_space<hbm>>
        tpu.enqueue_indirect_dma source(%dma_start3A_291 : memref<10000x128xf32, #tpu.memory_space<hbm>>) target(%arg12 : memref<40x128xf32, #tpu.memory_space<vmem>>) offsets(%dma_start3A_288 : memref<40xi32, #tpu.memory_space<vmem>>) semaphore(%arg21 : memref<!tpu.dma_semaphore, #tpu.memory_space<semaphore_mem>>)
      } else {
      }
      %add3A_134 = arith.constant 3 : i32
      %add3A_135 = arith.addi %add3A_111, %add3A_134 : i32
      %lt3A_136 = arith.constant 250 : i32
      %lt3A_137 = arith.cmpi slt, %add3A_135, %lt3A_136 : i32
      %convert_element_type3A_138 = arith.extui %lt3A_137 : i1 to i32
      %cond3A_139 = arith.constant 0 : i32
      %cond3A_140 = arith.cmpi ne, %convert_element_type3A_138, %cond3A_139 : i32
      scf.if %cond3A_140 {
        %add3A_273 = arith.constant 3 : i32
        %add3A_274 = arith.addi %add3A_111, %add3A_273 : i32
        %dma_start3A_275 = arith.constant 0 : i32
        %dma_start3A_276 = arith.constant 0 : i32
        %dma_start3A_277 = tpu.memref_slice %arg2[%add3A, %add3A_274, %dma_start3A_275, %dma_start3A_276] : memref<32x250x2x40xi32, #tpu.memory_space<hbm>> -> memref<1x1x2x40xi32, #tpu.memory_space<hbm>>
        %dma_start3A_278 = tpu.memref_squeeze %dma_start3A_277 : memref<1x1x2x40xi32, #tpu.memory_space<hbm>> -> memref<2x40xi32, #tpu.memory_space<hbm>>
        %dma_start3A_279 = arith.constant 0 : i32
        %dma_start3A_280 = arith.constant 0 : i32
        %dma_start3A_281 = tpu.memref_slice %arg2[%add3A, %add3A_274, %dma_start3A_279, %dma_start3A_280] : memref<32x250x2x40xi32, #tpu.memory_space<hbm>> -> memref<1x1x2x40xi32, #tpu.memory_space<hbm>>
        %dma_start3A_282 = tpu.memref_squeeze %dma_start3A_281 : memref<1x1x2x40xi32, #tpu.memory_space<hbm>> -> memref<2x40xi32, #tpu.memory_space<hbm>>
        tpu.enqueue_dma source(%dma_start3A_282 : memref<2x40xi32, #tpu.memory_space<hbm>>) target(%arg10 : memref<2x40xi32, #tpu.memory_space<vmem>>) target_semaphore(%arg19 : memref<!tpu.dma_semaphore, #tpu.memory_space<semaphore_mem>>)
      } else {
      }
      %mul3A_141 = arith.constant 6 : i32
      %mul3A_142 = arith.muli %scan3A_80, %mul3A_141 : i32
      %add3A_143 = arith.constant 2 : i32
      %add3A_144 = arith.addi %mul3A_142, %add3A_143 : i32
      %lt3A_145 = arith.constant 250 : i32
      %lt3A_146 = arith.cmpi slt, %add3A_144, %lt3A_145 : i32
      %convert_element_type3A_147 = arith.extui %lt3A_146 : i1 to i32
      %cond3A_148 = arith.constant 0 : i32
      %cond3A_149 = arith.cmpi ne, %convert_element_type3A_147, %cond3A_148 : i32
      scf.if %cond3A_149 {
        %dma_wait3A_273 = arith.constant 0 : i32
        %dma_wait3A_274 = arith.constant 0 : i32
        %dma_wait3A_275 = tpu.memref_slice %arg8[%dma_wait3A_273, %dma_wait3A_274] : memref<2x40xi32, #tpu.memory_space<vmem>> -> memref<1x40xi32, #tpu.memory_space<vmem>>
        %dma_wait3A_276 = tpu.memref_squeeze %dma_wait3A_275 : memref<1x40xi32, #tpu.memory_space<vmem>> -> memref<40xi32, #tpu.memory_space<vmem>>
        %dma_wait3A_277 = arith.constant 0 : i32
        %dma_wait3A_278 = arith.constant 0 : i32
        %dma_wait3A_279 = tpu.memref_slice %arg3[%dma_wait3A_277, %dma_wait3A_278] : memref<10000x128xf32, #tpu.memory_space<hbm>> -> memref<10000x128xf32, #tpu.memory_space<hbm>>
        tpu.wait_indirect_dma semaphore(%arg23 : memref<!tpu.dma_semaphore, #tpu.memory_space<semaphore_mem>>) src(%dma_wait3A_279 : memref<10000x128xf32, #tpu.memory_space<hbm>>) dst(%arg14 : memref<40x128xf32, #tpu.memory_space<vmem>>)
        %dma_start3A_280 = arith.constant 1 : i32
        %dma_start3A_281 = arith.constant 0 : i32
        %dma_start3A_282 = tpu.memref_slice %arg8[%dma_start3A_280, %dma_start3A_281] : memref<2x40xi32, #tpu.memory_space<vmem>> -> memref<1x40xi32, #tpu.memory_space<vmem>>
        %dma_start3A_283 = tpu.memref_squeeze %dma_start3A_282 : memref<1x40xi32, #tpu.memory_space<vmem>> -> memref<40xi32, #tpu.memory_space<vmem>>
        %dma_start3A_284 = arith.constant 0 : i32
        %dma_start3A_285 = arith.constant 0 : i32
        %dma_start3A_286 = tpu.memref_slice %arg28[%dma_start3A_284, %dma_start3A_285] : memref<10240x128xf32, #tpu.memory_space<vmem_shared>> -> memref<10240x128xf32, #tpu.memory_space<vmem_shared>>
        tpu.enqueue_indirect_dma source(%arg14 : memref<40x128xf32, #tpu.memory_space<vmem>>) target(%dma_start3A_286 : memref<10240x128xf32, #tpu.memory_space<vmem_shared>>) offsets(%dma_start3A_283 : memref<40xi32, #tpu.memory_space<vmem>>) semaphore(%arg26 : memref<!tpu.dma_semaphore, #tpu.memory_space<semaphore_mem>>) {add = true}
      } else {
      }
      %ge3A_150 = arith.constant 1 : i32
      %ge3A_151 = arith.cmpi sge, %add3A_144, %ge3A_150 : i32
      %le3A_152 = arith.constant 250 : i32
      %le3A_153 = arith.cmpi sle, %add3A_144, %le3A_152 : i32
      %and3A_154 = arith.andi %ge3A_151, %le3A_153 : i1
      %convert_element_type3A_155 = arith.extui %and3A_154 : i1 to i32
      %cond3A_156 = arith.constant 0 : i32
      %cond3A_157 = arith.cmpi ne, %convert_element_type3A_155, %cond3A_156 : i32
      scf.if %cond3A_157 {
        %dma_wait3A_273 = arith.constant 1 : i32
        %dma_wait3A_274 = arith.constant 0 : i32
        %dma_wait3A_275 = tpu.memref_slice %arg7[%dma_wait3A_273, %dma_wait3A_274] : memref<2x40xi32, #tpu.memory_space<vmem>> -> memref<1x40xi32, #tpu.memory_space<vmem>>
        %dma_wait3A_276 = tpu.memref_squeeze %dma_wait3A_275 : memref<1x40xi32, #tpu.memory_space<vmem>> -> memref<40xi32, #tpu.memory_space<vmem>>
        %dma_wait3A_277 = arith.constant 0 : i32
        %dma_wait3A_278 = arith.constant 0 : i32
        %dma_wait3A_279 = tpu.memref_slice %arg28[%dma_wait3A_277, %dma_wait3A_278] : memref<10240x128xf32, #tpu.memory_space<vmem_shared>> -> memref<10240x128xf32, #tpu.memory_space<vmem_shared>>
        tpu.wait_indirect_dma semaphore(%arg25 : memref<!tpu.dma_semaphore, #tpu.memory_space<semaphore_mem>>) src(%arg13 : memref<40x128xf32, #tpu.memory_space<vmem>>) dst(%dma_wait3A_279 : memref<10240x128xf32, #tpu.memory_space<vmem_shared>>)
      } else {
      }
      %add3A_158 = arith.constant 3 : i32
      %add3A_159 = arith.addi %add3A_144, %add3A_158 : i32
      %sub3A_160 = arith.constant 1 : i32
      %sub3A_161 = arith.subi %add3A_159, %sub3A_160 : i32
      %lt3A_162 = arith.constant 250 : i32
      %lt3A_163 = arith.cmpi slt, %sub3A_161, %lt3A_162 : i32
      %convert_element_type3A_164 = arith.extui %lt3A_163 : i1 to i32
      %cond3A_165 = arith.constant 0 : i32
      %cond3A_166 = arith.cmpi ne, %convert_element_type3A_164, %cond3A_165 : i32
      scf.if %cond3A_166 {
        %add3A_273 = arith.constant 3 : i32
        %add3A_274 = arith.addi %add3A_144, %add3A_273 : i32
        %sub3A_275 = arith.constant 1 : i32
        %sub3A_276 = arith.subi %add3A_274, %sub3A_275 : i32
        %dma_wait3A_277 = arith.constant 0 : i32
        %dma_wait3A_278 = arith.constant 0 : i32
        %dma_wait3A_279 = tpu.memref_slice %arg2[%add3A, %sub3A_276, %dma_wait3A_277, %dma_wait3A_278] : memref<32x250x2x40xi32, #tpu.memory_space<hbm>> -> memref<1x1x2x40xi32, #tpu.memory_space<hbm>>
        %dma_wait3A_280 = tpu.memref_squeeze %dma_wait3A_279 : memref<1x1x2x40xi32, #tpu.memory_space<hbm>> -> memref<2x40xi32, #tpu.memory_space<hbm>>
        %dma_wait3A_281 = arith.constant 0 : i32
        %dma_wait3A_282 = arith.constant 0 : i32
        %dma_wait3A_283 = tpu.memref_slice %arg2[%add3A, %sub3A_276, %dma_wait3A_281, %dma_wait3A_282] : memref<32x250x2x40xi32, #tpu.memory_space<hbm>> -> memref<1x1x2x40xi32, #tpu.memory_space<hbm>>
        %dma_wait3A_284 = tpu.memref_squeeze %dma_wait3A_283 : memref<1x1x2x40xi32, #tpu.memory_space<hbm>> -> memref<2x40xi32, #tpu.memory_space<hbm>>
        tpu.wait_dma2 semaphore(%arg19 : memref<!tpu.dma_semaphore, #tpu.memory_space<semaphore_mem>>) src(%dma_wait3A_284 : memref<2x40xi32, #tpu.memory_space<hbm>>) dst(%arg10 : memref<2x40xi32, #tpu.memory_space<vmem>>)
        %dma_start3A_285 = arith.constant 0 : i32
        %dma_start3A_286 = arith.constant 0 : i32
        %dma_start3A_287 = tpu.memref_slice %arg10[%dma_start3A_285, %dma_start3A_286] : memref<2x40xi32, #tpu.memory_space<vmem>> -> memref<1x40xi32, #tpu.memory_space<vmem>>
        %dma_start3A_288 = tpu.memref_squeeze %dma_start3A_287 : memref<1x40xi32, #tpu.memory_space<vmem>> -> memref<40xi32, #tpu.memory_space<vmem>>
        %dma_start3A_289 = arith.constant 0 : i32
        %dma_start3A_290 = arith.constant 0 : i32
        %dma_start3A_291 = tpu.memref_slice %arg3[%dma_start3A_289, %dma_start3A_290] : memref<10000x128xf32, #tpu.memory_space<hbm>> -> memref<10000x128xf32, #tpu.memory_space<hbm>>
        tpu.enqueue_indirect_dma source(%dma_start3A_291 : memref<10000x128xf32, #tpu.memory_space<hbm>>) target(%arg13 : memref<40x128xf32, #tpu.memory_space<vmem>>) offsets(%dma_start3A_288 : memref<40xi32, #tpu.memory_space<vmem>>) semaphore(%arg22 : memref<!tpu.dma_semaphore, #tpu.memory_space<semaphore_mem>>)
      } else {
      }
      %add3A_167 = arith.constant 3 : i32
      %add3A_168 = arith.addi %add3A_144, %add3A_167 : i32
      %lt3A_169 = arith.constant 250 : i32
      %lt3A_170 = arith.cmpi slt, %add3A_168, %lt3A_169 : i32
      %convert_element_type3A_171 = arith.extui %lt3A_170 : i1 to i32
      %cond3A_172 = arith.constant 0 : i32
      %cond3A_173 = arith.cmpi ne, %convert_element_type3A_171, %cond3A_172 : i32
      scf.if %cond3A_173 {
        %add3A_273 = arith.constant 3 : i32
        %add3A_274 = arith.addi %add3A_144, %add3A_273 : i32
        %dma_start3A_275 = arith.constant 0 : i32
        %dma_start3A_276 = arith.constant 0 : i32
        %dma_start3A_277 = tpu.memref_slice %arg2[%add3A, %add3A_274, %dma_start3A_275, %dma_start3A_276] : memref<32x250x2x40xi32, #tpu.memory_space<hbm>> -> memref<1x1x2x40xi32, #tpu.memory_space<hbm>>
        %dma_start3A_278 = tpu.memref_squeeze %dma_start3A_277 : memref<1x1x2x40xi32, #tpu.memory_space<hbm>> -> memref<2x40xi32, #tpu.memory_space<hbm>>
        %dma_start3A_279 = arith.constant 0 : i32
        %dma_start3A_280 = arith.constant 0 : i32
        %dma_start3A_281 = tpu.memref_slice %arg2[%add3A, %add3A_274, %dma_start3A_279, %dma_start3A_280] : memref<32x250x2x40xi32, #tpu.memory_space<hbm>> -> memref<1x1x2x40xi32, #tpu.memory_space<hbm>>
        %dma_start3A_282 = tpu.memref_squeeze %dma_start3A_281 : memref<1x1x2x40xi32, #tpu.memory_space<hbm>> -> memref<2x40xi32, #tpu.memory_space<hbm>>
        tpu.enqueue_dma source(%dma_start3A_282 : memref<2x40xi32, #tpu.memory_space<hbm>>) target(%arg11 : memref<2x40xi32, #tpu.memory_space<vmem>>) target_semaphore(%arg20 : memref<!tpu.dma_semaphore, #tpu.memory_space<semaphore_mem>>)
      } else {
      }
      %mul3A_174 = arith.constant 6 : i32
      %mul3A_175 = arith.muli %scan3A_80, %mul3A_174 : i32
      %add3A_176 = arith.constant 3 : i32
      %add3A_177 = arith.addi %mul3A_175, %add3A_176 : i32
      %lt3A_178 = arith.constant 250 : i32
      %lt3A_179 = arith.cmpi slt, %add3A_177, %lt3A_178 : i32
      %convert_element_type3A_180 = arith.extui %lt3A_179 : i1 to i32
      %cond3A_181 = arith.constant 0 : i32
      %cond3A_182 = arith.cmpi ne, %convert_element_type3A_180, %cond3A_181 : i32
      scf.if %cond3A_182 {
        %dma_wait3A_273 = arith.constant 0 : i32
        %dma_wait3A_274 = arith.constant 0 : i32
        %dma_wait3A_275 = tpu.memref_slice %arg9[%dma_wait3A_273, %dma_wait3A_274] : memref<2x40xi32, #tpu.memory_space<vmem>> -> memref<1x40xi32, #tpu.memory_space<vmem>>
        %dma_wait3A_276 = tpu.memref_squeeze %dma_wait3A_275 : memref<1x40xi32, #tpu.memory_space<vmem>> -> memref<40xi32, #tpu.memory_space<vmem>>
        %dma_wait3A_277 = arith.constant 0 : i32
        %dma_wait3A_278 = arith.constant 0 : i32
        %dma_wait3A_279 = tpu.memref_slice %arg3[%dma_wait3A_277, %dma_wait3A_278] : memref<10000x128xf32, #tpu.memory_space<hbm>> -> memref<10000x128xf32, #tpu.memory_space<hbm>>
        tpu.wait_indirect_dma semaphore(%arg21 : memref<!tpu.dma_semaphore, #tpu.memory_space<semaphore_mem>>) src(%dma_wait3A_279 : memref<10000x128xf32, #tpu.memory_space<hbm>>) dst(%arg12 : memref<40x128xf32, #tpu.memory_space<vmem>>)
        %dma_start3A_280 = arith.constant 1 : i32
        %dma_start3A_281 = arith.constant 0 : i32
        %dma_start3A_282 = tpu.memref_slice %arg9[%dma_start3A_280, %dma_start3A_281] : memref<2x40xi32, #tpu.memory_space<vmem>> -> memref<1x40xi32, #tpu.memory_space<vmem>>
        %dma_start3A_283 = tpu.memref_squeeze %dma_start3A_282 : memref<1x40xi32, #tpu.memory_space<vmem>> -> memref<40xi32, #tpu.memory_space<vmem>>
        %dma_start3A_284 = arith.constant 0 : i32
        %dma_start3A_285 = arith.constant 0 : i32
        %dma_start3A_286 = tpu.memref_slice %arg28[%dma_start3A_284, %dma_start3A_285] : memref<10240x128xf32, #tpu.memory_space<vmem_shared>> -> memref<10240x128xf32, #tpu.memory_space<vmem_shared>>
        tpu.enqueue_indirect_dma source(%arg12 : memref<40x128xf32, #tpu.memory_space<vmem>>) target(%dma_start3A_286 : memref<10240x128xf32, #tpu.memory_space<vmem_shared>>) offsets(%dma_start3A_283 : memref<40xi32, #tpu.memory_space<vmem>>) semaphore(%arg24 : memref<!tpu.dma_semaphore, #tpu.memory_space<semaphore_mem>>) {add = true}
      } else {
      }
      %ge3A_183 = arith.constant 1 : i32
      %ge3A_184 = arith.cmpi sge, %add3A_177, %ge3A_183 : i32
      %le3A_185 = arith.constant 250 : i32
      %le3A_186 = arith.cmpi sle, %add3A_177, %le3A_185 : i32
      %and3A_187 = arith.andi %ge3A_184, %le3A_186 : i1
      %convert_element_type3A_188 = arith.extui %and3A_187 : i1 to i32
      %cond3A_189 = arith.constant 0 : i32
      %cond3A_190 = arith.cmpi ne, %convert_element_type3A_188, %cond3A_189 : i32
      scf.if %cond3A_190 {
        %dma_wait3A_273 = arith.constant 1 : i32
        %dma_wait3A_274 = arith.constant 0 : i32
        %dma_wait3A_275 = tpu.memref_slice %arg8[%dma_wait3A_273, %dma_wait3A_274] : memref<2x40xi32, #tpu.memory_space<vmem>> -> memref<1x40xi32, #tpu.memory_space<vmem>>
        %dma_wait3A_276 = tpu.memref_squeeze %dma_wait3A_275 : memref<1x40xi32, #tpu.memory_space<vmem>> -> memref<40xi32, #tpu.memory_space<vmem>>
        %dma_wait3A_277 = arith.constant 0 : i32
        %dma_wait3A_278 = arith.constant 0 : i32
        %dma_wait3A_279 = tpu.memref_slice %arg28[%dma_wait3A_277, %dma_wait3A_278] : memref<10240x128xf32, #tpu.memory_space<vmem_shared>> -> memref<10240x128xf32, #tpu.memory_space<vmem_shared>>
        tpu.wait_indirect_dma semaphore(%arg26 : memref<!tpu.dma_semaphore, #tpu.memory_space<semaphore_mem>>) src(%arg14 : memref<40x128xf32, #tpu.memory_space<vmem>>) dst(%dma_wait3A_279 : memref<10240x128xf32, #tpu.memory_space<vmem_shared>>)
      } else {
      }
      %add3A_191 = arith.constant 3 : i32
      %add3A_192 = arith.addi %add3A_177, %add3A_191 : i32
      %sub3A_193 = arith.constant 1 : i32
      %sub3A_194 = arith.subi %add3A_192, %sub3A_193 : i32
      %lt3A_195 = arith.constant 250 : i32
      %lt3A_196 = arith.cmpi slt, %sub3A_194, %lt3A_195 : i32
      %convert_element_type3A_197 = arith.extui %lt3A_196 : i1 to i32
      %cond3A_198 = arith.constant 0 : i32
      %cond3A_199 = arith.cmpi ne, %convert_element_type3A_197, %cond3A_198 : i32
      scf.if %cond3A_199 {
        %add3A_273 = arith.constant 3 : i32
        %add3A_274 = arith.addi %add3A_177, %add3A_273 : i32
        %sub3A_275 = arith.constant 1 : i32
        %sub3A_276 = arith.subi %add3A_274, %sub3A_275 : i32
        %dma_wait3A_277 = arith.constant 0 : i32
        %dma_wait3A_278 = arith.constant 0 : i32
        %dma_wait3A_279 = tpu.memref_slice %arg2[%add3A, %sub3A_276, %dma_wait3A_277, %dma_wait3A_278] : memref<32x250x2x40xi32, #tpu.memory_space<hbm>> -> memref<1x1x2x40xi32, #tpu.memory_space<hbm>>
        %dma_wait3A_280 = tpu.memref_squeeze %dma_wait3A_279 : memref<1x1x2x40xi32, #tpu.memory_space<hbm>> -> memref<2x40xi32, #tpu.memory_space<hbm>>
        %dma_wait3A_281 = arith.constant 0 : i32
        %dma_wait3A_282 = arith.constant 0 : i32
        %dma_wait3A_283 = tpu.memref_slice %arg2[%add3A, %sub3A_276, %dma_wait3A_281, %dma_wait3A_282] : memref<32x250x2x40xi32, #tpu.memory_space<hbm>> -> memref<1x1x2x40xi32, #tpu.memory_space<hbm>>
        %dma_wait3A_284 = tpu.memref_squeeze %dma_wait3A_283 : memref<1x1x2x40xi32, #tpu.memory_space<hbm>> -> memref<2x40xi32, #tpu.memory_space<hbm>>
        tpu.wait_dma2 semaphore(%arg20 : memref<!tpu.dma_semaphore, #tpu.memory_space<semaphore_mem>>) src(%dma_wait3A_284 : memref<2x40xi32, #tpu.memory_space<hbm>>) dst(%arg11 : memref<2x40xi32, #tpu.memory_space<vmem>>)
        %dma_start3A_285 = arith.constant 0 : i32
        %dma_start3A_286 = arith.constant 0 : i32
        %dma_start3A_287 = tpu.memref_slice %arg11[%dma_start3A_285, %dma_start3A_286] : memref<2x40xi32, #tpu.memory_space<vmem>> -> memref<1x40xi32, #tpu.memory_space<vmem>>
        %dma_start3A_288 = tpu.memref_squeeze %dma_start3A_287 : memref<1x40xi32, #tpu.memory_space<vmem>> -> memref<40xi32, #tpu.memory_space<vmem>>
        %dma_start3A_289 = arith.constant 0 : i32
        %dma_start3A_290 = arith.constant 0 : i32
        %dma_start3A_291 = tpu.memref_slice %arg3[%dma_start3A_289, %dma_start3A_290] : memref<10000x128xf32, #tpu.memory_space<hbm>> -> memref<10000x128xf32, #tpu.memory_space<hbm>>
        tpu.enqueue_indirect_dma source(%dma_start3A_291 : memref<10000x128xf32, #tpu.memory_space<hbm>>) target(%arg14 : memref<40x128xf32, #tpu.memory_space<vmem>>) offsets(%dma_start3A_288 : memref<40xi32, #tpu.memory_space<vmem>>) semaphore(%arg23 : memref<!tpu.dma_semaphore, #tpu.memory_space<semaphore_mem>>)
      } else {
      }
      %add3A_200 = arith.constant 3 : i32
      %add3A_201 = arith.addi %add3A_177, %add3A_200 : i32
      %lt3A_202 = arith.constant 250 : i32
      %lt3A_203 = arith.cmpi slt, %add3A_201, %lt3A_202 : i32
      %convert_element_type3A_204 = arith.extui %lt3A_203 : i1 to i32
      %cond3A_205 = arith.constant 0 : i32
      %cond3A_206 = arith.cmpi ne, %convert_element_type3A_204, %cond3A_205 : i32
      scf.if %cond3A_206 {
        %add3A_273 = arith.constant 3 : i32
        %add3A_274 = arith.addi %add3A_177, %add3A_273 : i32
        %dma_start3A_275 = arith.constant 0 : i32
        %dma_start3A_276 = arith.constant 0 : i32
        %dma_start3A_277 = tpu.memref_slice %arg2[%add3A, %add3A_274, %dma_start3A_275, %dma_start3A_276] : memref<32x250x2x40xi32, #tpu.memory_space<hbm>> -> memref<1x1x2x40xi32, #tpu.memory_space<hbm>>
        %dma_start3A_278 = tpu.memref_squeeze %dma_start3A_277 : memref<1x1x2x40xi32, #tpu.memory_space<hbm>> -> memref<2x40xi32, #tpu.memory_space<hbm>>
        %dma_start3A_279 = arith.constant 0 : i32
        %dma_start3A_280 = arith.constant 0 : i32
        %dma_start3A_281 = tpu.memref_slice %arg2[%add3A, %add3A_274, %dma_start3A_279, %dma_start3A_280] : memref<32x250x2x40xi32, #tpu.memory_space<hbm>> -> memref<1x1x2x40xi32, #tpu.memory_space<hbm>>
        %dma_start3A_282 = tpu.memref_squeeze %dma_start3A_281 : memref<1x1x2x40xi32, #tpu.memory_space<hbm>> -> memref<2x40xi32, #tpu.memory_space<hbm>>
        tpu.enqueue_dma source(%dma_start3A_282 : memref<2x40xi32, #tpu.memory_space<hbm>>) target(%arg6 : memref<2x40xi32, #tpu.memory_space<vmem>>) target_semaphore(%arg15 : memref<!tpu.dma_semaphore, #tpu.memory_space<semaphore_mem>>)
      } else {
      }
      %mul3A_207 = arith.constant 6 : i32
      %mul3A_208 = arith.muli %scan3A_80, %mul3A_207 : i32
      %add3A_209 = arith.constant 4 : i32
      %add3A_210 = arith.addi %mul3A_208, %add3A_209 : i32
      %lt3A_211 = arith.constant 250 : i32
      %lt3A_212 = arith.cmpi slt, %add3A_210, %lt3A_211 : i32
      %convert_element_type3A_213 = arith.extui %lt3A_212 : i1 to i32
      %cond3A_214 = arith.constant 0 : i32
      %cond3A_215 = arith.cmpi ne, %convert_element_type3A_213, %cond3A_214 : i32
      scf.if %cond3A_215 {
        %dma_wait3A_273 = arith.constant 0 : i32
        %dma_wait3A_274 = arith.constant 0 : i32
        %dma_wait3A_275 = tpu.memref_slice %arg10[%dma_wait3A_273, %dma_wait3A_274] : memref<2x40xi32, #tpu.memory_space<vmem>> -> memref<1x40xi32, #tpu.memory_space<vmem>>
        %dma_wait3A_276 = tpu.memref_squeeze %dma_wait3A_275 : memref<1x40xi32, #tpu.memory_space<vmem>> -> memref<40xi32, #tpu.memory_space<vmem>>
        %dma_wait3A_277 = arith.constant 0 : i32
        %dma_wait3A_278 = arith.constant 0 : i32
        %dma_wait3A_279 = tpu.memref_slice %arg3[%dma_wait3A_277, %dma_wait3A_278] : memref<10000x128xf32, #tpu.memory_space<hbm>> -> memref<10000x128xf32, #tpu.memory_space<hbm>>
        tpu.wait_indirect_dma semaphore(%arg22 : memref<!tpu.dma_semaphore, #tpu.memory_space<semaphore_mem>>) src(%dma_wait3A_279 : memref<10000x128xf32, #tpu.memory_space<hbm>>) dst(%arg13 : memref<40x128xf32, #tpu.memory_space<vmem>>)
        %dma_start3A_280 = arith.constant 1 : i32
        %dma_start3A_281 = arith.constant 0 : i32
        %dma_start3A_282 = tpu.memref_slice %arg10[%dma_start3A_280, %dma_start3A_281] : memref<2x40xi32, #tpu.memory_space<vmem>> -> memref<1x40xi32, #tpu.memory_space<vmem>>
        %dma_start3A_283 = tpu.memref_squeeze %dma_start3A_282 : memref<1x40xi32, #tpu.memory_space<vmem>> -> memref<40xi32, #tpu.memory_space<vmem>>
        %dma_start3A_284 = arith.constant 0 : i32
        %dma_start3A_285 = arith.constant 0 : i32
        %dma_start3A_286 = tpu.memref_slice %arg28[%dma_start3A_284, %dma_start3A_285] : memref<10240x128xf32, #tpu.memory_space<vmem_shared>> -> memref<10240x128xf32, #tpu.memory_space<vmem_shared>>
        tpu.enqueue_indirect_dma source(%arg13 : memref<40x128xf32, #tpu.memory_space<vmem>>) target(%dma_start3A_286 : memref<10240x128xf32, #tpu.memory_space<vmem_shared>>) offsets(%dma_start3A_283 : memref<40xi32, #tpu.memory_space<vmem>>) semaphore(%arg25 : memref<!tpu.dma_semaphore, #tpu.memory_space<semaphore_mem>>) {add = true}
      } else {
      }
      %ge3A_216 = arith.constant 1 : i32
      %ge3A_217 = arith.cmpi sge, %add3A_210, %ge3A_216 : i32
      %le3A_218 = arith.constant 250 : i32
      %le3A_219 = arith.cmpi sle, %add3A_210, %le3A_218 : i32
      %and3A_220 = arith.andi %ge3A_217, %le3A_219 : i1
      %convert_element_type3A_221 = arith.extui %and3A_220 : i1 to i32
      %cond3A_222 = arith.constant 0 : i32
      %cond3A_223 = arith.cmpi ne, %convert_element_type3A_221, %cond3A_222 : i32
      scf.if %cond3A_223 {
        %dma_wait3A_273 = arith.constant 1 : i32
        %dma_wait3A_274 = arith.constant 0 : i32
        %dma_wait3A_275 = tpu.memref_slice %arg9[%dma_wait3A_273, %dma_wait3A_274] : memref<2x40xi32, #tpu.memory_space<vmem>> -> memref<1x40xi32, #tpu.memory_space<vmem>>
        %dma_wait3A_276 = tpu.memref_squeeze %dma_wait3A_275 : memref<1x40xi32, #tpu.memory_space<vmem>> -> memref<40xi32, #tpu.memory_space<vmem>>
        %dma_wait3A_277 = arith.constant 0 : i32
        %dma_wait3A_278 = arith.constant 0 : i32
        %dma_wait3A_279 = tpu.memref_slice %arg28[%dma_wait3A_277, %dma_wait3A_278] : memref<10240x128xf32, #tpu.memory_space<vmem_shared>> -> memref<10240x128xf32, #tpu.memory_space<vmem_shared>>
        tpu.wait_indirect_dma semaphore(%arg24 : memref<!tpu.dma_semaphore, #tpu.memory_space<semaphore_mem>>) src(%arg12 : memref<40x128xf32, #tpu.memory_space<vmem>>) dst(%dma_wait3A_279 : memref<10240x128xf32, #tpu.memory_space<vmem_shared>>)
      } else {
      }
      %add3A_224 = arith.constant 3 : i32
      %add3A_225 = arith.addi %add3A_210, %add3A_224 : i32
      %sub3A_226 = arith.constant 1 : i32
      %sub3A_227 = arith.subi %add3A_225, %sub3A_226 : i32
      %lt3A_228 = arith.constant 250 : i32
      %lt3A_229 = arith.cmpi slt, %sub3A_227, %lt3A_228 : i32
      %convert_element_type3A_230 = arith.extui %lt3A_229 : i1 to i32
      %cond3A_231 = arith.constant 0 : i32
      %cond3A_232 = arith.cmpi ne, %convert_element_type3A_230, %cond3A_231 : i32
      scf.if %cond3A_232 {
        %add3A_273 = arith.constant 3 : i32
        %add3A_274 = arith.addi %add3A_210, %add3A_273 : i32
        %sub3A_275 = arith.constant 1 : i32
        %sub3A_276 = arith.subi %add3A_274, %sub3A_275 : i32
        %dma_wait3A_277 = arith.constant 0 : i32
        %dma_wait3A_278 = arith.constant 0 : i32
        %dma_wait3A_279 = tpu.memref_slice %arg2[%add3A, %sub3A_276, %dma_wait3A_277, %dma_wait3A_278] : memref<32x250x2x40xi32, #tpu.memory_space<hbm>> -> memref<1x1x2x40xi32, #tpu.memory_space<hbm>>
        %dma_wait3A_280 = tpu.memref_squeeze %dma_wait3A_279 : memref<1x1x2x40xi32, #tpu.memory_space<hbm>> -> memref<2x40xi32, #tpu.memory_space<hbm>>
        %dma_wait3A_281 = arith.constant 0 : i32
        %dma_wait3A_282 = arith.constant 0 : i32
        %dma_wait3A_283 = tpu.memref_slice %arg2[%add3A, %sub3A_276, %dma_wait3A_281, %dma_wait3A_282] : memref<32x250x2x40xi32, #tpu.memory_space<hbm>> -> memref<1x1x2x40xi32, #tpu.memory_space<hbm>>
        %dma_wait3A_284 = tpu.memref_squeeze %dma_wait3A_283 : memref<1x1x2x40xi32, #tpu.memory_space<hbm>> -> memref<2x40xi32, #tpu.memory_space<hbm>>
        tpu.wait_dma2 semaphore(%arg15 : memref<!tpu.dma_semaphore, #tpu.memory_space<semaphore_mem>>) src(%dma_wait3A_284 : memref<2x40xi32, #tpu.memory_space<hbm>>) dst(%arg6 : memref<2x40xi32, #tpu.memory_space<vmem>>)
        %dma_start3A_285 = arith.constant 0 : i32
        %dma_start3A_286 = arith.constant 0 : i32
        %dma_start3A_287 = tpu.memref_slice %arg6[%dma_start3A_285, %dma_start3A_286] : memref<2x40xi32, #tpu.memory_space<vmem>> -> memref<1x40xi32, #tpu.memory_space<vmem>>
        %dma_start3A_288 = tpu.memref_squeeze %dma_start3A_287 : memref<1x40xi32, #tpu.memory_space<vmem>> -> memref<40xi32, #tpu.memory_space<vmem>>
        %dma_start3A_289 = arith.constant 0 : i32
        %dma_start3A_290 = arith.constant 0 : i32
        %dma_start3A_291 = tpu.memref_slice %arg3[%dma_start3A_289, %dma_start3A_290] : memref<10000x128xf32, #tpu.memory_space<hbm>> -> memref<10000x128xf32, #tpu.memory_space<hbm>>
        tpu.enqueue_indirect_dma source(%dma_start3A_291 : memref<10000x128xf32, #tpu.memory_space<hbm>>) target(%arg12 : memref<40x128xf32, #tpu.memory_space<vmem>>) offsets(%dma_start3A_288 : memref<40xi32, #tpu.memory_space<vmem>>) semaphore(%arg21 : memref<!tpu.dma_semaphore, #tpu.memory_space<semaphore_mem>>)
      } else {
      }
      %add3A_233 = arith.constant 3 : i32
      %add3A_234 = arith.addi %add3A_210, %add3A_233 : i32
      %lt3A_235 = arith.constant 250 : i32
      %lt3A_236 = arith.cmpi slt, %add3A_234, %lt3A_235 : i32
      %convert_element_type3A_237 = arith.extui %lt3A_236 : i1 to i32
      %cond3A_238 = arith.constant 0 : i32
      %cond3A_239 = arith.cmpi ne, %convert_element_type3A_237, %cond3A_238 : i32
      scf.if %cond3A_239 {
        %add3A_273 = arith.constant 3 : i32
        %add3A_274 = arith.addi %add3A_210, %add3A_273 : i32
        %dma_start3A_275 = arith.constant 0 : i32
        %dma_start3A_276 = arith.constant 0 : i32
        %dma_start3A_277 = tpu.memref_slice %arg2[%add3A, %add3A_274, %dma_start3A_275, %dma_start3A_276] : memref<32x250x2x40xi32, #tpu.memory_space<hbm>> -> memref<1x1x2x40xi32, #tpu.memory_space<hbm>>
        %dma_start3A_278 = tpu.memref_squeeze %dma_start3A_277 : memref<1x1x2x40xi32, #tpu.memory_space<hbm>> -> memref<2x40xi32, #tpu.memory_space<hbm>>
        %dma_start3A_279 = arith.constant 0 : i32
        %dma_start3A_280 = arith.constant 0 : i32
        %dma_start3A_281 = tpu.memref_slice %arg2[%add3A, %add3A_274, %dma_start3A_279, %dma_start3A_280] : memref<32x250x2x40xi32, #tpu.memory_space<hbm>> -> memref<1x1x2x40xi32, #tpu.memory_space<hbm>>
        %dma_start3A_282 = tpu.memref_squeeze %dma_start3A_281 : memref<1x1x2x40xi32, #tpu.memory_space<hbm>> -> memref<2x40xi32, #tpu.memory_space<hbm>>
        tpu.enqueue_dma source(%dma_start3A_282 : memref<2x40xi32, #tpu.memory_space<hbm>>) target(%arg7 : memref<2x40xi32, #tpu.memory_space<vmem>>) target_semaphore(%arg16 : memref<!tpu.dma_semaphore, #tpu.memory_space<semaphore_mem>>)
      } else {
      }
      %mul3A_240 = arith.constant 6 : i32
      %mul3A_241 = arith.muli %scan3A_80, %mul3A_240 : i32
      %add3A_242 = arith.constant 5 : i32
      %add3A_243 = arith.addi %mul3A_241, %add3A_242 : i32
      %lt3A_244 = arith.constant 250 : i32
      %lt3A_245 = arith.cmpi slt, %add3A_243, %lt3A_244 : i32
      %convert_element_type3A_246 = arith.extui %lt3A_245 : i1 to i32
      %cond3A_247 = arith.constant 0 : i32
      %cond3A_248 = arith.cmpi ne, %convert_element_type3A_246, %cond3A_247 : i32
      scf.if %cond3A_248 {
        %dma_wait3A_273 = arith.constant 0 : i32
        %dma_wait3A_274 = arith.constant 0 : i32
        %dma_wait3A_275 = tpu.memref_slice %arg11[%dma_wait3A_273, %dma_wait3A_274] : memref<2x40xi32, #tpu.memory_space<vmem>> -> memref<1x40xi32, #tpu.memory_space<vmem>>
        %dma_wait3A_276 = tpu.memref_squeeze %dma_wait3A_275 : memref<1x40xi32, #tpu.memory_space<vmem>> -> memref<40xi32, #tpu.memory_space<vmem>>
        %dma_wait3A_277 = arith.constant 0 : i32
        %dma_wait3A_278 = arith.constant 0 : i32
        %dma_wait3A_279 = tpu.memref_slice %arg3[%dma_wait3A_277, %dma_wait3A_278] : memref<10000x128xf32, #tpu.memory_space<hbm>> -> memref<10000x128xf32, #tpu.memory_space<hbm>>
        tpu.wait_indirect_dma semaphore(%arg23 : memref<!tpu.dma_semaphore, #tpu.memory_space<semaphore_mem>>) src(%dma_wait3A_279 : memref<10000x128xf32, #tpu.memory_space<hbm>>) dst(%arg14 : memref<40x128xf32, #tpu.memory_space<vmem>>)
        %dma_start3A_280 = arith.constant 1 : i32
        %dma_start3A_281 = arith.constant 0 : i32
        %dma_start3A_282 = tpu.memref_slice %arg11[%dma_start3A_280, %dma_start3A_281] : memref<2x40xi32, #tpu.memory_space<vmem>> -> memref<1x40xi32, #tpu.memory_space<vmem>>
        %dma_start3A_283 = tpu.memref_squeeze %dma_start3A_282 : memref<1x40xi32, #tpu.memory_space<vmem>> -> memref<40xi32, #tpu.memory_space<vmem>>
        %dma_start3A_284 = arith.constant 0 : i32
        %dma_start3A_285 = arith.constant 0 : i32
        %dma_start3A_286 = tpu.memref_slice %arg28[%dma_start3A_284, %dma_start3A_285] : memref<10240x128xf32, #tpu.memory_space<vmem_shared>> -> memref<10240x128xf32, #tpu.memory_space<vmem_shared>>
        tpu.enqueue_indirect_dma source(%arg14 : memref<40x128xf32, #tpu.memory_space<vmem>>) target(%dma_start3A_286 : memref<10240x128xf32, #tpu.memory_space<vmem_shared>>) offsets(%dma_start3A_283 : memref<40xi32, #tpu.memory_space<vmem>>) semaphore(%arg26 : memref<!tpu.dma_semaphore, #tpu.memory_space<semaphore_mem>>) {add = true}
      } else {
      }
      %ge3A_249 = arith.constant 1 : i32
      %ge3A_250 = arith.cmpi sge, %add3A_243, %ge3A_249 : i32
      %le3A_251 = arith.constant 250 : i32
      %le3A_252 = arith.cmpi sle, %add3A_243, %le3A_251 : i32
      %and3A_253 = arith.andi %ge3A_250, %le3A_252 : i1
      %convert_element_type3A_254 = arith.extui %and3A_253 : i1 to i32
      %cond3A_255 = arith.constant 0 : i32
      %cond3A_256 = arith.cmpi ne, %convert_element_type3A_254, %cond3A_255 : i32
      scf.if %cond3A_256 {
        %dma_wait3A_273 = arith.constant 1 : i32
        %dma_wait3A_274 = arith.constant 0 : i32
        %dma_wait3A_275 = tpu.memref_slice %arg10[%dma_wait3A_273, %dma_wait3A_274] : memref<2x40xi32, #tpu.memory_space<vmem>> -> memref<1x40xi32, #tpu.memory_space<vmem>>
        %dma_wait3A_276 = tpu.memref_squeeze %dma_wait3A_275 : memref<1x40xi32, #tpu.memory_space<vmem>> -> memref<40xi32, #tpu.memory_space<vmem>>
        %dma_wait3A_277 = arith.constant 0 : i32
        %dma_wait3A_278 = arith.constant 0 : i32
        %dma_wait3A_279 = tpu.memref_slice %arg28[%dma_wait3A_277, %dma_wait3A_278] : memref<10240x128xf32, #tpu.memory_space<vmem_shared>> -> memref<10240x128xf32, #tpu.memory_space<vmem_shared>>
        tpu.wait_indirect_dma semaphore(%arg25 : memref<!tpu.dma_semaphore, #tpu.memory_space<semaphore_mem>>) src(%arg13 : memref<40x128xf32, #tpu.memory_space<vmem>>) dst(%dma_wait3A_279 : memref<10240x128xf32, #tpu.memory_space<vmem_shared>>)
      } else {
      }
      %add3A_257 = arith.constant 3 : i32
      %add3A_258 = arith.addi %add3A_243, %add3A_257 : i32
      %sub3A_259 = arith.constant 1 : i32
      %sub3A_260 = arith.subi %add3A_258, %sub3A_259 : i32
      %lt3A_261 = arith.constant 250 : i32
      %lt3A_262 = arith.cmpi slt, %sub3A_260, %lt3A_261 : i32
      %convert_element_type3A_263 = arith.extui %lt3A_262 : i1 to i32
      %cond3A_264 = arith.constant 0 : i32
      %cond3A_265 = arith.cmpi ne, %convert_element_type3A_263, %cond3A_264 : i32
      scf.if %cond3A_265 {
        %add3A_273 = arith.constant 3 : i32
        %add3A_274 = arith.addi %add3A_243, %add3A_273 : i32
        %sub3A_275 = arith.constant 1 : i32
        %sub3A_276 = arith.subi %add3A_274, %sub3A_275 : i32
        %dma_wait3A_277 = arith.constant 0 : i32
        %dma_wait3A_278 = arith.constant 0 : i32
        %dma_wait3A_279 = tpu.memref_slice %arg2[%add3A, %sub3A_276, %dma_wait3A_277, %dma_wait3A_278] : memref<32x250x2x40xi32, #tpu.memory_space<hbm>> -> memref<1x1x2x40xi32, #tpu.memory_space<hbm>>
        %dma_wait3A_280 = tpu.memref_squeeze %dma_wait3A_279 : memref<1x1x2x40xi32, #tpu.memory_space<hbm>> -> memref<2x40xi32, #tpu.memory_space<hbm>>
        %dma_wait3A_281 = arith.constant 0 : i32
        %dma_wait3A_282 = arith.constant 0 : i32
        %dma_wait3A_283 = tpu.memref_slice %arg2[%add3A, %sub3A_276, %dma_wait3A_281, %dma_wait3A_282] : memref<32x250x2x40xi32, #tpu.memory_space<hbm>> -> memref<1x1x2x40xi32, #tpu.memory_space<hbm>>
        %dma_wait3A_284 = tpu.memref_squeeze %dma_wait3A_283 : memref<1x1x2x40xi32, #tpu.memory_space<hbm>> -> memref<2x40xi32, #tpu.memory_space<hbm>>
        tpu.wait_dma2 semaphore(%arg16 : memref<!tpu.dma_semaphore, #tpu.memory_space<semaphore_mem>>) src(%dma_wait3A_284 : memref<2x40xi32, #tpu.memory_space<hbm>>) dst(%arg7 : memref<2x40xi32, #tpu.memory_space<vmem>>)
        %dma_start3A_285 = arith.constant 0 : i32
        %dma_start3A_286 = arith.constant 0 : i32
        %dma_start3A_287 = tpu.memref_slice %arg7[%dma_start3A_285, %dma_start3A_286] : memref<2x40xi32, #tpu.memory_space<vmem>> -> memref<1x40xi32, #tpu.memory_space<vmem>>
        %dma_start3A_288 = tpu.memref_squeeze %dma_start3A_287 : memref<1x40xi32, #tpu.memory_space<vmem>> -> memref<40xi32, #tpu.memory_space<vmem>>
        %dma_start3A_289 = arith.constant 0 : i32
        %dma_start3A_290 = arith.constant 0 : i32
        %dma_start3A_291 = tpu.memref_slice %arg3[%dma_start3A_289, %dma_start3A_290] : memref<10000x128xf32, #tpu.memory_space<hbm>> -> memref<10000x128xf32, #tpu.memory_space<hbm>>
        tpu.enqueue_indirect_dma source(%dma_start3A_291 : memref<10000x128xf32, #tpu.memory_space<hbm>>) target(%arg13 : memref<40x128xf32, #tpu.memory_space<vmem>>) offsets(%dma_start3A_288 : memref<40xi32, #tpu.memory_space<vmem>>) semaphore(%arg22 : memref<!tpu.dma_semaphore, #tpu.memory_space<semaphore_mem>>)
      } else {
      }
      %add3A_266 = arith.constant 3 : i32
      %add3A_267 = arith.addi %add3A_243, %add3A_266 : i32
      %lt3A_268 = arith.constant 250 : i32
      %lt3A_269 = arith.cmpi slt, %add3A_267, %lt3A_268 : i32
      %convert_element_type3A_270 = arith.extui %lt3A_269 : i1 to i32
      %cond3A_271 = arith.constant 0 : i32
      %cond3A_272 = arith.cmpi ne, %convert_element_type3A_270, %cond3A_271 : i32
      scf.if %cond3A_272 {
        %add3A_273 = arith.constant 3 : i32
        %add3A_274 = arith.addi %add3A_243, %add3A_273 : i32
        %dma_start3A_275 = arith.constant 0 : i32
        %dma_start3A_276 = arith.constant 0 : i32
        %dma_start3A_277 = tpu.memref_slice %arg2[%add3A, %add3A_274, %dma_start3A_275, %dma_start3A_276] : memref<32x250x2x40xi32, #tpu.memory_space<hbm>> -> memref<1x1x2x40xi32, #tpu.memory_space<hbm>>
        %dma_start3A_278 = tpu.memref_squeeze %dma_start3A_277 : memref<1x1x2x40xi32, #tpu.memory_space<hbm>> -> memref<2x40xi32, #tpu.memory_space<hbm>>
        %dma_start3A_279 = arith.constant 0 : i32
        %dma_start3A_280 = arith.constant 0 : i32
        %dma_start3A_281 = tpu.memref_slice %arg2[%add3A, %add3A_274, %dma_start3A_279, %dma_start3A_280] : memref<32x250x2x40xi32, #tpu.memory_space<hbm>> -> memref<1x1x2x40xi32, #tpu.memory_space<hbm>>
        %dma_start3A_282 = tpu.memref_squeeze %dma_start3A_281 : memref<1x1x2x40xi32, #tpu.memory_space<hbm>> -> memref<2x40xi32, #tpu.memory_space<hbm>>
        tpu.enqueue_dma source(%dma_start3A_282 : memref<2x40xi32, #tpu.memory_space<hbm>>) target(%arg8 : memref<2x40xi32, #tpu.memory_space<vmem>>) target_semaphore(%arg17 : memref<!tpu.dma_semaphore, #tpu.memory_space<semaphore_mem>>)
      } else {
      }
    }
    %scan3A_75 = arith.constant 42 : i32
    %barrier3A_76 = arith.constant 0 : index
    tpu.barrier barrier_id(%barrier3A_76)
    %mul3A_77 = arith.constant 10240 : i32
    %mul3A_78 = arith.muli %arg0, %mul3A_77 : i32
    %add3A_79 = arith.addi %mul3A_78, %mul3A_2 : i32
    "tpu.region"() ({
      %run_scoped3A = tpu.sem_alloc : memref<!tpu.dma_semaphore, #tpu.memory_space<semaphore_mem>>
      %dma_start3A_80 = arith.constant 0 : i32
      %dma_start3A_81 = tpu.memref_slice %arg5[%add3A_79, %dma_start3A_80] : memref<20480x128xf32, #tpu.memory_space<hbm>> -> memref<640x128xf32, #tpu.memory_space<hbm>>
      %dma_start3A_82 = arith.constant 0 : i32
      %dma_start3A_83 = tpu.memref_slice %arg28[%mul3A_2, %dma_start3A_82] : memref<10240x128xf32, #tpu.memory_space<vmem_shared>> -> memref<640x128xf32, #tpu.memory_space<vmem_shared>>
      tpu.enqueue_dma source(%dma_start3A_83 : memref<640x128xf32, #tpu.memory_space<vmem_shared>>) target(%dma_start3A_81 : memref<640x128xf32, #tpu.memory_space<hbm>>) target_semaphore(%run_scoped3A : memref<!tpu.dma_semaphore, #tpu.memory_space<semaphore_mem>>)
      %dma_wait3A_84 = arith.constant 0 : i32
      %dma_wait3A_85 = tpu.memref_slice %arg5[%add3A_79, %dma_wait3A_84] : memref<20480x128xf32, #tpu.memory_space<hbm>> -> memref<640x128xf32, #tpu.memory_space<hbm>>
      %dma_wait3A_86 = arith.constant 0 : i32
      %dma_wait3A_87 = tpu.memref_slice %arg28[%mul3A_2, %dma_wait3A_86] : memref<10240x128xf32, #tpu.memory_space<vmem_shared>> -> memref<640x128xf32, #tpu.memory_space<vmem_shared>>
      tpu.wait_dma2 semaphore(%run_scoped3A : memref<!tpu.dma_semaphore, #tpu.memory_space<semaphore_mem>>) src(%dma_wait3A_87 : memref<640x128xf32, #tpu.memory_space<vmem_shared>>) dst(%dma_wait3A_85 : memref<640x128xf32, #tpu.memory_space<hbm>>)
      tpu.yield
    }) : () -> ()
    return
  }
}

module attributes {stable_mosaic.version = 14 : i64} {
  func.func @_pre1_body(%arg0: i32, %arg1: memref<512x128xf32, #tpu.memory_space<vmem>>, %arg2: memref<128x128xf32, #tpu.memory_space<vmem>>, %arg3: memref<1x128xf32, #tpu.memory_space<vmem>>, %arg4: memref<512x128xf32, #tpu.memory_space<vmem>>) attributes {dimension_semantics = [#tpu.dimension_semantics<arbitrary>], iteration_bounds = array<i64: 20>, scalar_prefetch = 0 : i64, scratch_operands = 0 : i64, tpu.core_type = #tpu.core_type<tc>, window_params = [{transform_indices = @transform_0, window_bounds = array<i64: 512, 128>}, {pipeline_mode = #tpu.pipeline_mode<synchronous>, transform_indices = @transform_1, window_bounds = array<i64: 128, 128>}, {pipeline_mode = #tpu.pipeline_mode<synchronous>, transform_indices = @transform_2, window_bounds = array<i64: 1, 128>}, {transform_indices = @transform_3, window_bounds = array<i64: 512, 128>}]} {
    %get3A = arith.constant 0 : index
    %get3A_0 = arith.constant 0 : index
    %get3A_1 = vector.load %arg1[%get3A, %get3A_0] : memref<512x128xf32, #tpu.memory_space<vmem>>, vector<512x128xf32>
    %get3A_2 = arith.constant 0 : index
    %get3A_3 = arith.constant 0 : index
    %get3A_4 = vector.load %arg2[%get3A_2, %get3A_3] : memref<128x128xf32, #tpu.memory_space<vmem>>, vector<128x128xf32>
    %dot_general3A = arith.constant dense<0.000000e+00> : vector<512x128xf32>
    %dot_general3A_5 = tpu.matmul %get3A_1, %get3A_4, %dot_general3A {dimension_numbers = #tpu.dot_dimension_numbers<[1], [0], [0], [1], [0, 0, 1, 1], [], []>, transpose_lhs_hint = false} : vector<512x128xf32>, vector<128x128xf32>, vector<512x128xf32> -> vector<512x128xf32>
    %get3A_6 = arith.constant 0 : index
    %get3A_7 = arith.constant 0 : index
    %get3A_8 = vector.load %arg3[%get3A_6, %get3A_7] : memref<1x128xf32, #tpu.memory_space<vmem>>, vector<1x128xf32>
    %add3A = vector.broadcast %get3A_8 : vector<1x128xf32> to vector<512x128xf32>
    %add3A_9 = arith.addf %dot_general3A_5, %add3A : vector<512x128xf32>
    %max3A = arith.constant 0.000000e+00 : f32
    %max3A_10 = vector.broadcast %max3A : f32 to vector<512x128xf32>
    %max3A_11 = arith.maximumf %add3A_9, %max3A_10 : vector<512x128xf32>
    %swap3A = arith.constant 0 : index
    %swap3A_12 = arith.constant 0 : index
    %swap3A_13 = vector.load %arg4[%swap3A, %swap3A_12] : memref<512x128xf32, #tpu.memory_space<vmem>>, vector<512x128xf32>
    tpu.vector_store %arg4[%swap3A, %swap3A_12], %max3A_11 {strides = array<i32>} : memref<512x128xf32, #tpu.memory_space<vmem>>, vector<512x128xf32>,
    return
  }
  func.func @transform_0(%arg0: i32) -> (i32, i32) {
    %c0_i32 = arith.constant 0 : i32
    %c0_i32_0 = arith.constant 0 : i32
    return %arg0, %c0_i32 : i32, i32
  }
  func.func @transform_1(%arg0: i32) -> (i32, i32) {
    %c0_i32 = arith.constant 0 : i32
    %c0_i32_0 = arith.constant 0 : i32
    %c0_i32_1 = arith.constant 0 : i32
    return %c0_i32, %c0_i32_0 : i32, i32
  }
  func.func @transform_2(%arg0: i32) -> (i32, i32) {
    %c0_i32 = arith.constant 0 : i32
    %c0_i32_0 = arith.constant 0 : i32
    %c0_i32_1 = arith.constant 0 : i32
    return %c0_i32, %c0_i32_0 : i32, i32
  }
  func.func @transform_3(%arg0: i32) -> (i32, i32) {
    %c0_i32 = arith.constant 0 : i32
    %c0_i32_0 = arith.constant 0 : i32
    return %arg0, %c0_i32 : i32, i32
  }
}

module attributes {stable_mosaic.version = 14 : i64} {
  func.func @_mid_body(%arg0: i32, %arg1: memref<512x128xf32, #tpu.memory_space<vmem>>, %arg2: memref<512x128xf32, #tpu.memory_space<vmem>>, %arg3: memref<512x128xf32, #tpu.memory_space<vmem>>, %arg4: memref<32x512xf32, #tpu.memory_space<vmem>>, %arg5: memref<128x128xf32, #tpu.memory_space<vmem>>, %arg6: memref<128x128xf32, #tpu.memory_space<vmem>>, %arg7: memref<1x128xf32, #tpu.memory_space<vmem>>, %arg8: memref<128x128xf32, #tpu.memory_space<vmem>>, %arg9: memref<1x128xf32, #tpu.memory_space<vmem>>, %arg10: memref<512x128xf32, #tpu.memory_space<vmem>>, %arg11: memref<512x128xf32, #tpu.memory_space<vmem>>, %arg12: memref<512xf32, #tpu.memory_space<vmem>>) attributes {dimension_semantics = [#tpu.dimension_semantics<arbitrary>], iteration_bounds = array<i64: 20>, scalar_prefetch = 0 : i64, scratch_operands = 0 : i64, tpu.core_type = #tpu.core_type<tc>, window_params = [{transform_indices = @transform_0, window_bounds = array<i64: 512, 128>}, {transform_indices = @transform_1, window_bounds = array<i64: 512, 128>}, {transform_indices = @transform_2, window_bounds = array<i64: 512, 128>}, {transform_indices = @transform_3, window_bounds = array<i64: 32, 512>}, {pipeline_mode = #tpu.pipeline_mode<synchronous>, transform_indices = @transform_4, window_bounds = array<i64: 128, 128>}, {pipeline_mode = #tpu.pipeline_mode<synchronous>, transform_indices = @transform_5, window_bounds = array<i64: 128, 128>}, {pipeline_mode = #tpu.pipeline_mode<synchronous>, transform_indices = @transform_6, window_bounds = array<i64: 1, 128>}, {pipeline_mode = #tpu.pipeline_mode<synchronous>, transform_indices = @transform_7, window_bounds = array<i64: 128, 128>}, {pipeline_mode = #tpu.pipeline_mode<synchronous>, transform_indices = @transform_8, window_bounds = array<i64: 1, 128>}, {transform_indices = @transform_9, window_bounds = array<i64: 512, 128>}, {transform_indices = @transform_10, window_bounds = array<i64: 512, 128>}, {transform_indices = @transform_11, window_bounds = array<i64: 512>}]} {
    %get3A = arith.constant 0 : index
    %get3A_0 = arith.constant 0 : index
    %get3A_1 = vector.load %arg4[%get3A, %get3A_0] : memref<32x512xf32, #tpu.memory_space<vmem>>, vector<32x512xf32>
    %reduce_sum3A = arith.constant dense<0.000000e+00> : vector<512xf32>
    %reduce_sum3A_2 = vector.multi_reduction <add>, %get3A_1, %reduce_sum3A [0] : vector<32x512xf32> to vector<512xf32>
    %get3A_3 = arith.constant 0 : index
    %get3A_4 = arith.constant 0 : index
    %get3A_5 = vector.load %arg2[%get3A_3, %get3A_4] : memref<512x128xf32, #tpu.memory_space<vmem>>, vector<512x128xf32>
    %get3A_6 = arith.constant 0 : index
    %get3A_7 = arith.constant 0 : index
    %get3A_8 = vector.load %arg3[%get3A_6, %get3A_7] : memref<512x128xf32, #tpu.memory_space<vmem>>, vector<512x128xf32>
    %add3A = arith.addf %get3A_5, %get3A_8 : vector<512x128xf32>
    %max3A = arith.constant 1.000000e+00 : f32
    %max3A_9 = vector.broadcast %max3A : f32 to vector<512xf32>
    %max3A_10 = arith.maximumf %reduce_sum3A_2, %max3A_9 : vector<512xf32>
    %broadcast_in_dim3A = vector.shape_cast %max3A_10 : vector<512xf32> to vector<512x1xf32>
    %div3A = vector.broadcast %broadcast_in_dim3A : vector<512x1xf32> to vector<512x128xf32>
    %div3A_11 = arith.divf %add3A, %div3A : vector<512x128xf32>
    %get3A_12 = arith.constant 0 : index
    %get3A_13 = arith.constant 0 : index
    %get3A_14 = vector.load %arg1[%get3A_12, %get3A_13] : memref<512x128xf32, #tpu.memory_space<vmem>>, vector<512x128xf32>
    %get3A_15 = arith.constant 0 : index
    %get3A_16 = arith.constant 0 : index
    %get3A_17 = vector.load %arg5[%get3A_15, %get3A_16] : memref<128x128xf32, #tpu.memory_space<vmem>>, vector<128x128xf32>
    %dot_general3A = arith.constant dense<0.000000e+00> : vector<512x128xf32>
    %dot_general3A_18 = tpu.matmul %get3A_14, %get3A_17, %dot_general3A {dimension_numbers = #tpu.dot_dimension_numbers<[1], [0], [0], [1], [0, 0, 1, 1], [], []>, transpose_lhs_hint = false} : vector<512x128xf32>, vector<128x128xf32>, vector<512x128xf32> -> vector<512x128xf32>
    %get3A_19 = arith.constant 0 : index
    %get3A_20 = arith.constant 0 : index
    %get3A_21 = vector.load %arg6[%get3A_19, %get3A_20] : memref<128x128xf32, #tpu.memory_space<vmem>>, vector<128x128xf32>
    %dot_general3A_22 = arith.constant dense<0.000000e+00> : vector<512x128xf32>
    %dot_general3A_23 = tpu.matmul %div3A_11, %get3A_21, %dot_general3A_22 {dimension_numbers = #tpu.dot_dimension_numbers<[1], [0], [0], [1], [0, 0, 1, 1], [], []>, transpose_lhs_hint = false} : vector<512x128xf32>, vector<128x128xf32>, vector<512x128xf32> -> vector<512x128xf32>
    %add3A_24 = arith.addf %dot_general3A_18, %dot_general3A_23 : vector<512x128xf32>
    %get3A_25 = arith.constant 0 : index
    %get3A_26 = arith.constant 0 : index
    %get3A_27 = vector.load %arg7[%get3A_25, %get3A_26] : memref<1x128xf32, #tpu.memory_space<vmem>>, vector<1x128xf32>
    %add3A_28 = vector.broadcast %get3A_27 : vector<1x128xf32> to vector<512x128xf32>
    %add3A_29 = arith.addf %add3A_24, %add3A_28 : vector<512x128xf32>
    %max3A_30 = arith.constant 0.000000e+00 : f32
    %max3A_31 = vector.broadcast %max3A_30 : f32 to vector<512x128xf32>
    %max3A_32 = arith.maximumf %add3A_29, %max3A_31 : vector<512x128xf32>
    %mul3A = arith.mulf %max3A_32, %max3A_32 : vector<512x128xf32>
    %reduce_sum3A_33 = arith.constant dense<0.000000e+00> : vector<512xf32>
    %reduce_sum3A_34 = vector.multi_reduction <add>, %mul3A, %reduce_sum3A_33 [1] : vector<512x128xf32> to vector<512xf32>
    %broadcast_in_dim3A_35 = vector.shape_cast %reduce_sum3A_34 : vector<512xf32> to vector<512x1xf32>
    %sqrt3A = math.sqrt %broadcast_in_dim3A_35 : vector<512x1xf32>
    %add3A_36 = arith.constant 9.99999997E-7 : f32
    %add3A_37 = vector.broadcast %add3A_36 : f32 to vector<512x1xf32>
    %add3A_38 = arith.addf %sqrt3A, %add3A_37 : vector<512x1xf32>
    %div3A_39 = vector.broadcast %add3A_38 : vector<512x1xf32> to vector<512x128xf32>
    %div3A_40 = arith.divf %max3A_32, %div3A_39 : vector<512x128xf32>
    %swap3A = arith.constant 0 : index
    %swap3A_41 = arith.constant 0 : index
    %swap3A_42 = vector.load %arg10[%swap3A, %swap3A_41] : memref<512x128xf32, #tpu.memory_space<vmem>>, vector<512x128xf32>
    tpu.vector_store %arg10[%swap3A, %swap3A_41], %div3A_40 {strides = array<i32>} : memref<512x128xf32, #tpu.memory_space<vmem>>, vector<512x128xf32>,
    %get3A_43 = arith.constant 0 : index
    %get3A_44 = arith.constant 0 : index
    %get3A_45 = vector.load %arg8[%get3A_43, %get3A_44] : memref<128x128xf32, #tpu.memory_space<vmem>>, vector<128x128xf32>
    %dot_general3A_46 = arith.constant dense<0.000000e+00> : vector<512x128xf32>
    %dot_general3A_47 = tpu.matmul %div3A_40, %get3A_45, %dot_general3A_46 {dimension_numbers = #tpu.dot_dimension_numbers<[1], [0], [0], [1], [0, 0, 1, 1], [], []>, transpose_lhs_hint = false} : vector<512x128xf32>, vector<128x128xf32>, vector<512x128xf32> -> vector<512x128xf32>
    %get3A_48 = arith.constant 0 : index
    %get3A_49 = arith.constant 0 : index
    %get3A_50 = vector.load %arg9[%get3A_48, %get3A_49] : memref<1x128xf32, #tpu.memory_space<vmem>>, vector<1x128xf32>
    %add3A_51 = vector.broadcast %get3A_50 : vector<1x128xf32> to vector<512x128xf32>
    %add3A_52 = arith.addf %dot_general3A_47, %add3A_51 : vector<512x128xf32>
    %max3A_53 = arith.constant 0.000000e+00 : f32
    %max3A_54 = vector.broadcast %max3A_53 : f32 to vector<512x128xf32>
    %max3A_55 = arith.maximumf %add3A_52, %max3A_54 : vector<512x128xf32>
    %swap3A_56 = arith.constant 0 : index
    %swap3A_57 = arith.constant 0 : index
    %swap3A_58 = vector.load %arg11[%swap3A_56, %swap3A_57] : memref<512x128xf32, #tpu.memory_space<vmem>>, vector<512x128xf32>
    tpu.vector_store %arg11[%swap3A_56, %swap3A_57], %max3A_55 {strides = array<i32>} : memref<512x128xf32, #tpu.memory_space<vmem>>, vector<512x128xf32>,
    %swap3A_59 = arith.constant 0 : index
    %swap3A_60 = vector.load %arg12[%swap3A_59] : memref<512xf32, #tpu.memory_space<vmem>>, vector<512xf32>
    tpu.vector_store %arg12[%swap3A_59], %reduce_sum3A_2 {strides = array<i32>} : memref<512xf32, #tpu.memory_space<vmem>>, vector<512xf32>,
    return
  }
  func.func @transform_0(%arg0: i32) -> (i32, i32) {
    %c0_i32 = arith.constant 0 : i32
    %c0_i32_0 = arith.constant 0 : i32
    return %arg0, %c0_i32 : i32, i32
  }
  func.func @transform_1(%arg0: i32) -> (i32, i32) {
    %c0_i32 = arith.constant 0 : i32
    %c0_i32_0 = arith.constant 0 : i32
    return %arg0, %c0_i32 : i32, i32
  }
  func.func @transform_2(%arg0: i32) -> (i32, i32) {
    %add3A = arith.constant 20 : i32
    %add3A_0 = arith.addi %arg0, %add3A : i32
    %c0_i32 = arith.constant 0 : i32
    %c0_i32_1 = arith.constant 0 : i32
    return %add3A_0, %c0_i32 : i32, i32
  }
  func.func @transform_3(%arg0: i32) -> (i32, i32) {
    %c0_i32 = arith.constant 0 : i32
    %c0_i32_0 = arith.constant 0 : i32
    return %c0_i32, %arg0 : i32, i32
  }
  func.func @transform_4(%arg0: i32) -> (i32, i32) {
    %c0_i32 = arith.constant 0 : i32
    %c0_i32_0 = arith.constant 0 : i32
    %c0_i32_1 = arith.constant 0 : i32
    return %c0_i32, %c0_i32_0 : i32, i32
  }
  func.func @transform_5(%arg0: i32) -> (i32, i32) {
    %c0_i32 = arith.constant 0 : i32
    %c0_i32_0 = arith.constant 0 : i32
    %c0_i32_1 = arith.constant 0 : i32
    return %c0_i32, %c0_i32_0 : i32, i32
  }
  func.func @transform_6(%arg0: i32) -> (i32, i32) {
    %c0_i32 = arith.constant 0 : i32
    %c0_i32_0 = arith.constant 0 : i32
    %c0_i32_1 = arith.constant 0 : i32
    return %c0_i32, %c0_i32_0 : i32, i32
  }
  func.func @transform_7(%arg0: i32) -> (i32, i32) {
    %c0_i32 = arith.constant 0 : i32
    %c0_i32_0 = arith.constant 0 : i32
    %c0_i32_1 = arith.constant 0 : i32
    return %c0_i32, %c0_i32_0 : i32, i32
  }
  func.func @transform_8(%arg0: i32) -> (i32, i32) {
    %c0_i32 = arith.constant 0 : i32
    %c0_i32_0 = arith.constant 0 : i32
    %c0_i32_1 = arith.constant 0 : i32
    return %c0_i32, %c0_i32_0 : i32, i32
  }
  func.func @transform_9(%arg0: i32) -> (i32, i32) {
    %c0_i32 = arith.constant 0 : i32
    %c0_i32_0 = arith.constant 0 : i32
    return %arg0, %c0_i32 : i32, i32
  }
  func.func @transform_10(%arg0: i32) -> (i32, i32) {
    %c0_i32 = arith.constant 0 : i32
    %c0_i32_0 = arith.constant 0 : i32
    return %arg0, %c0_i32 : i32, i32
  }
  func.func @transform_11(%arg0: i32) -> i32 {
    %c0_i32 = arith.constant 0 : i32
    return %arg0 : i32
  }
}

module attributes {stable_mosaic.version = 14 : i64} {
  func.func @_post_body(%arg0: i32, %arg1: memref<512x128xf32, #tpu.memory_space<vmem>>, %arg2: memref<512x128xf32, #tpu.memory_space<vmem>>, %arg3: memref<512x128xf32, #tpu.memory_space<vmem>>, %arg4: memref<512xf32, #tpu.memory_space<vmem>>, %arg5: memref<128x128xf32, #tpu.memory_space<vmem>>, %arg6: memref<128x128xf32, #tpu.memory_space<vmem>>, %arg7: memref<1x128xf32, #tpu.memory_space<vmem>>, %arg8: memref<128x128xf32, #tpu.memory_space<vmem>>, %arg9: memref<1x128xf32, #tpu.memory_space<vmem>>, %arg10: memref<1x128xf32, #tpu.memory_space<vmem>>, %arg11: memref<512x128xf32, #tpu.memory_space<vmem>>) attributes {dimension_semantics = [#tpu.dimension_semantics<arbitrary>], iteration_bounds = array<i64: 20>, scalar_prefetch = 0 : i64, scratch_operands = 0 : i64, tpu.core_type = #tpu.core_type<tc>, window_params = [{transform_indices = @transform_0, window_bounds = array<i64: 512, 128>}, {transform_indices = @transform_1, window_bounds = array<i64: 512, 128>}, {transform_indices = @transform_2, window_bounds = array<i64: 512, 128>}, {transform_indices = @transform_3, window_bounds = array<i64: 512>}, {pipeline_mode = #tpu.pipeline_mode<synchronous>, transform_indices = @transform_4, window_bounds = array<i64: 128, 128>}, {pipeline_mode = #tpu.pipeline_mode<synchronous>, transform_indices = @transform_5, window_bounds = array<i64: 128, 128>}, {pipeline_mode = #tpu.pipeline_mode<synchronous>, transform_indices = @transform_6, window_bounds = array<i64: 1, 128>}, {pipeline_mode = #tpu.pipeline_mode<synchronous>, transform_indices = @transform_7, window_bounds = array<i64: 128, 128>}, {pipeline_mode = #tpu.pipeline_mode<synchronous>, transform_indices = @transform_8, window_bounds = array<i64: 1, 128>}, {pipeline_mode = #tpu.pipeline_mode<synchronous>, transform_indices = @transform_9, window_bounds = array<i64: 1, 128>}, {transform_indices = @transform_10, window_bounds = array<i64: 512, 128>}]} {
    %get3A = arith.constant 0 : index
    %get3A_0 = vector.load %arg4[%get3A] : memref<512xf32, #tpu.memory_space<vmem>>, vector<512xf32>
    %get3A_1 = arith.constant 0 : index
    %get3A_2 = arith.constant 0 : index
    %get3A_3 = vector.load %arg2[%get3A_1, %get3A_2] : memref<512x128xf32, #tpu.memory_space<vmem>>, vector<512x128xf32>
    %get3A_4 = arith.constant 0 : index
    %get3A_5 = arith.constant 0 : index
    %get3A_6 = vector.load %arg3[%get3A_4, %get3A_5] : memref<512x128xf32, #tpu.memory_space<vmem>>, vector<512x128xf32>
    %add3A = arith.addf %get3A_3, %get3A_6 : vector<512x128xf32>
    %max3A = arith.constant 1.000000e+00 : f32
    %max3A_7 = vector.broadcast %max3A : f32 to vector<512xf32>
    %max3A_8 = arith.maximumf %get3A_0, %max3A_7 : vector<512xf32>
    %broadcast_in_dim3A = vector.shape_cast %max3A_8 : vector<512xf32> to vector<512x1xf32>
    %div3A = vector.broadcast %broadcast_in_dim3A : vector<512x1xf32> to vector<512x128xf32>
    %div3A_9 = arith.divf %add3A, %div3A : vector<512x128xf32>
    %get3A_10 = arith.constant 0 : index
    %get3A_11 = arith.constant 0 : index
    %get3A_12 = vector.load %arg1[%get3A_10, %get3A_11] : memref<512x128xf32, #tpu.memory_space<vmem>>, vector<512x128xf32>
    %get3A_13 = arith.constant 0 : index
    %get3A_14 = arith.constant 0 : index
    %get3A_15 = vector.load %arg5[%get3A_13, %get3A_14] : memref<128x128xf32, #tpu.memory_space<vmem>>, vector<128x128xf32>
    %dot_general3A = arith.constant dense<0.000000e+00> : vector<512x128xf32>
    %dot_general3A_16 = tpu.matmul %get3A_12, %get3A_15, %dot_general3A {dimension_numbers = #tpu.dot_dimension_numbers<[1], [0], [0], [1], [0, 0, 1, 1], [], []>, transpose_lhs_hint = false} : vector<512x128xf32>, vector<128x128xf32>, vector<512x128xf32> -> vector<512x128xf32>
    %get3A_17 = arith.constant 0 : index
    %get3A_18 = arith.constant 0 : index
    %get3A_19 = vector.load %arg6[%get3A_17, %get3A_18] : memref<128x128xf32, #tpu.memory_space<vmem>>, vector<128x128xf32>
    %dot_general3A_20 = arith.constant dense<0.000000e+00> : vector<512x128xf32>
    %dot_general3A_21 = tpu.matmul %div3A_9, %get3A_19, %dot_general3A_20 {dimension_numbers = #tpu.dot_dimension_numbers<[1], [0], [0], [1], [0, 0, 1, 1], [], []>, transpose_lhs_hint = false} : vector<512x128xf32>, vector<128x128xf32>, vector<512x128xf32> -> vector<512x128xf32>
    %add3A_22 = arith.addf %dot_general3A_16, %dot_general3A_21 : vector<512x128xf32>
    %get3A_23 = arith.constant 0 : index
    %get3A_24 = arith.constant 0 : index
    %get3A_25 = vector.load %arg7[%get3A_23, %get3A_24] : memref<1x128xf32, #tpu.memory_space<vmem>>, vector<1x128xf32>
    %add3A_26 = vector.broadcast %get3A_25 : vector<1x128xf32> to vector<512x128xf32>
    %add3A_27 = arith.addf %add3A_22, %add3A_26 : vector<512x128xf32>
    %max3A_28 = arith.constant 0.000000e+00 : f32
    %max3A_29 = vector.broadcast %max3A_28 : f32 to vector<512x128xf32>
    %max3A_30 = arith.maximumf %add3A_27, %max3A_29 : vector<512x128xf32>
    %mul3A = arith.mulf %max3A_30, %max3A_30 : vector<512x128xf32>
    %reduce_sum3A = arith.constant dense<0.000000e+00> : vector<512xf32>
    %reduce_sum3A_31 = vector.multi_reduction <add>, %mul3A, %reduce_sum3A [1] : vector<512x128xf32> to vector<512xf32>
    %broadcast_in_dim3A_32 = vector.shape_cast %reduce_sum3A_31 : vector<512xf32> to vector<512x1xf32>
    %sqrt3A = math.sqrt %broadcast_in_dim3A_32 : vector<512x1xf32>
    %add3A_33 = arith.constant 9.99999997E-7 : f32
    %add3A_34 = vector.broadcast %add3A_33 : f32 to vector<512x1xf32>
    %add3A_35 = arith.addf %sqrt3A, %add3A_34 : vector<512x1xf32>
    %div3A_36 = vector.broadcast %add3A_35 : vector<512x1xf32> to vector<512x128xf32>
    %div3A_37 = arith.divf %max3A_30, %div3A_36 : vector<512x128xf32>
    %get3A_38 = arith.constant 0 : index
    %get3A_39 = arith.constant 0 : index
    %get3A_40 = vector.load %arg8[%get3A_38, %get3A_39] : memref<128x128xf32, #tpu.memory_space<vmem>>, vector<128x128xf32>
    %dot_general3A_41 = arith.constant dense<0.000000e+00> : vector<512x128xf32>
    %dot_general3A_42 = tpu.matmul %div3A_37, %get3A_40, %dot_general3A_41 {dimension_numbers = #tpu.dot_dimension_numbers<[1], [0], [0], [1], [0, 0, 1, 1], [], []>, transpose_lhs_hint = false} : vector<512x128xf32>, vector<128x128xf32>, vector<512x128xf32> -> vector<512x128xf32>
    %get3A_43 = arith.constant 0 : index
    %get3A_44 = arith.constant 0 : index
    %get3A_45 = vector.load %arg10[%get3A_43, %get3A_44] : memref<1x128xf32, #tpu.memory_space<vmem>>, vector<1x128xf32>
    %get3A_46 = arith.constant 0 : index
    %get3A_47 = arith.constant 0 : index
    %get3A_48 = vector.load %arg9[%get3A_46, %get3A_47] : memref<1x128xf32, #tpu.memory_space<vmem>>, vector<1x128xf32>
    %add3A_49 = vector.broadcast %get3A_48 : vector<1x128xf32> to vector<512x128xf32>
    %add3A_50 = arith.addf %dot_general3A_42, %add3A_49 : vector<512x128xf32>
    %max3A_51 = arith.constant 0.000000e+00 : f32
    %max3A_52 = vector.broadcast %max3A_51 : f32 to vector<512x128xf32>
    %max3A_53 = arith.maximumf %add3A_50, %max3A_52 : vector<512x128xf32>
    %mul3A_54 = vector.broadcast %get3A_45 : vector<1x128xf32> to vector<512x128xf32>
    %mul3A_55 = arith.mulf %mul3A_54, %max3A_53 : vector<512x128xf32>
    %swap3A = arith.constant 0 : index
    %swap3A_56 = arith.constant 0 : index
    %swap3A_57 = vector.load %arg11[%swap3A, %swap3A_56] : memref<512x128xf32, #tpu.memory_space<vmem>>, vector<512x128xf32>
    tpu.vector_store %arg11[%swap3A, %swap3A_56], %mul3A_55 {strides = array<i32>} : memref<512x128xf32, #tpu.memory_space<vmem>>, vector<512x128xf32>,
    return
  }
  func.func @transform_0(%arg0: i32) -> (i32, i32) {
    %c0_i32 = arith.constant 0 : i32
    %c0_i32_0 = arith.constant 0 : i32
    return %arg0, %c0_i32 : i32, i32
  }
  func.func @transform_1(%arg0: i32) -> (i32, i32) {
    %c0_i32 = arith.constant 0 : i32
    %c0_i32_0 = arith.constant 0 : i32
    return %arg0, %c0_i32 : i32, i32
  }
  func.func @transform_2(%arg0: i32) -> (i32, i32) {
    %add3A = arith.constant 20 : i32
    %add3A_0 = arith.addi %arg0, %add3A : i32
    %c0_i32 = arith.constant 0 : i32
    %c0_i32_1 = arith.constant 0 : i32
    return %add3A_0, %c0_i32 : i32, i32
  }
  func.func @transform_3(%arg0: i32) -> i32 {
    %c0_i32 = arith.constant 0 : i32
    return %arg0 : i32
  }
  func.func @transform_4(%arg0: i32) -> (i32, i32) {
    %c0_i32 = arith.constant 0 : i32
    %c0_i32_0 = arith.constant 0 : i32
    %c0_i32_1 = arith.constant 0 : i32
    return %c0_i32, %c0_i32_0 : i32, i32
  }
  func.func @transform_5(%arg0: i32) -> (i32, i32) {
    %c0_i32 = arith.constant 0 : i32
    %c0_i32_0 = arith.constant 0 : i32
    %c0_i32_1 = arith.constant 0 : i32
    return %c0_i32, %c0_i32_0 : i32, i32
  }
  func.func @transform_6(%arg0: i32) -> (i32, i32) {
    %c0_i32 = arith.constant 0 : i32
    %c0_i32_0 = arith.constant 0 : i32
    %c0_i32_1 = arith.constant 0 : i32
    return %c0_i32, %c0_i32_0 : i32, i32
  }
  func.func @transform_7(%arg0: i32) -> (i32, i32) {
    %c0_i32 = arith.constant 0 : i32
    %c0_i32_0 = arith.constant 0 : i32
    %c0_i32_1 = arith.constant 0 : i32
    return %c0_i32, %c0_i32_0 : i32, i32
  }
  func.func @transform_8(%arg0: i32) -> (i32, i32) {
    %c0_i32 = arith.constant 0 : i32
    %c0_i32_0 = arith.constant 0 : i32
    %c0_i32_1 = arith.constant 0 : i32
    return %c0_i32, %c0_i32_0 : i32, i32
  }
  func.func @transform_9(%arg0: i32) -> (i32, i32) {
    %c0_i32 = arith.constant 0 : i32
    %c0_i32_0 = arith.constant 0 : i32
    %c0_i32_1 = arith.constant 0 : i32
    return %c0_i32, %c0_i32_0 : i32, i32
  }
  func.func @transform_10(%arg0: i32) -> (i32, i32) {
    %c0_i32 = arith.constant 0 : i32
    %c0_i32_0 = arith.constant 0 : i32
    return %arg0, %c0_i32 : i32, i32
  }
}

</mosaic_0001>

<sc_bundles>
// kernel: kernel.10.cloned.1.call-start
scs
__scs_entry_jumppad:
0x0: {  	(pc) =	sbr.rel $0x88, $3  }
0x1: {  	(tag) =	ssettag $0x0;
	lr =	simm.s32 $0x1  }
0x2: {  	[smem:$0x3F94] =	sst lr;
	_ =	strace $0xD0000000  }
0x3: {  	_ = 	snop  }
0x4: {  	_ = 	snop  }
0x5: {  	_ = 	snop  }
0x6: {  	_ = 	snop  }
0x7: {  	_ = 	snop  }
__scs_overlays_trampoline_lowered:
0x8: {  	[smem:$0x3FA3] =	sst s0  }
0x9: {  	[smem:$0x3FA4] =	sst s1  }
0xa: {  	[smem:$0x3FA5] =	sst s2  }
0xb: {  	[smem:$0x3FA6] =	sst s3  }
0xc: {  	[smem:$0x3FA7] =	sst s4  }
0xd: {  	[smem:$0x3FA8] =	sst s5  }
0xe: {  	[smem:$0x3FA9] =	sst s6  }
0xf: {  	[smem:$0x3FAA] =	sst s7  }
0x10: {  	[smem:$0x3FAB] =	sst s8  }
0x11: {  	[smem:$0x3FAC] =	sst s9;
	s0 =	simm.s32 @!p0 $0x0  }
0x12: {  	s1 =	sld [smem:$0x3F92];
	s0 =	simm.s32 @p0 $0x1  }
0x13: {  	[smem:$0x3FAD] =	sst s0;
	s0 =	simm.s32 @!p1 $0x0  }
0x14: {  	s2 =	sld [smem:$0x3F91];
	s0 =	simm.s32 @p1 $0x1  }
0x15: {  	[smem:$0x3FAE] =	sst s0;
	s0 =	simm.s32 @!p2 $0x0  }
0x16: {  	s3 =	sld [smem:$0x3FDB];
	s0 =	simm.s32 @p2 $0x1  }
0x17: {  	s4 =	simm.s32 $0x1BF5;
	[smem:$0x3FB0] =	sst s0  }
0x18: {  	s0 =	sld [smem:$0x3F93];
	_ =	swait.ge [sflag:s4], $0x0  }
0x19: {  	s7 =	sld [smem:$0x3F94]  }
0x1a: {  	s8 =	sadd.s32 $0xFFFFE003, lr  }
0x1b: {  	s9 =	sadd.s32 $0xFFFFFEF7, lr;
	s5 =	simm.s32 $0xFFFFFFFF;
	p2 =	slt.u32 s8, $0xFFFFF086  }
0x1c: {  	p1 =	slt.u32 s9, $0xF7A;
	s5 =	simm.s32 @!p2 $0x0  }
0x1d: {  	s5 =	simm.s32 @p1 $0x1;
	p0 =	seq.s32 s7, s2  }
0x1e: {  	s7 =	smul.u32 @!p0 $0xF7A, s2;
	p2 =	seq.s32 @!p0 s5, $0x0  }
0x1f: {  	s9 =	smul.u32 $0xF7A, s1;
	s8 =	simm.s32 @!p0 $0x1BF5;
	p2 =	por !p2, p0  }
0x20: {  	[sflag:s8] =	ssyncset.s32 @!p0 $0xFFFFF086;
	s6 =	sadd.s32 @!p0 s3, s7;
	s7 =	simm.s32 @!p0 $0x108  }
0x21: {  	s3 =	sadd.s32 s3, s9;
	s6 =	sadd.s32 @!p0 $0x88, s6;
	s7 =	simm.s32 @p2 $0x1082  }
0x22: {  	[simem:s7], [sflag:s8] =	dma.local @!p0 [hbm:s6], $0xF7A  }
0x23: {  	s9 =	sor.u32 $0xD0000000, s2;
	s6 =	simm.s32 $0x108;
	_ =	swait.ge @!p0 [sflag:s8], $0x0  }
0x24: {  	s3 =	sadd.s32 $0x88, s3;
	s6 =	simm.s32 @!p1 $0x1082;
	[sflag:s4] =	ssyncset.s32 $0xFFFFF086  }
0x25: {  	[simem:s6], [sflag:s4] =	dma.local [hbm:s3], $0xF7A  }
0x26: {  	[smem:$0x3F94] =	sst s1;
	(tag) =	ssettag s2;
	_ =	strace s9  }
0x27: {  	s1 =	sld [smem:$0x3FA4]  }
0x28: {  	s2 =	sld [smem:$0x3FA5]  }
0x29: {  	s4 =	sld [smem:$0x3FA7]  }
0x2a: {  	p0 =	seq.s32 s5, $0x0;
	s5 =	sld [smem:$0x3FA8]  }
0x2b: {  	s6 =	sld [smem:$0x3FA9]  }
0x2c: {  	s7 =	sld [smem:$0x3FAA]  }
0x2d: {  	s3 =	simm.s32 $0x108;
	s8 =	sld [smem:$0x3FAB]  }
0x2e: {  	s3 =	simm.s32 @!p0 $0x1082;
	s9 =	sld [smem:$0x3FAC]  }
0x2f: {  	lr =	sadd.s32 s0, s3;
	s0 =	sld [smem:$0x3FA3]  }
0x30: {  	s3 =	sld [smem:$0x3FA6]  }
0x31: {  	[smem:$0x3FAF] =	sst s10  }
0x32: {  	s10 =	sld [smem:$0x3FAD];
	_ =	sdelay $0x3  }
0x33: {  	p0 =	seq.s32 s10, $0x1;
	s10 =	sld [smem:$0x3FAF];
	_ =	sdelay $0x3  }
0x34: {  	[smem:$0x3FAF] =	sst s10  }
0x35: {  	s10 =	sld [smem:$0x3FAE];
	_ =	sdelay $0x3  }
0x36: {  	p1 =	seq.s32 s10, $0x1;
	s10 =	sld [smem:$0x3FAF];
	_ =	sdelay $0x3  }
0x37: {  	[smem:$0x3FAF] =	sst s10  }
0x38: {  	s10 =	sld [smem:$0x3FB0]  }
0x39: {  	_ = 	snop;
	(pc) =	sbr.ind lr, $3  }
0x3a: {  	_ = 	snop  }
0x3b: {  	_ = 	snop  }
0x3c: {  	p2 =	seq.s32 s10, $0x1;
	s10 =	sld [smem:$0x3FAF]  }
0x3d: {  	_ =	shalt  }
0x3e: {  	_ =	shalt  }
0x3f: {  	_ =	shalt  }
0x40: {  	_ =	shalt  }
0x41: {  	_ =	shalt  }
0x42: {  	_ =	shalt  }
0x43: {  	_ =	shalt  }
0x44: {  	_ =	shalt  }
0x45: {  	_ =	shalt  }
0x46: {  	_ =	shalt  }
0x47: {  	_ =	shalt  }
0x48: {  	_ =	shalt  }
0x49: {  	_ =	shalt  }
0x4a: {  	_ =	shalt  }
0x4b: {  	_ =	shalt  }
0x4c: {  	_ =	shalt  }
0x4d: {  	_ =	shalt  }
0x4e: {  	_ =	shalt  }
0x4f: {  	_ =	shalt  }
0x50: {  	_ =	shalt  }
0x51: {  	_ =	shalt  }
0x52: {  	_ =	shalt  }
0x53: {  	_ =	shalt  }
0x54: {  	_ =	shalt  }
0x55: {  	_ =	shalt  }
0x56: {  	_ =	shalt  }
0x57: {  	_ =	shalt  }
0x58: {  	_ =	shalt  }
0x59: {  	_ =	shalt  }
0x5a: {  	_ =	shalt  }
0x5b: {  	_ =	shalt  }
0x5c: {  	_ =	shalt  }
0x5d: {  	_ =	shalt  }
0x5e: {  	_ =	shalt  }
0x5f: {  	_ =	shalt  }
0x60: {  	_ =	shalt  }
0x61: {  	_ =	shalt  }
0x62: {  	_ =	shalt  }
0x63: {  	_ =	shalt  }
0x64: {  	_ =	shalt  }
0x65: {  	_ =	shalt  }
0x66: {  	_ =	shalt  }
0x67: {  	_ =	shalt  }
0x68: {  	_ =	shalt  }
0x69: {  	_ =	shalt  }
0x6a: {  	_ =	shalt  }
0x6b: {  	_ =	shalt  }
0x6c: {  	_ =	shalt  }
0x6d: {  	_ =	shalt  }
0x6e: {  	_ =	shalt  }
0x6f: {  	_ =	shalt  }
0x70: {  	_ =	shalt  }
0x71: {  	_ =	shalt  }
0x72: {  	_ =	shalt  }
0x73: {  	_ =	shalt  }
0x74: {  	_ =	shalt  }
0x75: {  	_ =	shalt  }
0x76: {  	_ =	shalt  }
0x77: {  	_ =	shalt  }
0x78: {  	_ =	shalt  }
0x79: {  	_ =	shalt  }
0x7a: {  	_ =	shalt  }
0x7b: {  	_ =	shalt  }
0x7c: {  	_ =	shalt  }
0x7d: {  	_ =	shalt  }
0x7e: {  	_ =	shalt  }
0x7f: {  	_ =	shalt  }
0x80: {  	_ =	shalt  }
0x81: {  	_ =	shalt  }
0x82: {  	_ =	shalt  }
0x83: {  	_ =	shalt  }
0x84: {  	_ =	shalt  }
0x85: {  	_ =	shalt  }
0x86: {  	_ =	shalt  }
0x87: {  	_ =	shalt  }
.Lfunc_end0:
.L_simem_size_0:
called_computation.1_lowered:
.L_overlay_start_0:
0x88: {  	s2 =	sld [smem:$0x3FD9]  }
0x89: {  	s3 =	sld [smem:$0x3FFE];
	_ =	sdelay $0x1  }
0x8a: {  	s1 =	srdreg.scid  }
0x8b: {  	s0 =	sand.u32 $0x1, s1  }
0x8c: {  	s17 =	sshll.u32 s0, $0xA;
	s2 =	sadd.s32 s3, s2  }
0x8d: {  	s2 =	sadd.s32 s2, s17  }
0x8e: {  	[smem:$0x3FBB] =	sst s2  }
0x8f: {  	_ = 	snop  }
0x90: {  	s2 =	sld [smem:$0x3FD0];
	(tm) =	ssettm $0x1  }
0x91: {  	s18 =	sld [smem:$0x3FFB];
	_ =	sdelay $0x3  }
0x92: {  	_ =	strace s18  }
0x93: {  	s3 =	sld [smem:$0x3FFC];
	_ =	sdelay $0x3  }
0x94: {  	_ =	strace s3  }
0x95: {  	s3 =	sld [smem:$0x3FFD];
	_ =	sdelay $0x3  }
0x96: {  	_ =	strace s3  }
0x97: {  	_ =	strace $0x8FFFFFFF  }
0x98: {  	s19 =	sld [smem:$0x3FDB];
	_ =	sdelay $0x1  }
0x99: {  	s4 =	simm.s32 $_scs_section_size  }
0x9a: {  	s5 =	simm.s32 $_size__tile_overlayer_lowered;
	s6 =	simm.s32 $_tile_overlayer_lowered  }
0x9b: {  	s22 =	simm.s32 $0x1BFF;
	s21 =	sshll.u32 s6, $0x1;
	s3 =	sadd.s32 s4, s19  }
0x9c: {  	s7 =	simm.s32 $0x0;
	s20 =	sshll.u32 s5, $0x1;
	s5 =	sadd.s32 s21, s3  }
0x9d: {  	[timem:s7], [sflag:s22] =	dma.local [hbm:s5], s20  }
0x9e: {  	_ =	swait.ge [sflag:s22], s20  }
0x9f: {  	s4 =	ssub.s32 $0x0, s20;
	[sflag:s22] =	ssyncset.done $0x0  }
0xa0: {  	[sflag:s22] =	ssyncadd.s32 s4;
	_ =	sdelay $0x1  }
0xa1: {  	s23 =	simm.s32 $0x1B8B  }
0xa2: {  	_ =	swait.ge [sflag:s23], $0x1  }
0xa3: {  	[sflag:s23] =	ssyncset.done $0x0  }
0xa4: {  	s25 =	simm.s32 $0x1B8E;
	s24 =	sld [smem:$0x3FFE];
	[sflag:s23] =	ssyncadd.s32 $0xFFFFFFFF  }
0xa5: {  	s26 =	simm.s32 $execute0_lowered;
	[smem:$0x3FD2] =	sst s25  }
0xa6: {  	s5 =	sshll.u32 s26, $0x1;
	_ =	strace $0x80000049;
	[dreg:$0x1] =	wrdreg $0xFFFFFFFF  }
0xa7: {  	s28 =	simm.s32 $_size_execute0_lowered;
	s3 =	sadd.s32 s3, s5;
	[dreg:$0x0] =	wrdreg $0x0  }
0xa8: {  	s5 =	sshll.u32 s28, $0x1;
	[dreg:$0x2] =	wrdreg s3  }
0xa9: {  	[dreg:$0x3] =	wrdreg s5  }
0xaa: {  	[dreg:$0x4] =	wrdreg $0xC0  }
0xab: {  	_ =	task [dreg:s7], $0x5FFFF  }
0xac: {  	[dreg:$0x1] =	wrdreg $0xFFFFFFFF  }
0xad: {  	[dreg:$0x0] =	wrdreg $0x60  }
0xae: {  	[dreg:$0x2] =	wrdreg s24  }
0xaf: {  	[dreg:$0x3] =	wrdreg s2  }
0xb0: {  	[dreg:$0x4] =	wrdreg $0x42000  }
0xb1: {  	[dreg:$0x5] =	wrdreg $0x9  }
0xb2: {  	_ =	task.clear_ibuf [dreg:s7], $0x6FFFF;
	_ =	strace $0x90000049  }
0xb3: {  	s29 =	simm.s32 $0x9;
	_ =	strace $0x8000004B  }
0xb4: {  	_ =	swait.ge [sflag:s29], $0x1  }
0xb5: {  	[sflag:s29] =	ssyncadd.s32 $0xFFFFFFFF  }
0xb6: {  	_ =	strace $0x9000004B  }
0xb7: {  	_ =	sfence  }
0xb8: {  	s30 =	sld [smem:$0x0];
	_ =	sdelay $0x2  }
0xb9: {  	s31 =	sshll.u32 s1, $0xD;
	s1 =	sshrl.u32 s1, $0x2  }
0xba: {  	s3 =	sand.u32 $0x4000, s31;
	s1 =	sadd.s32 s1, s30  }
0xbb: {  	s0 =	sor.u32 s3, s0;
	s1 =	sshll.u32 s1, $0x11  }
0xbc: {  	s0 =	sor.u32 s1, s0  }
0xbd: {  	s0 =	sadd.s32 $0x8F2B, s0  }
0xbe: {  	[sflag:s0] =	ssyncadd.remote.s32 $0x1  }
0xbf: {  	_ =	sfence.sel $0xFFFF  }
0xc0: {  	[dreg:$0x0] =	wrdreg $0xFFFFFFFF;
	(pc) =	sbr.abs _section_cstart, $3  }
0xc1: {  	[dreg:$0x1] =	wrdreg $0xFFFFFFFF  }
0xc2: {  	_ =	task.clear_ibuf [dreg:s7], $0x2FFFF;
	_ =	strace $0x9FFFFFFF  }
0xc3: {  	(tm) =	ssettm $0x7FFFFFFF  }
tec
execute0_lowered:
.L_overlay_start_1:
0x0: {  	(tag) =	ssettag $0x1  }
0x1: {  	s0 =	rddreg [dreg:$0x0]  }
0x2: {  	s2 =	rddreg [dreg:$0x1]  }
0x3: {  	s3 =	rddreg [dreg:$0x2]  }
0x4: {  	s4 =	simm.s32 $0x0;
	s10 =	stileid.u32;
	s1 =	srdreg.scid  }
0x5: {  	s28 =	simm.s32 $0x1A00;
	s30 =	simm.s32 $0x7;
	s12 =	simm.s32 $0x9  }
0x6: {  	s29 =	simm.s32 $0xC;
	s31 =	simm.s32 $0x5;
	s5 =	smul.u32 $0x2800, s10  }
0x7: {  	[smem:$0x7FF] =	sst s4;
	s1 =	sand.u32 $0x1, s1;
	s13 =	smul.u32 $0x50000, s10  }
0x8: {  	s11 =	sadd.s32 $0x2E00, s0;
	s15 =	smul.u32 $0xFA00, s10;
	_ =	strace $0x8000004A  }
0x9: {  	s6 =	smul.u32 $0x28000, s1;
	s8 =	sshll.u32 s1, $0x4;
	s14 =	ssub.s32 $0x2, s1  }
0xa: {  	s1 =	smul.u32 $0xFA000, s1;
	s7 =	sadd.s32 s5, s0;
	s8 =	sor.u32 s10, s8  }
0xb: {  	s9 =	sshrl.u32 s14, $0x1;
	s10 =	sshll.u32 s10, $0x6;
	s5 =	sadd.s32 s5, s6  }
0xc: {  	s8 =	smul.u32 $0xFA00, s8;
	s6 =	sshrl.u32 s13, $0x2;
	s7 =	sadd.s32 $0x41600, s7  }
0xd: {  	[dreg:$0x5] =	wrdreg s10;
	s17 =	sor.u32 $0x1C0D, s10;
	s1 =	sadd.s32 s15, s1  }
0xe: {  	s10 =	simm.s32 $0x500;
	s13 =	simm.s32 $0x6;
	s0 =	sadd.s32 s5, s0  }
0xf: {  	s5 =	ssub.s32 s14, s9;
	s6 =	sadd.s32 s6, s3;
	[dreg:$0x4] =	wrdreg s7  }
0x10: {  	[dreg:$0x6] =	wrdreg s17;
	s19 =	sadd.s32 $0x800, s1;
	s21 =	sadd.s32 $0x700, s1  }
0x11: {  	s23 =	sadd.s32 $0x600, s1;
	s24 =	sadd.s32 $0x500, s1;
	s25 =	sadd.s32 $0x400, s1  }
0x12: {  	s1 =	sadd.s32 $0x300, s1;
	s17 =	smov.u32 s11;
	s9 =	simm.s32 $0xB  }
0x13: {  	s16 =	sshrl.u32 s8, $0x3;
	s0 =	sadd.s32 $0x69600, s0;
	s20 =	sshrl.u32 s19, $0x3  }
0x14: {  	s5 =	smax.u32 s5, $0x1;
	s22 =	sshrl.u32 s21, $0x3;
	[dreg:$0xe] =	wrdreg s23  }
0x15: {  	s26 =	sshrl.u32 s25, $0x3;
	s1 =	sshrl.u32 s1, $0x3;
	s15 =	sshrl.u32 s6, $0x3  }
0x16: {  	s21 =	simm.s32 $0x100;
	s23 =	simm.s32 $0x1;
	[dreg:$0xa] =	wrdreg s0  }
0x17: {  	s25 =	simm.s32 $0x600;
	s6 =	simm.s32 $0x300;
	[dreg:$0xb] =	wrdreg s5  }
0x18: {  	s8 =	simm.s32 $0x8;
	s7 =	sadd.s32 s11, s16;
	[dreg:$0x10] =	wrdreg s15  }
0x19: {  	s0 =	sadd.s32 s20, s11;
	s19 =	sadd.s32 s1, s11;
	[dreg:$0x7] =	wrdreg s7  }
0x1a: {  	s1 =	simm.s32 $0x2E00;
	s18 =	sadd.s32 $0x20, s7;
	[dreg:$0xc] =	wrdreg s0  }
0x1b: {  	s20 =	simm.s32 $0x400;
	s7 =	sadd.s32 $0x40, s7;
	[dreg:$0x8] =	wrdreg s18  }
.Ltmp0:
0x1c: {  	s0 =	sadd.s32 s22, s11;
	[dreg:$0x9] =	wrdreg s7;
	(pc) =	sbr.rel .LBB2_1-.Ltmp0, $4  }
0x1d: {  	s16 =	simm.s32 $0x0;
	s22 =	simm.s32 $0x200;
	[dreg:$0xd] =	wrdreg s0  }
0x1e: {  	s0 =	sshrl.u32 s24, $0x3;
	s18 =	sadd.s32 s26, s11;
	s24 =	simm.s32 $0x28  }
0x1f: {  	s26 =	simm.s32 $0x2;
	s7 =	simm.s32 $0x4;
	s0 =	sadd.s32 s0, s11  }
0x20: {  	s11 =	simm.s32 $0xA;
	[dreg:$0xf] =	wrdreg s0;
	s0 =	simm.s32 $0x3  }
.LBB2_4:
0x21: {  	_ =	swait.ge [sflag:s12], $0x1400  }
0x22: {  	[sflag:s12] =	ssyncset.done $0x0  }
0x23: {  	s5 =	simm.s32 $0x280;
	[sflag:s12] =	ssyncadd.s32 $0xFFFFEC00  }
0x24: {  	[spmem:s3] =	stream.indirect.scatter.add.f32 [tilespmem:s1], [sflag:$0xC], $0x80, s5, s24, $0xb8;
	[tilespmem:$0x18200] =	vst v63  }
0x25: {  	_ =	swait.ge [sflag:s9], $0x1400  }
0x26: {  	[sflag:s9] =	ssyncset.done $0x0  }
0x27: {  	[sflag:s9] =	ssyncadd.s32 $0xFFFFEC00  }
0x28: {  	_ =	swait.ge [sflag:s30], $0x1400  }
0x29: {  	[sflag:s30] =	ssyncset.done $0x0  }
0x2a: {  	s15 =	simm.s32 $0x380;
	[sflag:s30] =	ssyncadd.s32 $0xFFFFEC00  }
0x2b: {  	[spmem:s3] =	stream.indirect.scatter.add.f32 [tilespmem:s25], [sflag:$0xA], $0x80, s15, s24, $0xb8;
	[tilespmem:$0x18200] =	vst v63  }
0x2c: {  	_ =	swait.ge [sflag:s29], $0x1400  }
0x2d: {  	[sflag:s29] =	ssyncset.done $0x0  }
0x2e: {  	[sflag:s29] =	ssyncadd.s32 $0xFFFFEC00  }
0x2f: {  	_ =	swait.ge [sflag:s11], $0x1400  }
0x30: {  	[sflag:s11] =	ssyncset.done $0x0  }
0x31: {  	[sflag:s11] =	ssyncadd.s32 $0xFFFFEC00  }
0x32: {  	[bflag:$0x0] =	sbarrier.arrive $0xFFFF  }
0x33: {  	s16 =	rddreg [dreg:$0x5]  }
0x34: {  	s14 =	rddreg [dreg:$0xa]  }
0x35: {  	s15 =	rddreg [dreg:$0x10];
	s5 =	sor.u32 $0x1C0E, s16  }
0x36: {  	[hbm:s14], [sflag:s5] =	dma.local [spmem:s15], $0x2800  }
0x37: {  	s14 =	simm.s32 $0xE  }
0x38: {  	_ =	swait.ge [sflag:s14], $0x2800  }
0x39: {  	s16 =	rddreg [dreg:$0x11]  }
0x3a: {  	s5 =	rddreg [dreg:$0xb];
	s16 =	sadd.s32 $0x1, s16  }
0x3b: {  	p0 =	sne.s32 s16, s5  }
.Ltmp1:
0x3c: {  	_ = 	snop;
	(pc) =	sbr.rel @!p0 .LBB2_5-.Ltmp1, $3  }
0x3d: {  	_ =	sdelay $0x1  }
0x3e: {  	[sflag:s14] =	ssyncset.done $0x0  }
0x3f: {  	[sflag:s14] =	ssyncadd.s32 $0xFFFFD800  }
.LBB2_1:
0x40: {  	[dreg:$0x11] =	wrdreg s16  }
0x41: {  	s5 =	rddreg [dreg:$0x4]  }
0x42: {  	s14 =	rddreg [dreg:$0x6]  }
0x43: {  	[spmem:s15], [sflag:s14] =	dma.local [hbm:s5], $0x2800  }
0x44: {  	s5 =	rddreg [dreg:$0x7]  }
0x45: {  	[tilespmem:s4], [sflag:$0x1] =	stream.linear.gather [hbm4b:s5+s4], $0x100, $0x38;
	[tilespmem:$0x18200] =	vst v63  }
0x46: {  	s14 =	rddreg [dreg:$0x8]  }
0x47: {  	[tilespmem:s21], [sflag:$0x2] =	stream.linear.gather [hbm4b:s14+s4], $0x100, $0x38;
	[tilespmem:$0x18200] =	vst v63  }
0x48: {  	s15 =	rddreg [dreg:$0x9]  }
0x49: {  	[tilespmem:s22], [sflag:$0x3] =	stream.linear.gather [hbm4b:s15+s4], $0x100, $0x38;
	[tilespmem:$0x18200] =	vst v63  }
0x4a: {  	_ =	swait.ge [sflag:s23], $0x100  }
0x4b: {  	[sflag:s23] =	ssyncset.done $0x0  }
0x4c: {  	[sflag:s23] =	ssyncadd.s32 $0xFFFFFF00  }
0x4d: {  	[tilespmem:s25], [sflag:$0x7] =	stream.indirect.gather [hbm4b:s2+s24], $0x80, s4, s24, $0xb8;
	[tilespmem:$0x18200] =	vst v63  }
0x4e: {  	_ =	swait.ge [sflag:s26], $0x100  }
0x4f: {  	[sflag:s26] =	ssyncset.done $0x0  }
0x50: {  	s16 =	simm.s32 $0xD;
	[sflag:s26] =	ssyncadd.s32 $0xFFFFFF00  }
0x51: {  	[tilespmem:s28], [sflag:$0x8] =	stream.indirect.gather [hbm4b:s2+s24], $0x80, s21, s24, $0xb8;
	[tilespmem:$0x18200] =	vst v63  }
0x52: {  	_ =	swait.ge [sflag:s16], $0x2800  }
0x53: {  	[sflag:s16] =	ssyncset.done $0x0  }
0x54: {  	[sflag:s16] =	ssyncadd.s32 $0xFFFFD800  }
0x55: {  	[bflag:$0x0] =	sbarrier.arrive $0xFFFF  }
0x56: {  	s14 =	simm.s32 $0x0;
	s16 =	simm.s32 $0xFFFFFFFE;
	s5 =	rddreg [dreg:$0xe]  }
.LBB2_2:
0x57: {  	_ =	swait.ge [sflag:s30], $0x1400  }
0x58: {  	[sflag:s30] =	ssyncset.done $0x0  }
0x59: {  	s15 =	simm.s32 $0x80;
	p0 =	sgt.u32 s16, $0xF9;
	[sflag:s30] =	ssyncadd.s32 $0xFFFFEC00  }
0x5a: {  	[spmem:s3] =	stream.indirect.scatter.add.f32 [tilespmem:s25], [sflag:$0xA], $0x80, s15, s24, $0xb8;
	[tilespmem:$0x18200] =	vst v63  }
0x5b: {  	s15 =	simm.s32 @!p0 $0xC  }
0x5c: {  	_ =	swait.ge @!p0 [sflag:s15], $0x1400  }
0x5d: {  	[sflag:s15] =	ssyncset.done @!p0 $0x0  }
0x5e: {  	[sflag:s15] =	ssyncadd.s32 @!p0 $0xFFFFEC00  }
0x5f: {  	_ =	swait.ge [sflag:s0], $0x100  }
0x60: {  	[sflag:s0] =	ssyncset.done $0x0  }
0x61: {  	[sflag:s0] =	ssyncadd.s32 $0xFFFFFF00  }
0x62: {  	[tilespmem:s1], [sflag:$0x9] =	stream.indirect.gather [hbm4b:s2+s24], $0x80, s22, s24, $0xb8;
	[tilespmem:$0x18200] =	vst v63  }
0x63: {  	s15 =	sadd.s32 s14, s19  }
0x64: {  	[tilespmem:s6], [sflag:$0x4] =	stream.linear.gather [hbm4b:s15+s4], $0x100, $0x38;
	[tilespmem:$0x18200] =	vst v63  }
0x65: {  	_ =	swait.ge [sflag:s8], $0x1400  }
0x66: {  	[sflag:s8] =	ssyncset.done $0x0  }
0x67: {  	s15 =	simm.s32 $0x180;
	[sflag:s8] =	ssyncadd.s32 $0xFFFFEC00  }
0x68: {  	[spmem:s3] =	stream.indirect.scatter.add.f32 [tilespmem:s28], [sflag:$0xB], $0x80, s15, s24, $0xb8;
	[tilespmem:$0x18200] =	vst v63  }
0x69: {  	_ =	swait.ge [sflag:s11], $0x1400  }
0x6a: {  	p0 =	seq.s32 s14, $0x1EC0;
	[sflag:s11] =	ssyncset.done $0x0  }
.Ltmp2:
0x6b: {  	[sflag:s11] =	ssyncadd.s32 $0xFFFFEC00;
	(pc) =	sbr.rel @p0 .LBB2_4-.Ltmp2, $4  }
0x6c: {  	_ =	swait.ge [sflag:s7], $0x100  }
0x6d: {  	[sflag:s7] =	ssyncset.done $0x0  }
0x6e: {  	[sflag:s7] =	ssyncadd.s32 $0xFFFFFF00  }
0x6f: {  	[tilespmem:s25], [sflag:$0x7] =	stream.indirect.gather [hbm4b:s2+s24], $0x80, s6, s24, $0xb8;
	[tilespmem:$0x18200] =	vst v63  }
0x70: {  	s15 =	sadd.s32 s14, s18  }
0x71: {  	[tilespmem:s20], [sflag:$0x5] =	stream.linear.gather [hbm4b:s15+s4], $0x100, $0x38;
	[tilespmem:$0x18200] =	vst v63  }
0x72: {  	_ =	swait.ge [sflag:s12], $0x1400  }
0x73: {  	[sflag:s12] =	ssyncset.done $0x0  }
0x74: {  	s15 =	simm.s32 $0x280;
	[sflag:s12] =	ssyncadd.s32 $0xFFFFEC00  }
0x75: {  	[spmem:s3] =	stream.indirect.scatter.add.f32 [tilespmem:s1], [sflag:$0xC], $0x80, s15, s24, $0xb8;
	[tilespmem:$0x18200] =	vst v63  }
0x76: {  	_ =	swait.ge [sflag:s9], $0x1400  }
0x77: {  	[sflag:s9] =	ssyncset.done $0x0  }
0x78: {  	[sflag:s9] =	ssyncadd.s32 $0xFFFFEC00  }
0x79: {  	_ =	swait.ge [sflag:s31], $0x100  }
0x7a: {  	[sflag:s31] =	ssyncset.done $0x0  }
0x7b: {  	s15 =	rddreg [dreg:$0xf];
	[sflag:s31] =	ssyncadd.s32 $0xFFFFFF00  }
0x7c: {  	[tilespmem:s28], [sflag:$0x8] =	stream.indirect.gather [hbm4b:s2+s24], $0x80, s20, s24, $0xb8;
	[tilespmem:$0x18200] =	vst v63  }
0x7d: {  	s15 =	sadd.s32 s14, s15  }
0x7e: {  	[tilespmem:s10], [sflag:$0x6] =	stream.linear.gather [hbm4b:s15+s4], $0x100, $0x38;
	[tilespmem:$0x18200] =	vst v63  }
0x7f: {  	_ =	swait.ge [sflag:s30], $0x1400  }
0x80: {  	[sflag:s30] =	ssyncset.done $0x0  }
0x81: {  	s15 =	simm.s32 $0x380;
	[sflag:s30] =	ssyncadd.s32 $0xFFFFEC00  }
0x82: {  	[spmem:s3] =	stream.indirect.scatter.add.f32 [tilespmem:s25], [sflag:$0xA], $0x80, s15, s24, $0xb8;
	[tilespmem:$0x18200] =	vst v63  }
0x83: {  	_ =	swait.ge [sflag:s29], $0x1400  }
0x84: {  	[sflag:s29] =	ssyncset.done $0x0  }
0x85: {  	[sflag:s29] =	ssyncadd.s32 $0xFFFFEC00  }
0x86: {  	_ =	swait.ge [sflag:s13], $0x100  }
0x87: {  	[sflag:s13] =	ssyncset.done $0x0  }
0x88: {  	s15 =	sshrl.u32 s5, $0x3;
	[sflag:s13] =	ssyncadd.s32 $0xFFFFFF00  }
0x89: {  	[tilespmem:s1], [sflag:$0x9] =	stream.indirect.gather [hbm4b:s2+s24], $0x80, s10, s24, $0xb8;
	[tilespmem:$0x18200] =	vst v63  }
0x8a: {  	s15 =	sadd.s32 s17, s15  }
0x8b: {  	[tilespmem:s4], [sflag:$0x1] =	stream.linear.gather [hbm4b:s15+s4], $0x100, $0x38;
	[tilespmem:$0x18200] =	vst v63  }
0x8c: {  	_ =	swait.ge [sflag:s8], $0x1400  }
0x8d: {  	[sflag:s8] =	ssyncset.done $0x0  }
0x8e: {  	s15 =	simm.s32 $0x480;
	[sflag:s8] =	ssyncadd.s32 $0xFFFFEC00  }
0x8f: {  	[spmem:s3] =	stream.indirect.scatter.add.f32 [tilespmem:s28], [sflag:$0xB], $0x80, s15, s24, $0xb8;
	[tilespmem:$0x18200] =	vst v63  }
0x90: {  	_ =	swait.ge [sflag:s11], $0x1400  }
0x91: {  	[sflag:s11] =	ssyncset.done $0x0  }
0x92: {  	[sflag:s11] =	ssyncadd.s32 $0xFFFFEC00  }
0x93: {  	_ =	swait.ge [sflag:s23], $0x100  }
0x94: {  	[sflag:s23] =	ssyncset.done $0x0  }
0x95: {  	s15 =	rddreg [dreg:$0xd];
	[sflag:s23] =	ssyncadd.s32 $0xFFFFFF00  }
0x96: {  	[tilespmem:s25], [sflag:$0x7] =	stream.indirect.gather [hbm4b:s2+s24], $0x80, s4, s24, $0xb8;
	[tilespmem:$0x18200] =	vst v63  }
0x97: {  	s15 =	sadd.s32 s14, s15  }
0x98: {  	[tilespmem:s21], [sflag:$0x2] =	stream.linear.gather [hbm4b:s15+s4], $0x100, $0x38;
	[tilespmem:$0x18200] =	vst v63  }
0x99: {  	_ =	swait.ge [sflag:s12], $0x1400  }
0x9a: {  	[sflag:s12] =	ssyncset.done $0x0  }
0x9b: {  	s15 =	simm.s32 $0x580;
	[sflag:s12] =	ssyncadd.s32 $0xFFFFEC00  }
0x9c: {  	[spmem:s3] =	stream.indirect.scatter.add.f32 [tilespmem:s1], [sflag:$0xC], $0x80, s15, s24, $0xb8;
	[tilespmem:$0x18200] =	vst v63  }
0x9d: {  	_ =	swait.ge [sflag:s9], $0x1400  }
0x9e: {  	[sflag:s9] =	ssyncset.done $0x0  }
0x9f: {  	[sflag:s9] =	ssyncadd.s32 $0xFFFFEC00  }
0xa0: {  	_ =	swait.ge [sflag:s26], $0x100  }
.Ltmp3:
0xa1: {  	[sflag:s26] =	ssyncset.done $0x0;
	(pc) =	sbr.rel .LBB2_2-.Ltmp3, $4  }
0xa2: {  	s16 =	sadd.s32 $0x6, s16;
	s15 =	rddreg [dreg:$0xc];
	[sflag:s26] =	ssyncadd.s32 $0xFFFFFF00  }
0xa3: {  	[tilespmem:s28], [sflag:$0x8] =	stream.indirect.gather [hbm4b:s2+s24], $0x80, s21, s24, $0xb8;
	[tilespmem:$0x18200] =	vst v63  }
0xa4: {  	s5 =	sadd.s32 $0x600, s5;
	s15 =	sadd.s32 s14, s15;
	s14 =	sadd.s32 $0xC0, s14  }
0xa5: {  	[tilespmem:s22], [sflag:$0x3] =	stream.linear.gather [hbm4b:s15+s4], $0x100, $0x38;
	[tilespmem:$0x18200] =	vst v63  }
.LBB2_5:
0xa6: {  	_ =	sfence.sel $0x180000  }
0xa7: {  	[bflag:$0x0] =	sbarrier.arrive $0xFFFF  }
0xa8: {  	_ =	strace $0x9000004A  }
0xa9: {  	s0 =	stileid.u32;
	[bflag:$0x2] =	sbarrier.arrive $0xFFFF  }
0xaa: {  	p0 =	sne.s32 s0, $0x0;
	s0 =	rddreg [dreg:$0x3]  }
0xab: {  	s0 =	sadd.s32 @!p0 $0x100000, s0  }
0xac: {  	[sflag:s0] =	ssyncadd.tile.s32 @!p0 $0x1;
	_ =	shalt  }
.Lfunc_end2:
_tile_overlayer_lowered:
.L_overlay_start_2:
0xad: {  	(tag) =	ssettag $0x2  }
0xae: {  	s0 =	rddreg [dreg:$0x0];
	s2 =	stileid.u32  }
0xaf: {  	s1 =	rddreg [dreg:$0x1];
	p0 =	sne.s32 s2, $0x0  }
0xb0: {  	s3 =	rddreg [dreg:$0x2];
	[bflag:$0x3] =	sbarrier.arrive $0xFFFF;
	s2 =	simm.s32 @!p0 $0x1C0E  }
0xb1: {  	[timem:s3], [sflag:s2] =	dma.local @!p0 [hbm:s0], s1  }
0xb2: {  	s0 =	simm.s32 @!p0 $0xE  }
0xb3: {  	_ =	swait.ge @!p0 [sflag:s0], s1  }
0xb4: {  	s1 =	ssub.s32 @!p0 $0x0, s1;
	[sflag:s0] =	ssyncset.done @!p0 $0x0  }
0xb5: {  	[sflag:s0] =	ssyncadd.s32 @!p0 s1  }
0xb6: {  	[bflag:$0x3] =	sbarrier.arrive $0xFFFF  }
0xb7: {  	_ =	shalt  }

// kernel: kernel.7.cloned.1.call-start
scs
__scs_entry_jumppad:
0x0: {  	(pc) =	sbr.rel $0x88, $3  }
0x1: {  	(tag) =	ssettag $0x0;
	lr =	simm.s32 $0x1  }
0x2: {  	[smem:$0x3F94] =	sst lr;
	_ =	strace $0xD0000000  }
0x3: {  	_ = 	snop  }
0x4: {  	_ = 	snop  }
0x5: {  	_ = 	snop  }
0x6: {  	_ = 	snop  }
0x7: {  	_ = 	snop  }
__scs_overlays_trampoline_lowered:
0x8: {  	[smem:$0x3FA3] =	sst s0  }
0x9: {  	[smem:$0x3FA4] =	sst s1  }
0xa: {  	[smem:$0x3FA5] =	sst s2  }
0xb: {  	[smem:$0x3FA6] =	sst s3  }
0xc: {  	[smem:$0x3FA7] =	sst s4  }
0xd: {  	[smem:$0x3FA8] =	sst s5  }
0xe: {  	[smem:$0x3FA9] =	sst s6  }
0xf: {  	[smem:$0x3FAA] =	sst s7  }
0x10: {  	[smem:$0x3FAB] =	sst s8  }
0x11: {  	[smem:$0x3FAC] =	sst s9;
	s0 =	simm.s32 @!p0 $0x0  }
0x12: {  	s1 =	sld [smem:$0x3F92];
	s0 =	simm.s32 @p0 $0x1  }
0x13: {  	[smem:$0x3FAD] =	sst s0;
	s0 =	simm.s32 @!p1 $0x0  }
0x14: {  	s2 =	sld [smem:$0x3F91];
	s0 =	simm.s32 @p1 $0x1  }
0x15: {  	[smem:$0x3FAE] =	sst s0;
	s0 =	simm.s32 @!p2 $0x0  }
0x16: {  	s3 =	sld [smem:$0x3FDB];
	s0 =	simm.s32 @p2 $0x1  }
0x17: {  	s4 =	simm.s32 $0x1BF5;
	[smem:$0x3FB0] =	sst s0  }
0x18: {  	s0 =	sld [smem:$0x3F93];
	_ =	swait.ge [sflag:s4], $0x0  }
0x19: {  	s7 =	sld [smem:$0x3F94]  }
0x1a: {  	s8 =	sadd.s32 $0xFFFFE003, lr  }
0x1b: {  	s9 =	sadd.s32 $0xFFFFFEF7, lr;
	s5 =	simm.s32 $0xFFFFFFFF;
	p2 =	slt.u32 s8, $0xFFFFF086  }
0x1c: {  	p1 =	slt.u32 s9, $0xF7A;
	s5 =	simm.s32 @!p2 $0x0  }
0x1d: {  	s5 =	simm.s32 @p1 $0x1;
	p0 =	seq.s32 s7, s2  }
0x1e: {  	s7 =	smul.u32 @!p0 $0xF7A, s2;
	p2 =	seq.s32 @!p0 s5, $0x0  }
0x1f: {  	s9 =	smul.u32 $0xF7A, s1;
	s8 =	simm.s32 @!p0 $0x1BF5;
	p2 =	por !p2, p0  }
0x20: {  	[sflag:s8] =	ssyncset.s32 @!p0 $0xFFFFF086;
	s6 =	sadd.s32 @!p0 s3, s7;
	s7 =	simm.s32 @!p0 $0x108  }
0x21: {  	s3 =	sadd.s32 s3, s9;
	s6 =	sadd.s32 @!p0 $0x88, s6;
	s7 =	simm.s32 @p2 $0x1082  }
0x22: {  	[simem:s7], [sflag:s8] =	dma.local @!p0 [hbm:s6], $0xF7A  }
0x23: {  	s9 =	sor.u32 $0xD0000000, s2;
	s6 =	simm.s32 $0x108;
	_ =	swait.ge @!p0 [sflag:s8], $0x0  }
0x24: {  	s3 =	sadd.s32 $0x88, s3;
	s6 =	simm.s32 @!p1 $0x1082;
	[sflag:s4] =	ssyncset.s32 $0xFFFFF086  }
0x25: {  	[simem:s6], [sflag:s4] =	dma.local [hbm:s3], $0xF7A  }
0x26: {  	[smem:$0x3F94] =	sst s1;
	(tag) =	ssettag s2;
	_ =	strace s9  }
0x27: {  	s1 =	sld [smem:$0x3FA4]  }
0x28: {  	s2 =	sld [smem:$0x3FA5]  }
0x29: {  	s4 =	sld [smem:$0x3FA7]  }
0x2a: {  	p0 =	seq.s32 s5, $0x0;
	s5 =	sld [smem:$0x3FA8]  }
0x2b: {  	s6 =	sld [smem:$0x3FA9]  }
0x2c: {  	s7 =	sld [smem:$0x3FAA]  }
0x2d: {  	s3 =	simm.s32 $0x108;
	s8 =	sld [smem:$0x3FAB]  }
0x2e: {  	s3 =	simm.s32 @!p0 $0x1082;
	s9 =	sld [smem:$0x3FAC]  }
0x2f: {  	lr =	sadd.s32 s0, s3;
	s0 =	sld [smem:$0x3FA3]  }
0x30: {  	s3 =	sld [smem:$0x3FA6]  }
0x31: {  	[smem:$0x3FAF] =	sst s10  }
0x32: {  	s10 =	sld [smem:$0x3FAD];
	_ =	sdelay $0x3  }
0x33: {  	p0 =	seq.s32 s10, $0x1;
	s10 =	sld [smem:$0x3FAF];
	_ =	sdelay $0x3  }
0x34: {  	[smem:$0x3FAF] =	sst s10  }
0x35: {  	s10 =	sld [smem:$0x3FAE];
	_ =	sdelay $0x3  }
0x36: {  	p1 =	seq.s32 s10, $0x1;
	s10 =	sld [smem:$0x3FAF];
	_ =	sdelay $0x3  }
0x37: {  	[smem:$0x3FAF] =	sst s10  }
0x38: {  	s10 =	sld [smem:$0x3FB0]  }
0x39: {  	_ = 	snop;
	(pc) =	sbr.ind lr, $3  }
0x3a: {  	_ = 	snop  }
0x3b: {  	_ = 	snop  }
0x3c: {  	p2 =	seq.s32 s10, $0x1;
	s10 =	sld [smem:$0x3FAF]  }
0x3d: {  	_ =	shalt  }
0x3e: {  	_ =	shalt  }
0x3f: {  	_ =	shalt  }
0x40: {  	_ =	shalt  }
0x41: {  	_ =	shalt  }
0x42: {  	_ =	shalt  }
0x43: {  	_ =	shalt  }
0x44: {  	_ =	shalt  }
0x45: {  	_ =	shalt  }
0x46: {  	_ =	shalt  }
0x47: {  	_ =	shalt  }
0x48: {  	_ =	shalt  }
0x49: {  	_ =	shalt  }
0x4a: {  	_ =	shalt  }
0x4b: {  	_ =	shalt  }
0x4c: {  	_ =	shalt  }
0x4d: {  	_ =	shalt  }
0x4e: {  	_ =	shalt  }
0x4f: {  	_ =	shalt  }
0x50: {  	_ =	shalt  }
0x51: {  	_ =	shalt  }
0x52: {  	_ =	shalt  }
0x53: {  	_ =	shalt  }
0x54: {  	_ =	shalt  }
0x55: {  	_ =	shalt  }
0x56: {  	_ =	shalt  }
0x57: {  	_ =	shalt  }
0x58: {  	_ =	shalt  }
0x59: {  	_ =	shalt  }
0x5a: {  	_ =	shalt  }
0x5b: {  	_ =	shalt  }
0x5c: {  	_ =	shalt  }
0x5d: {  	_ =	shalt  }
0x5e: {  	_ =	shalt  }
0x5f: {  	_ =	shalt  }
0x60: {  	_ =	shalt  }
0x61: {  	_ =	shalt  }
0x62: {  	_ =	shalt  }
0x63: {  	_ =	shalt  }
0x64: {  	_ =	shalt  }
0x65: {  	_ =	shalt  }
0x66: {  	_ =	shalt  }
0x67: {  	_ =	shalt  }
0x68: {  	_ =	shalt  }
0x69: {  	_ =	shalt  }
0x6a: {  	_ =	shalt  }
0x6b: {  	_ =	shalt  }
0x6c: {  	_ =	shalt  }
0x6d: {  	_ =	shalt  }
0x6e: {  	_ =	shalt  }
0x6f: {  	_ =	shalt  }
0x70: {  	_ =	shalt  }
0x71: {  	_ =	shalt  }
0x72: {  	_ =	shalt  }
0x73: {  	_ =	shalt  }
0x74: {  	_ =	shalt  }
0x75: {  	_ =	shalt  }
0x76: {  	_ =	shalt  }
0x77: {  	_ =	shalt  }
0x78: {  	_ =	shalt  }
0x79: {  	_ =	shalt  }
0x7a: {  	_ =	shalt  }
0x7b: {  	_ =	shalt  }
0x7c: {  	_ =	shalt  }
0x7d: {  	_ =	shalt  }
0x7e: {  	_ =	shalt  }
0x7f: {  	_ =	shalt  }
0x80: {  	_ =	shalt  }
0x81: {  	_ =	shalt  }
0x82: {  	_ =	shalt  }
0x83: {  	_ =	shalt  }
0x84: {  	_ =	shalt  }
0x85: {  	_ =	shalt  }
0x86: {  	_ =	shalt  }
0x87: {  	_ =	shalt  }
.Lfunc_end0:
.L_simem_size_0:
called_computation_lowered:
.L_overlay_start_0:
0x88: {  	s2 =	sld [smem:$0x3FD9]  }
0x89: {  	s3 =	sld [smem:$0x3FFE];
	_ =	sdelay $0x1  }
0x8a: {  	s1 =	srdreg.scid  }
0x8b: {  	s0 =	sand.u32 $0x1, s1  }
0x8c: {  	s17 =	sshll.u32 s0, $0xA;
	s2 =	sadd.s32 s3, s2  }
0x8d: {  	s2 =	sadd.s32 s2, s17  }
0x8e: {  	[smem:$0x3FBB] =	sst s2  }
0x8f: {  	_ = 	snop  }
0x90: {  	s2 =	sld [smem:$0x3FD0];
	(tm) =	ssettm $0x1  }
0x91: {  	s18 =	sld [smem:$0x3FFB];
	_ =	sdelay $0x3  }
0x92: {  	_ =	strace s18  }
0x93: {  	s3 =	sld [smem:$0x3FFC];
	_ =	sdelay $0x3  }
0x94: {  	_ =	strace s3  }
0x95: {  	s3 =	sld [smem:$0x3FFD];
	_ =	sdelay $0x3  }
0x96: {  	_ =	strace s3  }
0x97: {  	_ =	strace $0x8FFFFFFF  }
0x98: {  	s19 =	sld [smem:$0x3FDB];
	_ =	sdelay $0x1  }
0x99: {  	s4 =	simm.s32 $_scs_section_size  }
0x9a: {  	s5 =	simm.s32 $_size__tile_overlayer_lowered;
	s6 =	simm.s32 $_tile_overlayer_lowered  }
0x9b: {  	s22 =	simm.s32 $0x1BFF;
	s21 =	sshll.u32 s6, $0x1;
	s3 =	sadd.s32 s4, s19  }
0x9c: {  	s7 =	simm.s32 $0x0;
	s20 =	sshll.u32 s5, $0x1;
	s5 =	sadd.s32 s21, s3  }
0x9d: {  	[timem:s7], [sflag:s22] =	dma.local [hbm:s5], s20  }
0x9e: {  	_ =	swait.ge [sflag:s22], s20  }
0x9f: {  	s4 =	ssub.s32 $0x0, s20;
	[sflag:s22] =	ssyncset.done $0x0  }
0xa0: {  	[sflag:s22] =	ssyncadd.s32 s4;
	_ =	sdelay $0x1  }
0xa1: {  	s23 =	simm.s32 $0x1B8B  }
0xa2: {  	_ =	swait.ge [sflag:s23], $0x1  }
0xa3: {  	[sflag:s23] =	ssyncset.done $0x0  }
0xa4: {  	s25 =	simm.s32 $0x1B8E;
	s24 =	sld [smem:$0x3FFE];
	[sflag:s23] =	ssyncadd.s32 $0xFFFFFFFF  }
0xa5: {  	s26 =	simm.s32 $execute0_lowered;
	[smem:$0x3FD2] =	sst s25  }
0xa6: {  	s5 =	sshll.u32 s26, $0x1;
	_ =	strace $0x80000046;
	[dreg:$0x1] =	wrdreg $0xFFFFFFFF  }
0xa7: {  	s28 =	simm.s32 $_size_execute0_lowered;
	s3 =	sadd.s32 s3, s5;
	[dreg:$0x0] =	wrdreg $0x0  }
0xa8: {  	s5 =	sshll.u32 s28, $0x1;
	[dreg:$0x2] =	wrdreg s3  }
0xa9: {  	[dreg:$0x3] =	wrdreg s5  }
0xaa: {  	[dreg:$0x4] =	wrdreg $0xC0  }
0xab: {  	_ =	task [dreg:s7], $0x5FFFF  }
0xac: {  	[dreg:$0x1] =	wrdreg $0xFFFFFFFF  }
0xad: {  	[dreg:$0x0] =	wrdreg $0x60  }
0xae: {  	[dreg:$0x2] =	wrdreg s24  }
0xaf: {  	[dreg:$0x3] =	wrdreg s2  }
0xb0: {  	[dreg:$0x4] =	wrdreg $0x6A000  }
0xb1: {  	[dreg:$0x5] =	wrdreg $0x9  }
0xb2: {  	_ =	task.clear_ibuf [dreg:s7], $0x6FFFF;
	_ =	strace $0x90000046  }
0xb3: {  	s29 =	simm.s32 $0x9;
	_ =	strace $0x80000048  }
0xb4: {  	_ =	swait.ge [sflag:s29], $0x1  }
0xb5: {  	[sflag:s29] =	ssyncadd.s32 $0xFFFFFFFF  }
0xb6: {  	_ =	strace $0x90000048  }
0xb7: {  	_ =	sfence  }
0xb8: {  	s30 =	sld [smem:$0x0];
	_ =	sdelay $0x2  }
0xb9: {  	s31 =	sshll.u32 s1, $0xD;
	s1 =	sshrl.u32 s1, $0x2  }
0xba: {  	s3 =	sand.u32 $0x4000, s31;
	s1 =	sadd.s32 s1, s30  }
0xbb: {  	s0 =	sor.u32 s3, s0;
	s1 =	sshll.u32 s1, $0x11  }
0xbc: {  	s0 =	sor.u32 s1, s0  }
0xbd: {  	s0 =	sadd.s32 $0x8F2B, s0  }
0xbe: {  	[sflag:s0] =	ssyncadd.remote.s32 $0x1  }
0xbf: {  	_ =	sfence.sel $0xFFFF  }
0xc0: {  	[dreg:$0x0] =	wrdreg $0xFFFFFFFF;
	(pc) =	sbr.abs _section_cstart, $3  }
0xc1: {  	[dreg:$0x1] =	wrdreg $0xFFFFFFFF  }
0xc2: {  	_ =	task.clear_ibuf [dreg:s7], $0x2FFFF;
	_ =	strace $0x9FFFFFFF  }
0xc3: {  	(tm) =	ssettm $0x7FFFFFFF  }
tec
execute0_lowered:
.L_overlay_start_1:
0x0: {  	(tag) =	ssettag $0x1  }
0x1: {  	s0 =	rddreg [dreg:$0x0]  }
0x2: {  	s1 =	rddreg [dreg:$0x1]  }
0x3: {  	s2 =	rddreg [dreg:$0x2];
	s3 =	srdreg.scid  }
0x4: {  	s4 =	simm.s32 $0x0;
	s12 =	stileid.u32;
	s28 =	simm.s32 $0x600  }
0x5: {  	s29 =	simm.s32 $0x2;
	s30 =	simm.s32 $0x1A00;
	s31 =	simm.s32 $0x4200  }
0x6: {  	s3 =	sand.u32 $0x1, s3;
	[smem:$0x7FF] =	sst s4;
	s6 =	smul.u32 $0x2800, s12  }
0x7: {  	s10 =	sshll.u32 s12, $0x7;
	s26 =	sadd.s32 $0x69600, s0;
	s13 =	smul.u32 $0x50000, s12  }
0x8: {  	s16 =	smul.u32 $0xFA00, s12;
	s17 =	sshll.u32 s12, $0x6;
	s5 =	sshll.u32 s3, $0x4  }
0x9: {  	_ =	strace $0x80000047;
	s8 =	smul.u32 $0x28000, s3;
	s25 =	sand.u32 $0x380, s10  }
0xa: {  	[dreg:$0x5] =	wrdreg s26;
	s10 =	ssub.s32 $0x2, s3;
	s3 =	smul.u32 $0xFA000, s3  }
0xb: {  	[dreg:$0x7] =	wrdreg s17;
	s7 =	sor.u32 s12, s5;
	s5 =	sadd.s32 $0x2E00, s0  }
0xc: {  	s11 =	sadd.s32 s6, s0;
	s14 =	sshrl.u32 s10, $0x1;
	s15 =	sshrl.u32 s13, $0x2  }
0xd: {  	s12 =	simm.s32 $0x300;
	s13 =	simm.s32 $0x8;
	s9 =	sshrl.u32 s7, $0x3  }
0xe: {  	s6 =	sadd.s32 s6, s8;
	s7 =	smul.u32 $0xFA00, s7;
	s11 =	sadd.s32 $0x41600, s11  }
0xf: {  	s3 =	sadd.s32 s16, s3;
	[dreg:$0x4] =	wrdreg s5;
	s9 =	smul.u32 $0x14000, s9  }
0x10: {  	s6 =	sadd.s32 s6, s0;
	[dreg:$0x6] =	wrdreg s11;
	s11 =	sor.u32 $0x1C0D, s17  }
0x11: {  	s19 =	sadd.s32 $0x800, s3;
	s20 =	sadd.s32 $0x700, s3;
	s23 =	sadd.s32 $0x600, s3  }
0x12: {  	s24 =	sadd.s32 $0x500, s3;
	s17 =	simm.s32 $0xE;
	s7 =	sshrl.u32 s7, $0x3  }
0x13: {  	[dreg:$0x9] =	wrdreg s11;
	s6 =	sadd.s32 $0x73C00, s6;
	s22 =	sshrl.u32 s20, $0x3  }
0x14: {  	[dreg:$0x11] =	wrdreg s23;
	s23 =	simm.s32 $0x100;
	s11 =	simm.s32 $0x2E00  }
0x15: {  	s8 =	sor.u32 s25, s9;
	s9 =	sadd.s32 s15, s2;
	s7 =	sadd.s32 s5, s7  }
0x16: {  	[dreg:$0xd] =	wrdreg s6;
	s25 =	sadd.s32 $0x400, s3;
	s3 =	sadd.s32 $0x300, s3  }
0x17: {  	s6 =	simm.s32 $0x7;
	s15 =	simm.s32 $0x4;
	s8 =	sshrl.u32 s8, $0x3  }
0x18: {  	s18 =	sadd.s32 $0x20, s7;
	[dreg:$0x8] =	wrdreg s7;
	s7 =	sadd.s32 $0x40, s7  }
0x19: {  	s26 =	sshrl.u32 s25, $0x3;
	s3 =	sshrl.u32 s3, $0x3;
	s16 =	sshrl.u32 s9, $0x3  }
0x1a: {  	s25 =	simm.s32 $0x1;
	s9 =	simm.s32 $0x9;
	[dreg:$0xa] =	wrdreg s18  }
0x1b: {  	s0 =	sadd.s32 s8, s0;
	s8 =	ssub.s32 s10, s14;
	[dreg:$0xb] =	wrdreg s7  }
0x1c: {  	s20 =	sadd.s32 s26, s5;
	s26 =	simm.s32 $0x28;
	s10 =	simm.s32 $0x3  }
0x1d: {  	s14 =	simm.s32 $0xA;
	[dreg:$0x13] =	wrdreg s16;
	s0 =	sadd.s32 $0x69C00, s0  }
0x1e: {  	s21 =	smax.u32 s8, $0x1;
	[dreg:$0xc] =	wrdreg s0;
	s0 =	sshrl.u32 s19, $0x3  }
.Ltmp0:
0x1f: {  	[dreg:$0xe] =	wrdreg s21;
	s0 =	sadd.s32 s0, s5;
	(pc) =	sbr.rel .LBB2_1-.Ltmp0, $4  }
0x20: {  	s7 =	simm.s32 $0x0;
	[dreg:$0xf] =	wrdreg s0;
	s0 =	sadd.s32 s22, s5  }
0x21: {  	s8 =	simm.s32 $0x6;
	[dreg:$0x10] =	wrdreg s0;
	s0 =	sshrl.u32 s24, $0x3  }
0x22: {  	s21 =	sadd.s32 s3, s5;
	s3 =	simm.s32 $0xB;
	s0 =	sadd.s32 s0, s5  }
0x23: {  	v0 =	vimm.f32 $1.000000000e+00;
	vm0 =	vcmask $0x3F20;
	s24 =	simm.s32 $0x200;
	[dreg:$0x12] =	wrdreg s0;
	s0 =	simm.s32 $0xC  }
.LBB2_4:
0x24: {  	_ =	swait.ge [sflag:s14], $0x1400  }
0x25: {  	s7 =	simm.s32 $0x80;
	s16 =	simm.s32 $0x400;
	[sflag:s14] =	ssyncset.done $0x0  }
0x26: {  	s17 =	simm.s32 $0xE;
	s5 =	rddreg [dreg:$0xc];
	[sflag:s14] =	ssyncadd.s32 $0xFFFFEC00  }
0x27: {  	[hbm4b:s5+s7] =	stream.strided.scatter [tilespmem:s31], [sflag:$0xE], $0x2800, s16, s7, $0x38;
	[tilespmem:$0x1AA00] =	vst v63  }
0x28: {  	_ =	swait.ge [sflag:s17], $0x2800  }
0x29: {  	[sflag:s17] =	ssyncset.done $0x0  }
0x2a: {  	[sflag:s17] =	ssyncadd.s32 $0xFFFFD800  }
0x2b: {  	[bflag:$0x0] =	sbarrier.arrive $0xFFFF  }
0x2c: {  	s16 =	rddreg [dreg:$0x7]  }
0x2d: {  	s18 =	rddreg [dreg:$0xd]  }
0x2e: {  	s5 =	sor.u32 $0x1C0E, s16;
	s16 =	rddreg [dreg:$0x13]  }
0x2f: {  	[hbm:s18], [sflag:s5] =	dma.local [spmem:s16], $0x2800  }
0x30: {  	_ =	swait.ge [sflag:s17], $0x2800  }
0x31: {  	s19 =	rddreg [dreg:$0x14]  }
0x32: {  	s22 =	rddreg [dreg:$0xe];
	s7 =	sadd.s32 $0x1, s19  }
0x33: {  	p0 =	sne.s32 s7, s22  }
.Ltmp1:
0x34: {  	_ = 	snop;
	(pc) =	sbr.rel @!p0 .LBB2_5-.Ltmp1, $3  }
0x35: {  	_ =	sdelay $0x1  }
0x36: {  	[sflag:s17] =	ssyncset.done $0x0  }
0x37: {  	[sflag:s17] =	ssyncadd.s32 $0xFFFFD800  }
.LBB2_1:
0x38: {  	[dreg:$0x14] =	wrdreg s7  }
0x39: {  	s5 =	rddreg [dreg:$0x6]  }
0x3a: {  	s22 =	rddreg [dreg:$0x9]  }
0x3b: {  	[spmem:s16], [sflag:s22] =	dma.local [hbm:s5], $0x2800  }
0x3c: {  	s5 =	rddreg [dreg:$0x8]  }
0x3d: {  	[tilespmem:s4], [sflag:$0x1] =	stream.linear.gather [hbm4b:s5+s4], $0x100, $0x38;
	[tilespmem:$0x1AA00] =	vst v63  }
0x3e: {  	s16 =	rddreg [dreg:$0xa]  }
0x3f: {  	[tilespmem:s23], [sflag:$0x2] =	stream.linear.gather [hbm4b:s16+s4], $0x100, $0x38;
	[tilespmem:$0x1AA00] =	vst v63  }
0x40: {  	s18 =	rddreg [dreg:$0xb]  }
0x41: {  	[tilespmem:s24], [sflag:$0x3] =	stream.linear.gather [hbm4b:s18+s4], $0x100, $0x38;
	[tilespmem:$0x1AA00] =	vst v63  }
0x42: {  	_ =	swait.ge [sflag:s25], $0x100  }
0x43: {  	[sflag:s25] =	ssyncset.done $0x0  }
0x44: {  	[sflag:s25] =	ssyncadd.s32 $0xFFFFFF00  }
0x45: {  	[tilespmem:s28], [sflag:$0x7] =	stream.indirect.gather [hbm4b:s1+s26], $0x80, s4, s26, $0xb8;
	[tilespmem:$0x1AA00] =	vst v63  }
0x46: {  	_ =	swait.ge [sflag:s29], $0x100  }
0x47: {  	[sflag:s29] =	ssyncset.done $0x0  }
0x48: {  	[sflag:s29] =	ssyncadd.s32 $0xFFFFFF00  }
0x49: {  	[tilespmem:s30], [sflag:$0x8] =	stream.indirect.gather [hbm4b:s1+s26], $0x80, s23, s26, $0xb8;
	[tilespmem:$0x1AA00] =	vst v63  }
0x4a: {  	s19 =	rddreg [dreg:$0x5]  }
0x4b: {  	[tilespmem:s31], [sflag:$0xE] =	stream.linear.gather [hbm4b:s19+s4], $0x2800, $0x38;
	[tilespmem:$0x1AA00] =	vst v63  }
0x4c: {  	_ =	swait.ge [sflag:s17], $0x2800  }
0x4d: {  	[sflag:s17] =	ssyncset.done $0x0  }
0x4e: {  	s22 =	simm.s32 $0xD;
	[sflag:s17] =	ssyncadd.s32 $0xFFFFD800  }
0x4f: {  	_ =	swait.ge [sflag:s22], $0x2800  }
0x50: {  	[sflag:s22] =	ssyncset.done $0x0  }
0x51: {  	[sflag:s22] =	ssyncadd.s32 $0xFFFFD800  }
0x52: {  	[bflag:$0x0] =	sbarrier.arrive $0xFFFF  }
0x53: {  	s18 =	simm.s32 $0x0;
	s22 =	simm.s32 $0xFFFFFFFE;
	s7 =	rddreg [dreg:$0x11]  }
.LBB2_2:
0x54: {  	_ =	swait.ge [sflag:s6], $0x1400  }
0x55: {  	[sflag:s6] =	ssyncset.done $0x0  }
0x56: {  	s5 =	simm.s32 $0x80;
	[sflag:s6] =	ssyncadd.s32 $0xFFFFEC00  }
0x57: {  	[spmem:s2] =	stream.indirect.scatter.add.f32 [tilespmem:s28], [sflag:$0xA], $0x80, s5, s26, $0xb8;
	[tilespmem:$0x1AA00] =	vst v63  }
0x58: {  	v1 =	vld [tilespmem:$0x80];
	_ =	sdelay $0x7  }
0x59: {  	[tilespmem:v1+s31+$0x0] =	vst.idx.add.f32.msk $0xffff, v0  }
0x5a: {  	v1 =	vld [tilespmem:$0x90];
	_ =	sdelay $0x7  }
0x5b: {  	[tilespmem:v1+s31+$0x0] =	vst.idx.add.f32.msk $0xffff, v0  }
0x5c: {  	v1 =	vld [tilespmem:$0x98];
	_ =	sdelay $0x6  }
0x5d: {  	p0 =	sgt.u32 s22, $0xF9  }
0x5e: {  	s5 =	simm.s32 @!p0 $0xC;
	[tilespmem:v1+s31+$0x0] =	vst.idx.add.f32.msk vm0, v0  }
0x5f: {  	_ =	swait.ge @!p0 [sflag:s5], $0x1400  }
0x60: {  	[sflag:s5] =	ssyncset.done @!p0 $0x0  }
0x61: {  	[sflag:s5] =	ssyncadd.s32 @!p0 $0xFFFFEC00  }
0x62: {  	_ =	swait.ge [sflag:s10], $0x100  }
0x63: {  	[sflag:s10] =	ssyncset.done $0x0  }
0x64: {  	[sflag:s10] =	ssyncadd.s32 $0xFFFFFF00  }
0x65: {  	[tilespmem:s11], [sflag:$0x9] =	stream.indirect.gather [hbm4b:s1+s26], $0x80, s24, s26, $0xb8;
	[tilespmem:$0x1AA00] =	vst v63  }
0x66: {  	s16 =	sadd.s32 s18, s21  }
0x67: {  	[tilespmem:s12], [sflag:$0x4] =	stream.linear.gather [hbm4b:s16+s4], $0x100, $0x38;
	[tilespmem:$0x1AA00] =	vst v63  }
0x68: {  	_ =	swait.ge [sflag:s13], $0x1400  }
0x69: {  	[sflag:s13] =	ssyncset.done $0x0  }
0x6a: {  	s17 =	simm.s32 $0x180;
	[sflag:s13] =	ssyncadd.s32 $0xFFFFEC00  }
0x6b: {  	[spmem:s2] =	stream.indirect.scatter.add.f32 [tilespmem:s30], [sflag:$0xB], $0x80, s17, s26, $0xb8;
	[tilespmem:$0x1AA00] =	vst v63  }
0x6c: {  	v1 =	vld [tilespmem:$0x180];
	_ =	sdelay $0x7  }
0x6d: {  	[tilespmem:v1+s31+$0x0] =	vst.idx.add.f32.msk $0xffff, v0  }
0x6e: {  	v1 =	vld [tilespmem:$0x190];
	_ =	sdelay $0x7  }
0x6f: {  	[tilespmem:v1+s31+$0x0] =	vst.idx.add.f32.msk $0xffff, v0  }
0x70: {  	v1 =	vld [tilespmem:$0x198];
	_ =	sdelay $0x7  }
0x71: {  	[tilespmem:v1+s31+$0x0] =	vst.idx.add.f32.msk vm0, v0  }
0x72: {  	_ =	swait.ge [sflag:s14], $0x1400  }
0x73: {  	[sflag:s14] =	ssyncset.done $0x0  }
0x74: {  	[sflag:s14] =	ssyncadd.s32 $0xFFFFEC00  }
0x75: {  	_ =	swait.ge [sflag:s15], $0x100  }
0x76: {  	[sflag:s15] =	ssyncset.done $0x0  }
0x77: {  	p0 =	seq.s32 s18, $0x1EC0;
	[sflag:s15] =	ssyncadd.s32 $0xFFFFFF00  }
0x78: {  	[tilespmem:s28], [sflag:$0x7] =	stream.indirect.gather [hbm4b:s1+s26], $0x80, s12, s26, $0xb8;
	[tilespmem:$0x1AA00] =	vst v63  }
0x79: {  	s5 =	sadd.s32 @!p0 s18, s20;
	s16 =	simm.s32 @!p0 $0x0;
	s17 =	simm.s32 @!p0 $0x400  }
0x7a: {  	[tilespmem:s17], [sflag:$0x5] =	stream.linear.gather @!p0 [hbm4b:s5+s16], $0x100, $0x38;
	[tilespmem:$0x1AA00] =	vst v63  }
0x7b: {  	_ =	swait.ge [sflag:s9], $0x1400  }
0x7c: {  	[sflag:s9] =	ssyncset.done $0x0  }
0x7d: {  	s19 =	simm.s32 $0x280;
	[sflag:s9] =	ssyncadd.s32 $0xFFFFEC00  }
0x7e: {  	[spmem:s2] =	stream.indirect.scatter.add.f32 [tilespmem:s11], [sflag:$0xC], $0x80, s19, s26, $0xb8;
	[tilespmem:$0x1AA00] =	vst v63  }
0x7f: {  	v1 =	vld [tilespmem:$0x280];
	_ =	sdelay $0x7  }
0x80: {  	[tilespmem:v1+s31+$0x0] =	vst.idx.add.f32.msk $0xffff, v0  }
0x81: {  	v1 =	vld [tilespmem:$0x290];
	_ =	sdelay $0x7  }
0x82: {  	[tilespmem:v1+s31+$0x0] =	vst.idx.add.f32.msk $0xffff, v0  }
0x83: {  	v1 =	vld [tilespmem:$0x298];
	_ =	sdelay $0x7  }
0x84: {  	[tilespmem:v1+s31+$0x0] =	vst.idx.add.f32.msk vm0, v0  }
0x85: {  	_ =	swait.ge [sflag:s3], $0x1400  }
0x86: {  	[sflag:s3] =	ssyncset.done $0x0  }
0x87: {  	s5 =	simm.s32 @!p0 $0x5;
	[sflag:s3] =	ssyncadd.s32 $0xFFFFEC00  }
0x88: {  	_ =	swait.ge @!p0 [sflag:s5], $0x100  }
0x89: {  	[sflag:s5] =	ssyncset.done @!p0 $0x0  }
0x8a: {  	s19 =	simm.s32 @!p0 $0x1A00;
	[sflag:s5] =	ssyncadd.s32 @!p0 $0xFFFFFF00;
	s5 =	simm.s32 @!p0 $0x28  }
0x8b: {  	[tilespmem:s19], [sflag:$0x8] =	stream.indirect.gather @!p0 [hbm4b:s1+s5], $0x80, s17, s5, $0xb8;
	[tilespmem:$0x1AA00] =	vst v63  }
0x8c: {  	s5 =	rddreg [dreg:$0x12]  }
0x8d: {  	s17 =	simm.s32 @!p0 $0x500;
	s5 =	sadd.s32 @!p0 s18, s5  }
0x8e: {  	[tilespmem:s17], [sflag:$0x6] =	stream.linear.gather @!p0 [hbm4b:s5+s16], $0x100, $0x38;
	[tilespmem:$0x1AA00] =	vst v63  }
0x8f: {  	_ =	swait.ge [sflag:s6], $0x1400  }
0x90: {  	[sflag:s6] =	ssyncset.done $0x0  }
0x91: {  	s19 =	simm.s32 $0x380;
	[sflag:s6] =	ssyncadd.s32 $0xFFFFEC00  }
0x92: {  	[spmem:s2] =	stream.indirect.scatter.add.f32 [tilespmem:s28], [sflag:$0xA], $0x80, s19, s26, $0xb8;
	[tilespmem:$0x1AA00] =	vst v63  }
0x93: {  	v1 =	vld [tilespmem:$0x380];
	_ =	sdelay $0x7  }
0x94: {  	[tilespmem:v1+s31+$0x0] =	vst.idx.add.f32.msk $0xffff, v0  }
0x95: {  	v1 =	vld [tilespmem:$0x390];
	_ =	sdelay $0x7  }
0x96: {  	[tilespmem:v1+s31+$0x0] =	vst.idx.add.f32.msk $0xffff, v0  }
0x97: {  	v1 =	vld [tilespmem:$0x398];
	_ =	sdelay $0x6  }
.Ltmp2:
0x98: {  	_ = 	snop;
	(pc) =	sbr.rel @p0 .LBB2_4-.Ltmp2, $4  }
0x99: {  	[tilespmem:v1+s31+$0x0] =	vst.idx.add.f32.msk vm0, v0  }
0x9a: {  	_ =	swait.ge [sflag:s0], $0x1400  }
0x9b: {  	[sflag:s0] =	ssyncset.done $0x0  }
0x9c: {  	[sflag:s0] =	ssyncadd.s32 $0xFFFFEC00  }
0x9d: {  	_ =	swait.ge [sflag:s8], $0x100  }
0x9e: {  	s5 =	simm.s32 $0x500;
	[sflag:s8] =	ssyncset.done $0x0  }
0x9f: {  	s17 =	sshrl.u32 s7, $0x3;
	s16 =	rddreg [dreg:$0x4];
	[sflag:s8] =	ssyncadd.s32 $0xFFFFFF00  }
0xa0: {  	[tilespmem:s11], [sflag:$0x9] =	stream.indirect.gather [hbm4b:s1+s26], $0x80, s5, s26, $0xb8;
	[tilespmem:$0x1AA00] =	vst v63  }
0xa1: {  	s5 =	sadd.s32 s16, s17  }
0xa2: {  	[tilespmem:s4], [sflag:$0x1] =	stream.linear.gather [hbm4b:s5+s4], $0x100, $0x38;
	[tilespmem:$0x1AA00] =	vst v63  }
0xa3: {  	_ =	swait.ge [sflag:s13], $0x1400  }
0xa4: {  	[sflag:s13] =	ssyncset.done $0x0  }
0xa5: {  	s19 =	simm.s32 $0x480;
	[sflag:s13] =	ssyncadd.s32 $0xFFFFEC00  }
0xa6: {  	[spmem:s2] =	stream.indirect.scatter.add.f32 [tilespmem:s30], [sflag:$0xB], $0x80, s19, s26, $0xb8;
	[tilespmem:$0x1AA00] =	vst v63  }
0xa7: {  	v1 =	vld [tilespmem:$0x480];
	_ =	sdelay $0x7  }
0xa8: {  	[tilespmem:v1+s31+$0x0] =	vst.idx.add.f32.msk $0xffff, v0  }
0xa9: {  	v1 =	vld [tilespmem:$0x490];
	_ =	sdelay $0x7  }
0xaa: {  	[tilespmem:v1+s31+$0x0] =	vst.idx.add.f32.msk $0xffff, v0  }
0xab: {  	v1 =	vld [tilespmem:$0x498];
	_ =	sdelay $0x7  }
0xac: {  	[tilespmem:v1+s31+$0x0] =	vst.idx.add.f32.msk vm0, v0  }
0xad: {  	_ =	swait.ge [sflag:s14], $0x1400  }
0xae: {  	[sflag:s14] =	ssyncset.done $0x0  }
0xaf: {  	[sflag:s14] =	ssyncadd.s32 $0xFFFFEC00  }
0xb0: {  	_ =	swait.ge [sflag:s25], $0x100  }
0xb1: {  	[sflag:s25] =	ssyncset.done $0x0  }
0xb2: {  	s16 =	rddreg [dreg:$0x10];
	[sflag:s25] =	ssyncadd.s32 $0xFFFFFF00  }
0xb3: {  	[tilespmem:s28], [sflag:$0x7] =	stream.indirect.gather [hbm4b:s1+s26], $0x80, s4, s26, $0xb8;
	[tilespmem:$0x1AA00] =	vst v63  }
0xb4: {  	s5 =	sadd.s32 s18, s16  }
0xb5: {  	[tilespmem:s23], [sflag:$0x2] =	stream.linear.gather [hbm4b:s5+s4], $0x100, $0x38;
	[tilespmem:$0x1AA00] =	vst v63  }
0xb6: {  	_ =	swait.ge [sflag:s9], $0x1400  }
0xb7: {  	[sflag:s9] =	ssyncset.done $0x0  }
0xb8: {  	s17 =	simm.s32 $0x580;
	[sflag:s9] =	ssyncadd.s32 $0xFFFFEC00  }
0xb9: {  	[spmem:s2] =	stream.indirect.scatter.add.f32 [tilespmem:s11], [sflag:$0xC], $0x80, s17, s26, $0xb8;
	[tilespmem:$0x1AA00] =	vst v63  }
0xba: {  	v1 =	vld [tilespmem:$0x580];
	_ =	sdelay $0x7  }
0xbb: {  	[tilespmem:v1+s31+$0x0] =	vst.idx.add.f32.msk $0xffff, v0  }
0xbc: {  	v1 =	vld [tilespmem:$0x590];
	_ =	sdelay $0x7  }
0xbd: {  	[tilespmem:v1+s31+$0x0] =	vst.idx.add.f32.msk $0xffff, v0  }
0xbe: {  	v1 =	vld [tilespmem:$0x598];
	_ =	sdelay $0x7  }
0xbf: {  	[tilespmem:v1+s31+$0x0] =	vst.idx.add.f32.msk vm0, v0  }
0xc0: {  	_ =	swait.ge [sflag:s3], $0x1400  }
0xc1: {  	[sflag:s3] =	ssyncset.done $0x0  }
0xc2: {  	[sflag:s3] =	ssyncadd.s32 $0xFFFFEC00  }
0xc3: {  	_ =	swait.ge [sflag:s29], $0x100  }
.Ltmp3:
0xc4: {  	[sflag:s29] =	ssyncset.done $0x0;
	(pc) =	sbr.rel .LBB2_2-.Ltmp3, $4  }
0xc5: {  	s22 =	sadd.s32 $0x6, s22;
	s19 =	rddreg [dreg:$0xf];
	[sflag:s29] =	ssyncadd.s32 $0xFFFFFF00  }
0xc6: {  	[tilespmem:s30], [sflag:$0x8] =	stream.indirect.gather [hbm4b:s1+s26], $0x80, s23, s26, $0xb8;
	[tilespmem:$0x1AA00] =	vst v63  }
0xc7: {  	s7 =	sadd.s32 $0x600, s7;
	s5 =	sadd.s32 s18, s19;
	s18 =	sadd.s32 $0xC0, s18  }
0xc8: {  	[tilespmem:s24], [sflag:$0x3] =	stream.linear.gather [hbm4b:s5+s4], $0x100, $0x38;
	[tilespmem:$0x1AA00] =	vst v63  }
.LBB2_5:
0xc9: {  	_ =	sfence.sel $0x180000  }
0xca: {  	[bflag:$0x0] =	sbarrier.arrive $0xFFFF  }
0xcb: {  	_ =	strace $0x90000047  }
0xcc: {  	s0 =	stileid.u32;
	[bflag:$0x2] =	sbarrier.arrive $0xFFFF  }
0xcd: {  	p0 =	sne.s32 s0, $0x0;
	s0 =	rddreg [dreg:$0x3]  }
0xce: {  	s0 =	sadd.s32 @!p0 $0x100000, s0  }
0xcf: {  	[sflag:s0] =	ssyncadd.tile.s32 @!p0 $0x1;
	_ =	shalt  }
.Lfunc_end2:
_tile_overlayer_lowered:
.L_overlay_start_2:
0xd0: {  	(tag) =	ssettag $0x2  }
0xd1: {  	s0 =	rddreg [dreg:$0x0];
	s2 =	stileid.u32  }
0xd2: {  	s1 =	rddreg [dreg:$0x1];
	p0 =	sne.s32 s2, $0x0  }
0xd3: {  	s3 =	rddreg [dreg:$0x2];
	[bflag:$0x3] =	sbarrier.arrive $0xFFFF;
	s2 =	simm.s32 @!p0 $0x1C0E  }
0xd4: {  	[timem:s3], [sflag:s2] =	dma.local @!p0 [hbm:s0], s1  }
0xd5: {  	s0 =	simm.s32 @!p0 $0xE  }
0xd6: {  	_ =	swait.ge @!p0 [sflag:s0], s1  }
0xd7: {  	s1 =	ssub.s32 @!p0 $0x0, s1;
	[sflag:s0] =	ssyncset.done @!p0 $0x0  }
0xd8: {  	[sflag:s0] =	ssyncadd.s32 @!p0 s1  }
0xd9: {  	[bflag:$0x3] =	sbarrier.arrive $0xFFFF  }
0xda: {  	_ =	shalt  }

</sc_bundles>
